<compile_context>
chip_gen: v7x
topology: tpu7x:2x2x1
jax: 0.10.2.dev20260603
libtpu: 0.0.44.dev20260713+nightly
codegen_flags: <defaults>
</compile_context>

<pallas_src>
import functools

import jax
import jax.numpy as jnp
import numpy as np
from jax import lax
from jax.experimental import pallas as pl
from jax.experimental.pallas import tpu as pltpu
from jax.experimental.pallas import tpu_sc as plsc

B, S, N, LC = 4, 128, 256, 5
P = LC * (LC + 1) // 2

_NC, _NS, _L = 1, 16, 16
_NW = _NC * _NS
_TOT = B * LC * N
_PER_W = _TOT // _NW
_CHUNKS = _PER_W // _L


_OFF_B = 16
_OFF_LW = 32
_OFF_LB = 32 + P * N
_OFF_LC = 32 + 2 * P * N
_FPACK = _OFF_LC + B * N


def _sc_build_tables(f_hbm,
                     w_out,
                     f_v, wv, sem):
    wid = lax.axis_index("s") * _NC + lax.axis_index("c")
    pltpu.async_copy(f_hbm, f_v, sem).wait()
    for j in range(_CHUNKS):
        sl = pl.ds(j * _L, _L)
        t = wid * _PER_W + j * _L + lax.iota(jnp.int32, _L)
        ivec = t & (N - 1)
        cvec = (lax.shift_right_logical(t, 8)) % LC
        lcidx = (t // (LC * N)) * N + ivec
        lcv = plsc.bitcast(plsc.load_gather(f_v, [lcidx + _OFF_LC]),
                           jnp.int32)
        id1 = jnp.maximum(lcv, cvec)
        id2 = jnp.minimum(lcv, cvec)
        kk = lax.shift_right_logical(id1 * (id1 + 1), 1) + id2
        kbase = kk * N + ivec
        aval = plsc.load_gather(f_v, [kk])
        bval = plsc.load_gather(f_v, [kk + _OFF_B])
        lwv = plsc.load_gather(f_v, [kbase + _OFF_LW])
        lbv = plsc.load_gather(f_v, [kbase + _OFF_LB])
        wv[sl] = aval * lwv
        wv[pl.ds(_PER_W + j * _L, _L)] = aval * lbv + bval
    pltpu.async_copy(wv, w_out.at[wid], sem).wait()


_sc_call = functools.partial(
    pl.kernel,
    mesh=plsc.VectorSubcoreMesh(core_axis_name="c", subcore_axis_name="s",
                                num_cores=_NC, num_subcores=_NS),
    compiler_params=pltpu.CompilerParams(needs_layout_passes=False,
                                         disable_bounds_checks=True),
    out_type=jax.ShapeDtypeStruct((_NW, 2 * _PER_W), jnp.float32),
    scratch_types=[pltpu.VMEM((_FPACK,), jnp.float32),
                   pltpu.VMEM((2 * _PER_W,), jnp.float32),
                   pltpu.SemaphoreType.DMA],
)(_sc_build_tables)


def _unpack_rows(pk_ref, b, off):
    rows = []
    for c in range(LC):
        o0 = b * LC * N + c * N
        r, c0 = o0 // _PER_W, o0 % _PER_W
        take = min(_PER_W - c0, N)
        parts = [pk_ref[r:r + 1, off + c0:off + c0 + take]]
        if take < N:
            parts.append(pk_ref[r + 1:r + 2, off:off + N - take])
        rows.append(jnp.concatenate(parts, axis=1) if len(parts) > 1
                    else parts[0])
    return jnp.concatenate(rows, axis=0)


def _tc_fused(x_ref, pk_ref, lc_ref, w2_ref,
              g1_ref, b1_ref, g2_ref, b2_ref, out_ref):
    f32 = jnp.float32
    x = x_ref[:]
    dn = (((1,), (1,)), ((), ()))
    hs = []
    s1 = jnp.zeros((1, N), dtype=f32)
    for b in range(B):
        lcr = lc_ref[b:b + 1, :]
        cio = lax.broadcasted_iota(jnp.int32, (LC, N), 0)
        lcb = jnp.broadcast_to(lcr, (LC, N))
        W = _unpack_rows(pk_ref, b, 0)
        AB = _unpack_rows(pk_ref, b, _PER_W)
        onesN = jnp.ones((N, 1), dtype=f32)
        Cb = lax.dot_general(AB, onesN, (((1,), (0,)), ((), ())),
                             preferred_element_type=f32)
        H = lax.dot_general(x[b], W, dn, precision=lax.Precision.HIGHEST,
                            preferred_element_type=f32)
        O = (cio == lcb).astype(f32)
        CbO = lax.dot_general(Cb, O, (((0,), (0,)), ((), ())),
                              preferred_element_type=f32)
        hb = lax.dot_general(H, O, (((1,), (0,)), ((), ())),
                             precision=lax.Precision.HIGHEST,
                             preferred_element_type=f32) + CbO
        hs.append(hb)
        s1 = s1 + jnp.sum(hb, axis=0, keepdims=True)

    inv_bs = 1.0 / (B * S)
    mean1 = s1 * inv_bs
    ss = jnp.zeros((1, N), dtype=f32)
    for b in range(B):
        d = hs[b] - mean1
        ss = ss + jnp.sum(d * d, axis=0, keepdims=True)
    rstd1 = lax.rsqrt(ss * inv_bs + 1e-5)
    scale1 = rstd1 * g1_ref[:]
    shift1 = b1_ref[:] - mean1 * scale1

    obs = []
    s2 = jnp.zeros((S, 1), dtype=f32)
    w2 = w2_ref[:]
    for b in range(B):
        g = jnp.maximum(hs[b] * scale1 + shift1 + x[b], 0.0)
        ob = lax.dot_general(w2, g, (((1,), (0,)), ((), ())),
                             precision=lax.Precision.HIGHEST,
                             preferred_element_type=f32)
        obs.append(ob)
        s2 = s2 + jnp.sum(ob, axis=1, keepdims=True)

    inv_bn = 1.0 / (B * N)
    mean2 = s2 * inv_bn
    ss2 = jnp.zeros((S, 1), dtype=f32)
    for b in range(B):
        d = obs[b] - mean2
        ss2 = ss2 + jnp.sum(d * d, axis=1, keepdims=True)
    rstd2 = lax.rsqrt(ss2 * inv_bn + 1e-5)
    scale2 = rstd2 * g2_ref[:]
    shift2 = b2_ref[:] - mean2 * scale2
    for b in range(B):
        out_ref[b] = obs[b] * scale2 + shift2


def kernel(x, lc, edgeCalPara, lcconv_w, lcconv_b, conv2_w,
           bn1_gamma, bn1_beta, bn2_gamma, bn2_beta):
    a_vec = jnp.pad(edgeCalPara[0, :, 0], (0, 16 - P))
    b_vec = jnp.pad(edgeCalPara[1, :, 0], (0, 16 - P))
    fpack = jnp.concatenate([a_vec, b_vec, lcconv_w.reshape(P * N),
                             lcconv_b.reshape(P * N),
                             lax.bitcast_convert_type(lc.reshape(B * N),
                                                      jnp.float32)])
    packed = _sc_call(fpack)
    out = pl.pallas_call(
        _tc_fused,
        out_shape=jax.ShapeDtypeStruct((B, S, N), jnp.float32),
    )(x, packed, lc, conv2_w,
      bn1_gamma.reshape(1, N), bn1_beta.reshape(1, N),
      bn2_gamma.reshape(S, 1), bn2_beta.reshape(S, 1))
    return (out, lc)

# --- scband reference (transcript-rebuilt; emitter-appended) ---
"""Pipeline reference for scband-inter-gcn-37967510897447 (READ-ONLY COPY).

The authoritative reference and input builder live on the scoring server;
editing this copy changes nothing except your own understanding.
"""

import jax, jax.numpy as jnp
import numpy as np

B, S, N, LC = 4, 128, 256, 5
P = LC * (LC + 1) // 2  # 15 meta-path parameters


def setup_inputs(seed: int = 0) -> dict:
    key = jax.random.key(seed)
    ks = jax.random.split(key, 6)
    x = jax.random.normal(ks[0], (B, S, N), dtype=jnp.float32)
    lc = jax.random.randint(ks[1], (B, N), 0, LC, dtype=jnp.int32)
    # edgeCalPara: (2, P, 1); row 0 xavier-like, row 1 zeros (init.constant_(..., 0))
    a_p = jax.random.normal(ks[2], (P, 1), dtype=jnp.float32) * (6.0 / (P + 1)) ** 0.5
    b_p = jnp.zeros((P, 1), dtype=jnp.float32)
    edgeCalPara = jnp.stack([a_p, b_p], axis=0)  # (2, P, 1)
    # P grouped Conv1d(num_node, num_node, k=1, groups=num_node) -> per-node scale + bias
    lcconv_w = jax.random.normal(ks[3], (P, N), dtype=jnp.float32) * 0.5
    lcconv_b = jax.random.normal(ks[4], (P, N), dtype=jnp.float32) * 0.1
    # conv2: Conv1d(num_state, num_state, k=1, bias=False) -> (S, S) matrix
    conv2_w = jax.random.normal(ks[5], (S, S), dtype=jnp.float32) * (1.0 / S) ** 0.5
    bn1_gamma = jnp.ones((N,), dtype=jnp.float32)
    bn1_beta = jnp.zeros((N,), dtype=jnp.float32)
    bn2_gamma = jnp.ones((S,), dtype=jnp.float32)
    bn2_beta = jnp.zeros((S,), dtype=jnp.float32)
    return {"x": x, "lc": lc, "edgeCalPara": edgeCalPara, "lcconv_w": lcconv_w,
            "lcconv_b": lcconv_b, "conv2_w": conv2_w, "bn1_gamma": bn1_gamma,
            "bn1_beta": bn1_beta, "bn2_gamma": bn2_gamma, "bn2_beta": bn2_beta}


def _batchnorm(h, gamma, beta):
    # training-mode BatchNorm1d over (B, C, L): stats over (B, L) per channel
    mean = jnp.mean(h, axis=(0, 2), keepdims=True)
    var = jnp.var(h, axis=(0, 2), keepdims=True)
    return (h - mean) / jnp.sqrt(var + 1e-5) * gamma[None, :, None] + beta[None, :, None]


def reference(x, lc, edgeCalPara, lcconv_w, lcconv_b, conv2_w,
              bn1_gamma, bn1_beta, bn2_gamma, bn2_beta):
    # x: (B, S, N) -> permute to (B, N, S)
    xp = jnp.transpose(x, (0, 2, 1))
    # P grouped 1x1 convs stacked on dim 2 -> (B, N, P, S)
    x_list = xp[:, :, None, :] * lcconv_w.T[None, :, :, None] + lcconv_b.T[None, :, :, None]
    x_flat = x_list.reshape(B, N * P, S)
    offset = (jnp.arange(N, dtype=jnp.int32) * P)[:, None]  # (N, 1)

    def per_batch(lcb, xfb):
        t1 = jnp.broadcast_to(lcb[None, :], (N, N))  # expandAndRepeat(lc, 0, N)
        t2 = jnp.broadcast_to(lcb[:, None], (N, N))  # expandAndRepeat(lc, 1, N)
        id1 = jnp.maximum(t1, t2)
        id2 = jnp.minimum(t1, t2)
        kj = (id1 * (id1 + 1)) // 2 + id2  # (N, N) int, values in [0, P)
        a = edgeCalPara[0, kj, 0][:, :, None]  # (N, N, 1) -> broadcast over S
        bb = edgeCalPara[1, kj, 0][:, :, None]
        kj2 = kj + offset  # per-row offset into flattened (N*P) dim
        gathered = xfb[kj2]  # (N, N, S) gather -- memory bound
        return jnp.sum(a * gathered + bb, axis=0)  # (N, S)

    h = jax.vmap(per_batch)(lc, x_flat)  # (B, N, S)
    h = _batchnorm(h, bn1_gamma, bn1_beta)
    h = h + xp
    h = jax.nn.relu(jnp.transpose(h, (0, 2, 1)))  # (B, S, N)
    h = jnp.einsum('oi,bin->bon', conv2_w, h)  # 1x1 conv over state channels
    h = _batchnorm(h, bn2_gamma, bn2_beta)
    return (h, lc)

if __name__ == "__main__":
    import jax
    _d = setup_inputs()
    print(jax.jit(kernel)(*tuple(_d.values())))

</pallas_src>

<mosaic_0001>
#map = affine_map<(d0, d1) -> (0)>
#map1 = affine_map<(d0, d1) -> (0, 0)>
module attributes {stable_mosaic.version = 14 : i64} {
  func.func @_sc_build_tables(%arg0: i32, %arg1: i32, %arg2: memref<8736xf32, #tpu.memory_space<hbm>>, %arg3: memref<16x640xf32, #tpu.memory_space<hbm>>, %arg4: memref<8736xf32, #tpu.memory_space<vmem>>, %arg5: memref<640xf32, #tpu.memory_space<vmem>>, %arg6: memref<!tpu.dma_semaphore, #tpu.memory_space<semaphore_mem>>) attributes {dimension_semantics = [#tpu.dimension_semantics<core_parallel>, #tpu.dimension_semantics<subcore_parallel>], iteration_bounds = array<i64: 1, 16>, scalar_prefetch = 0 : i64, scratch_operands = 3 : i64, tpu.core_type = #tpu.core_type<sc_vector_subcore>, window_params = [{transform_indices = #map}, {transform_indices = #map1}]} {
    %mul3A = arith.constant 1 : i32
    %mul3A_0 = arith.muli %arg1, %mul3A : i32
    %add3A = arith.addi %mul3A_0, %arg0 : i32
    tpu.enqueue_dma source(%arg2 : memref<8736xf32, #tpu.memory_space<hbm>>) target(%arg4 : memref<8736xf32, #tpu.memory_space<vmem>>) target_semaphore(%arg6 : memref<!tpu.dma_semaphore, #tpu.memory_space<semaphore_mem>>)
    tpu.wait_dma2 semaphore(%arg6 : memref<!tpu.dma_semaphore, #tpu.memory_space<semaphore_mem>>) src(%arg2 : memref<8736xf32, #tpu.memory_space<hbm>>) dst(%arg4 : memref<8736xf32, #tpu.memory_space<vmem>>)
    %mul3A_1 = arith.constant 320 : i32
    %mul3A_2 = arith.muli %add3A, %mul3A_1 : i32
    %add3A_3 = arith.constant 0 : i32
    %add3A_4 = arith.addi %mul3A_2, %add3A_3 : i32
    %iota3A = tpu.iota {dimensions = array<i32: 0>} : vector<16xi32>
    %add3A_5 = vector.broadcast %add3A_4 : i32 to vector<16xi32>
    %add3A_6 = arith.addi %add3A_5, %iota3A : vector<16xi32>
    %and3A = arith.constant 255 : i32
    %and3A_7 = vector.broadcast %and3A : i32 to vector<16xi32>
    %and3A_8 = arith.andi %add3A_6, %and3A_7 : vector<16xi32>
    %shift_right_logical3A = arith.constant 8 : i32
    %shift_right_logical3A_9 = vector.broadcast %shift_right_logical3A : i32 to vector<16xi32>
    %shift_right_logical3A_10 = arith.shrui %add3A_6, %shift_right_logical3A_9 : vector<16xi32>
    %jit3A = arith.constant 5 : i32
    %eq3A = arith.constant 0 : i32
    %eq3A_11 = arith.cmpi eq, %jit3A, %eq3A : i32
    %jit3A_12 = arith.constant 1 : i32
    %select_n3A = arith.select %eq3A_11, %jit3A_12, %jit3A : i32
    %rem3A = vector.broadcast %select_n3A : i32 to vector<16xi32>
    %rem3A_13 = arith.remsi %shift_right_logical3A_10, %rem3A : vector<16xi32>
    %ne3A = arith.constant 0 : i32
    %ne3A_14 = vector.broadcast %ne3A : i32 to vector<16xi32>
    %ne3A_15 = arith.cmpi ne, %rem3A_13, %ne3A_14 : vector<16xi32>
    %lt3A = arith.constant 0 : i32
    %lt3A_16 = vector.broadcast %lt3A : i32 to vector<16xi32>
    %lt3A_17 = arith.cmpi slt, %rem3A_13, %lt3A_16 : vector<16xi32>
    %lt3A_18 = arith.constant 0 : i32
    %lt3A_19 = arith.cmpi slt, %select_n3A, %lt3A_18 : i32
    %ne3A_20 = vector.broadcast %lt3A_19 : i1 to vector<16xi1>
    %ne3A_21 = vector.broadcast %ne3A_20 : vector<16xi1> to vector<16xi1>
    %ne3A_22 = arith.xori %lt3A_17, %ne3A_21 : vector<16xi1>
    %and3A_23 = arith.andi %ne3A_22, %ne3A_15 : vector<16xi1>
    %add3A_24 = vector.broadcast %select_n3A : i32 to vector<16xi32>
    %add3A_25 = arith.addi %rem3A_13, %add3A_24 : vector<16xi32>
    %select_n3A_26 = arith.select %and3A_23, %add3A_25, %rem3A_13 : vector<16xi1>, vector<16xi32>
    %jit3A_27 = arith.constant 1280 : i32
    %div3A = vector.broadcast %jit3A_27 : i32 to vector<16xi32>
    %div3A_28 = arith.divsi %add3A_6, %div3A : vector<16xi32>
    %sign3A = arith.constant 0 : i32
    %sign3A_29 = vector.broadcast %sign3A : i32 to vector<16xi32>
    %sign3A_30 = arith.cmpi sgt, %add3A_6, %sign3A_29 : vector<16xi32>
    %sign3A_31 = arith.extui %sign3A_30 : vector<16xi1> to vector<16xi32>
    %sign3A_32 = arith.constant 0 : i32
    %sign3A_33 = vector.broadcast %sign3A_32 : i32 to vector<16xi32>
    %sign3A_34 = arith.cmpi slt, %add3A_6, %sign3A_33 : vector<16xi32>
    %sign3A_35 = arith.extui %sign3A_34 : vector<16xi1> to vector<16xi32>
    %sign3A_36 = arith.subi %sign3A_31, %sign3A_35 : vector<16xi32>
    %sign3A_37 = arith.constant 0 : i32
    %sign3A_38 = arith.cmpi sgt, %jit3A_27, %sign3A_37 : i32
    %sign3A_39 = arith.extui %sign3A_38 : i1 to i32
    %sign3A_40 = arith.constant 0 : i32
    %sign3A_41 = arith.cmpi slt, %jit3A_27, %sign3A_40 : i32
    %sign3A_42 = arith.extui %sign3A_41 : i1 to i32
    %sign3A_43 = arith.subi %sign3A_39, %sign3A_42 : i32
    %ne3A_44 = vector.broadcast %sign3A_43 : i32 to vector<16xi32>
    %ne3A_45 = arith.cmpi ne, %sign3A_36, %ne3A_44 : vector<16xi32>
    %rem3A_46 = vector.broadcast %jit3A_27 : i32 to vector<16xi32>
    %rem3A_47 = arith.remsi %add3A_6, %rem3A_46 : vector<16xi32>
    %ne3A_48 = arith.constant 0 : i32
    %ne3A_49 = vector.broadcast %ne3A_48 : i32 to vector<16xi32>
    %ne3A_50 = arith.cmpi ne, %rem3A_47, %ne3A_49 : vector<16xi32>
    %and3A_51 = arith.andi %ne3A_45, %ne3A_50 : vector<16xi1>
    %sub3A = arith.constant 1 : i32
    %sub3A_52 = vector.broadcast %sub3A : i32 to vector<16xi32>
    %sub3A_53 = arith.subi %div3A_28, %sub3A_52 : vector<16xi32>
    %select_n3A_54 = arith.select %and3A_51, %sub3A_53, %div3A_28 : vector<16xi1>, vector<16xi32>
    %mul3A_55 = arith.constant 256 : i32
    %mul3A_56 = vector.broadcast %mul3A_55 : i32 to vector<16xi32>
    %mul3A_57 = arith.muli %select_n3A_54, %mul3A_56 : vector<16xi32>
    %add3A_58 = arith.addi %mul3A_57, %and3A_8 : vector<16xi32>
    %add3A_59 = arith.constant 7712 : i32
    %add3A_60 = vector.broadcast %add3A_59 : i32 to vector<16xi32>
    %add3A_61 = arith.addi %add3A_58, %add3A_60 : vector<16xi32>
    %gather3A = tpu.vector_load_idx %arg4[%add3A_61] : memref<8736xf32, #tpu.memory_space<vmem>>[vector<16xi32>], vector<16xf32>,
    %bitcast3A = vector.bitcast %gather3A : vector<16xf32> to vector<16xi32>
    %max3A = arith.maxsi %bitcast3A, %select_n3A_26 : vector<16xi32>
    %min3A = arith.minsi %bitcast3A, %select_n3A_26 : vector<16xi32>
    %add3A_62 = arith.constant 1 : i32
    %add3A_63 = vector.broadcast %add3A_62 : i32 to vector<16xi32>
    %add3A_64 = arith.addi %max3A, %add3A_63 : vector<16xi32>
    %mul3A_65 = arith.muli %max3A, %add3A_64 : vector<16xi32>
    %shift_right_logical3A_66 = arith.constant 1 : i32
    %shift_right_logical3A_67 = vector.broadcast %shift_right_logical3A_66 : i32 to vector<16xi32>
    %shift_right_logical3A_68 = arith.shrui %mul3A_65, %shift_right_logical3A_67 : vector<16xi32>
    %add3A_69 = arith.addi %shift_right_logical3A_68, %min3A : vector<16xi32>
    %mul3A_70 = arith.constant 256 : i32
    %mul3A_71 = vector.broadcast %mul3A_70 : i32 to vector<16xi32>
    %mul3A_72 = arith.muli %add3A_69, %mul3A_71 : vector<16xi32>
    %add3A_73 = arith.addi %mul3A_72, %and3A_8 : vector<16xi32>
    %gather3A_74 = tpu.vector_load_idx %arg4[%add3A_69] : memref<8736xf32, #tpu.memory_space<vmem>>[vector<16xi32>], vector<16xf32>,
    %add3A_75 = arith.constant 16 : i32
    %add3A_76 = vector.broadcast %add3A_75 : i32 to vector<16xi32>
    %add3A_77 = arith.addi %add3A_69, %add3A_76 : vector<16xi32>
    %gather3A_78 = tpu.vector_load_idx %arg4[%add3A_77] : memref<8736xf32, #tpu.memory_space<vmem>>[vector<16xi32>], vector<16xf32>,
    %add3A_79 = arith.constant 32 : i32
    %add3A_80 = vector.broadcast %add3A_79 : i32 to vector<16xi32>
    %add3A_81 = arith.addi %add3A_73, %add3A_80 : vector<16xi32>
    %gather3A_82 = tpu.vector_load_idx %arg4[%add3A_81] : memref<8736xf32, #tpu.memory_space<vmem>>[vector<16xi32>], vector<16xf32>,
    %add3A_83 = arith.constant 3872 : i32
    %add3A_84 = vector.broadcast %add3A_83 : i32 to vector<16xi32>
    %add3A_85 = arith.addi %add3A_73, %add3A_84 : vector<16xi32>
    %gather3A_86 = tpu.vector_load_idx %arg4[%add3A_85] : memref<8736xf32, #tpu.memory_space<vmem>>[vector<16xi32>], vector<16xf32>,
    %mul3A_87 = arith.mulf %gather3A_74, %gather3A_82 : vector<16xf32>
    %swap3A = arith.constant 0 : index
    %swap3A_88 = tpu.vector_load %arg5[%swap3A] {strides = array<i32>} : memref<640xf32, #tpu.memory_space<vmem>>, vector<16xf32>,
    tpu.vector_store %arg5[%swap3A], %mul3A_87 {strides = array<i32>} : memref<640xf32, #tpu.memory_space<vmem>>, vector<16xf32>,
    %mul3A_89 = arith.mulf %gather3A_74, %gather3A_86 : vector<16xf32>
    %add3A_90 = arith.addf %mul3A_89, %gather3A_78 : vector<16xf32>
    %swap3A_91 = arith.constant 320 : index
    %swap3A_92 = tpu.vector_load %arg5[%swap3A_91] {strides = array<i32>} : memref<640xf32, #tpu.memory_space<vmem>>, vector<16xf32>,
    tpu.vector_store %arg5[%swap3A_91], %add3A_90 {strides = array<i32>} : memref<640xf32, #tpu.memory_space<vmem>>, vector<16xf32>,
    %mul3A_93 = arith.constant 320 : i32
    %mul3A_94 = arith.muli %add3A, %mul3A_93 : i32
    %add3A_95 = arith.constant 16 : i32
    %add3A_96 = arith.addi %mul3A_94, %add3A_95 : i32
    %iota3A_97 = tpu.iota {dimensions = array<i32: 0>} : vector<16xi32>
    %add3A_98 = vector.broadcast %add3A_96 : i32 to vector<16xi32>
    %add3A_99 = arith.addi %add3A_98, %iota3A_97 : vector<16xi32>
    %and3A_100 = arith.constant 255 : i32
    %and3A_101 = vector.broadcast %and3A_100 : i32 to vector<16xi32>
    %and3A_102 = arith.andi %add3A_99, %and3A_101 : vector<16xi32>
    %shift_right_logical3A_103 = arith.constant 8 : i32
    %shift_right_logical3A_104 = vector.broadcast %shift_right_logical3A_103 : i32 to vector<16xi32>
    %shift_right_logical3A_105 = arith.shrui %add3A_99, %shift_right_logical3A_104 : vector<16xi32>
    %jit3A_106 = arith.constant 5 : i32
    %eq3A_107 = arith.constant 0 : i32
    %eq3A_108 = arith.cmpi eq, %jit3A_106, %eq3A_107 : i32
    %jit3A_109 = arith.constant 1 : i32
    %select_n3A_110 = arith.select %eq3A_108, %jit3A_109, %jit3A_106 : i32
    %rem3A_111 = vector.broadcast %select_n3A_110 : i32 to vector<16xi32>
    %rem3A_112 = arith.remsi %shift_right_logical3A_105, %rem3A_111 : vector<16xi32>
    %ne3A_113 = arith.constant 0 : i32
    %ne3A_114 = vector.broadcast %ne3A_113 : i32 to vector<16xi32>
    %ne3A_115 = arith.cmpi ne, %rem3A_112, %ne3A_114 : vector<16xi32>
    %lt3A_116 = arith.constant 0 : i32
    %lt3A_117 = vector.broadcast %lt3A_116 : i32 to vector<16xi32>
    %lt3A_118 = arith.cmpi slt, %rem3A_112, %lt3A_117 : vector<16xi32>
    %lt3A_119 = arith.constant 0 : i32
    %lt3A_120 = arith.cmpi slt, %select_n3A_110, %lt3A_119 : i32
    %ne3A_121 = vector.broadcast %lt3A_120 : i1 to vector<16xi1>
    %ne3A_122 = vector.broadcast %ne3A_121 : vector<16xi1> to vector<16xi1>
    %ne3A_123 = arith.xori %lt3A_118, %ne3A_122 : vector<16xi1>
    %and3A_124 = arith.andi %ne3A_123, %ne3A_115 : vector<16xi1>
    %add3A_125 = vector.broadcast %select_n3A_110 : i32 to vector<16xi32>
    %add3A_126 = arith.addi %rem3A_112, %add3A_125 : vector<16xi32>
    %select_n3A_127 = arith.select %and3A_124, %add3A_126, %rem3A_112 : vector<16xi1>, vector<16xi32>
    %jit3A_128 = arith.constant 1280 : i32
    %div3A_129 = vector.broadcast %jit3A_128 : i32 to vector<16xi32>
    %div3A_130 = arith.divsi %add3A_99, %div3A_129 : vector<16xi32>
    %sign3A_131 = arith.constant 0 : i32
    %sign3A_132 = vector.broadcast %sign3A_131 : i32 to vector<16xi32>
    %sign3A_133 = arith.cmpi sgt, %add3A_99, %sign3A_132 : vector<16xi32>
    %sign3A_134 = arith.extui %sign3A_133 : vector<16xi1> to vector<16xi32>
    %sign3A_135 = arith.constant 0 : i32
    %sign3A_136 = vector.broadcast %sign3A_135 : i32 to vector<16xi32>
    %sign3A_137 = arith.cmpi slt, %add3A_99, %sign3A_136 : vector<16xi32>
    %sign3A_138 = arith.extui %sign3A_137 : vector<16xi1> to vector<16xi32>
    %sign3A_139 = arith.subi %sign3A_134, %sign3A_138 : vector<16xi32>
    %sign3A_140 = arith.constant 0 : i32
    %sign3A_141 = arith.cmpi sgt, %jit3A_128, %sign3A_140 : i32
    %sign3A_142 = arith.extui %sign3A_141 : i1 to i32
    %sign3A_143 = arith.constant 0 : i32
    %sign3A_144 = arith.cmpi slt, %jit3A_128, %sign3A_143 : i32
    %sign3A_145 = arith.extui %sign3A_144 : i1 to i32
    %sign3A_146 = arith.subi %sign3A_142, %sign3A_145 : i32
    %ne3A_147 = vector.broadcast %sign3A_146 : i32 to vector<16xi32>
    %ne3A_148 = arith.cmpi ne, %sign3A_139, %ne3A_147 : vector<16xi32>
    %rem3A_149 = vector.broadcast %jit3A_128 : i32 to vector<16xi32>
    %rem3A_150 = arith.remsi %add3A_99, %rem3A_149 : vector<16xi32>
    %ne3A_151 = arith.constant 0 : i32
    %ne3A_152 = vector.broadcast %ne3A_151 : i32 to vector<16xi32>
    %ne3A_153 = arith.cmpi ne, %rem3A_150, %ne3A_152 : vector<16xi32>
    %and3A_154 = arith.andi %ne3A_148, %ne3A_153 : vector<16xi1>
    %sub3A_155 = arith.constant 1 : i32
    %sub3A_156 = vector.broadcast %sub3A_155 : i32 to vector<16xi32>
    %sub3A_157 = arith.subi %div3A_130, %sub3A_156 : vector<16xi32>
    %select_n3A_158 = arith.select %and3A_154, %sub3A_157, %div3A_130 : vector<16xi1>, vector<16xi32>
    %mul3A_159 = arith.constant 256 : i32
    %mul3A_160 = vector.broadcast %mul3A_159 : i32 to vector<16xi32>
    %mul3A_161 = arith.muli %select_n3A_158, %mul3A_160 : vector<16xi32>
    %add3A_162 = arith.addi %mul3A_161, %and3A_102 : vector<16xi32>
    %add3A_163 = arith.constant 7712 : i32
    %add3A_164 = vector.broadcast %add3A_163 : i32 to vector<16xi32>
    %add3A_165 = arith.addi %add3A_162, %add3A_164 : vector<16xi32>
    %gather3A_166 = tpu.vector_load_idx %arg4[%add3A_165] : memref<8736xf32, #tpu.memory_space<vmem>>[vector<16xi32>], vector<16xf32>,
    %bitcast3A_167 = vector.bitcast %gather3A_166 : vector<16xf32> to vector<16xi32>
    %max3A_168 = arith.maxsi %bitcast3A_167, %select_n3A_127 : vector<16xi32>
    %min3A_169 = arith.minsi %bitcast3A_167, %select_n3A_127 : vector<16xi32>
    %add3A_170 = arith.constant 1 : i32
    %add3A_171 = vector.broadcast %add3A_170 : i32 to vector<16xi32>
    %add3A_172 = arith.addi %max3A_168, %add3A_171 : vector<16xi32>
    %mul3A_173 = arith.muli %max3A_168, %add3A_172 : vector<16xi32>
    %shift_right_logical3A_174 = arith.constant 1 : i32
    %shift_right_logical3A_175 = vector.broadcast %shift_right_logical3A_174 : i32 to vector<16xi32>
    %shift_right_logical3A_176 = arith.shrui %mul3A_173, %shift_right_logical3A_175 : vector<16xi32>
    %add3A_177 = arith.addi %shift_right_logical3A_176, %min3A_169 : vector<16xi32>
    %mul3A_178 = arith.constant 256 : i32
    %mul3A_179 = vector.broadcast %mul3A_178 : i32 to vector<16xi32>
    %mul3A_180 = arith.muli %add3A_177, %mul3A_179 : vector<16xi32>
    %add3A_181 = arith.addi %mul3A_180, %and3A_102 : vector<16xi32>
    %gather3A_182 = tpu.vector_load_idx %arg4[%add3A_177] : memref<8736xf32, #tpu.memory_space<vmem>>[vector<16xi32>], vector<16xf32>,
    %add3A_183 = arith.constant 16 : i32
    %add3A_184 = vector.broadcast %add3A_183 : i32 to vector<16xi32>
    %add3A_185 = arith.addi %add3A_177, %add3A_184 : vector<16xi32>
    %gather3A_186 = tpu.vector_load_idx %arg4[%add3A_185] : memref<8736xf32, #tpu.memory_space<vmem>>[vector<16xi32>], vector<16xf32>,
    %add3A_187 = arith.constant 32 : i32
    %add3A_188 = vector.broadcast %add3A_187 : i32 to vector<16xi32>
    %add3A_189 = arith.addi %add3A_181, %add3A_188 : vector<16xi32>
    %gather3A_190 = tpu.vector_load_idx %arg4[%add3A_189] : memref<8736xf32, #tpu.memory_space<vmem>>[vector<16xi32>], vector<16xf32>,
    %add3A_191 = arith.constant 3872 : i32
    %add3A_192 = vector.broadcast %add3A_191 : i32 to vector<16xi32>
    %add3A_193 = arith.addi %add3A_181, %add3A_192 : vector<16xi32>
    %gather3A_194 = tpu.vector_load_idx %arg4[%add3A_193] : memref<8736xf32, #tpu.memory_space<vmem>>[vector<16xi32>], vector<16xf32>,
    %mul3A_195 = arith.mulf %gather3A_182, %gather3A_190 : vector<16xf32>
    %swap3A_196 = arith.constant 16 : index
    %swap3A_197 = tpu.vector_load %arg5[%swap3A_196] {strides = array<i32>} : memref<640xf32, #tpu.memory_space<vmem>>, vector<16xf32>,
    tpu.vector_store %arg5[%swap3A_196], %mul3A_195 {strides = array<i32>} : memref<640xf32, #tpu.memory_space<vmem>>, vector<16xf32>,
    %mul3A_198 = arith.mulf %gather3A_182, %gather3A_194 : vector<16xf32>
    %add3A_199 = arith.addf %mul3A_198, %gather3A_186 : vector<16xf32>
    %swap3A_200 = arith.constant 336 : index
    %swap3A_201 = tpu.vector_load %arg5[%swap3A_200] {strides = array<i32>} : memref<640xf32, #tpu.memory_space<vmem>>, vector<16xf32>,
    tpu.vector_store %arg5[%swap3A_200], %add3A_199 {strides = array<i32>} : memref<640xf32, #tpu.memory_space<vmem>>, vector<16xf32>,
    %mul3A_202 = arith.constant 320 : i32
    %mul3A_203 = arith.muli %add3A, %mul3A_202 : i32
    %add3A_204 = arith.constant 32 : i32
    %add3A_205 = arith.addi %mul3A_203, %add3A_204 : i32
    %iota3A_206 = tpu.iota {dimensions = array<i32: 0>} : vector<16xi32>
    %add3A_207 = vector.broadcast %add3A_205 : i32 to vector<16xi32>
    %add3A_208 = arith.addi %add3A_207, %iota3A_206 : vector<16xi32>
    %and3A_209 = arith.constant 255 : i32
    %and3A_210 = vector.broadcast %and3A_209 : i32 to vector<16xi32>
    %and3A_211 = arith.andi %add3A_208, %and3A_210 : vector<16xi32>
    %shift_right_logical3A_212 = arith.constant 8 : i32
    %shift_right_logical3A_213 = vector.broadcast %shift_right_logical3A_212 : i32 to vector<16xi32>
    %shift_right_logical3A_214 = arith.shrui %add3A_208, %shift_right_logical3A_213 : vector<16xi32>
    %jit3A_215 = arith.constant 5 : i32
    %eq3A_216 = arith.constant 0 : i32
    %eq3A_217 = arith.cmpi eq, %jit3A_215, %eq3A_216 : i32
    %jit3A_218 = arith.constant 1 : i32
    %select_n3A_219 = arith.select %eq3A_217, %jit3A_218, %jit3A_215 : i32
    %rem3A_220 = vector.broadcast %select_n3A_219 : i32 to vector<16xi32>
    %rem3A_221 = arith.remsi %shift_right_logical3A_214, %rem3A_220 : vector<16xi32>
    %ne3A_222 = arith.constant 0 : i32
    %ne3A_223 = vector.broadcast %ne3A_222 : i32 to vector<16xi32>
    %ne3A_224 = arith.cmpi ne, %rem3A_221, %ne3A_223 : vector<16xi32>
    %lt3A_225 = arith.constant 0 : i32
    %lt3A_226 = vector.broadcast %lt3A_225 : i32 to vector<16xi32>
    %lt3A_227 = arith.cmpi slt, %rem3A_221, %lt3A_226 : vector<16xi32>
    %lt3A_228 = arith.constant 0 : i32
    %lt3A_229 = arith.cmpi slt, %select_n3A_219, %lt3A_228 : i32
    %ne3A_230 = vector.broadcast %lt3A_229 : i1 to vector<16xi1>
    %ne3A_231 = vector.broadcast %ne3A_230 : vector<16xi1> to vector<16xi1>
    %ne3A_232 = arith.xori %lt3A_227, %ne3A_231 : vector<16xi1>
    %and3A_233 = arith.andi %ne3A_232, %ne3A_224 : vector<16xi1>
    %add3A_234 = vector.broadcast %select_n3A_219 : i32 to vector<16xi32>
    %add3A_235 = arith.addi %rem3A_221, %add3A_234 : vector<16xi32>
    %select_n3A_236 = arith.select %and3A_233, %add3A_235, %rem3A_221 : vector<16xi1>, vector<16xi32>
    %jit3A_237 = arith.constant 1280 : i32
    %div3A_238 = vector.broadcast %jit3A_237 : i32 to vector<16xi32>
    %div3A_239 = arith.divsi %add3A_208, %div3A_238 : vector<16xi32>
    %sign3A_240 = arith.constant 0 : i32
    %sign3A_241 = vector.broadcast %sign3A_240 : i32 to vector<16xi32>
    %sign3A_242 = arith.cmpi sgt, %add3A_208, %sign3A_241 : vector<16xi32>
    %sign3A_243 = arith.extui %sign3A_242 : vector<16xi1> to vector<16xi32>
    %sign3A_244 = arith.constant 0 : i32
    %sign3A_245 = vector.broadcast %sign3A_244 : i32 to vector<16xi32>
    %sign3A_246 = arith.cmpi slt, %add3A_208, %sign3A_245 : vector<16xi32>
    %sign3A_247 = arith.extui %sign3A_246 : vector<16xi1> to vector<16xi32>
    %sign3A_248 = arith.subi %sign3A_243, %sign3A_247 : vector<16xi32>
    %sign3A_249 = arith.constant 0 : i32
    %sign3A_250 = arith.cmpi sgt, %jit3A_237, %sign3A_249 : i32
    %sign3A_251 = arith.extui %sign3A_250 : i1 to i32
    %sign3A_252 = arith.constant 0 : i32
    %sign3A_253 = arith.cmpi slt, %jit3A_237, %sign3A_252 : i32
    %sign3A_254 = arith.extui %sign3A_253 : i1 to i32
    %sign3A_255 = arith.subi %sign3A_251, %sign3A_254 : i32
    %ne3A_256 = vector.broadcast %sign3A_255 : i32 to vector<16xi32>
    %ne3A_257 = arith.cmpi ne, %sign3A_248, %ne3A_256 : vector<16xi32>
    %rem3A_258 = vector.broadcast %jit3A_237 : i32 to vector<16xi32>
    %rem3A_259 = arith.remsi %add3A_208, %rem3A_258 : vector<16xi32>
    %ne3A_260 = arith.constant 0 : i32
    %ne3A_261 = vector.broadcast %ne3A_260 : i32 to vector<16xi32>
    %ne3A_262 = arith.cmpi ne, %rem3A_259, %ne3A_261 : vector<16xi32>
    %and3A_263 = arith.andi %ne3A_257, %ne3A_262 : vector<16xi1>
    %sub3A_264 = arith.constant 1 : i32
    %sub3A_265 = vector.broadcast %sub3A_264 : i32 to vector<16xi32>
    %sub3A_266 = arith.subi %div3A_239, %sub3A_265 : vector<16xi32>
    %select_n3A_267 = arith.select %and3A_263, %sub3A_266, %div3A_239 : vector<16xi1>, vector<16xi32>
    %mul3A_268 = arith.constant 256 : i32
    %mul3A_269 = vector.broadcast %mul3A_268 : i32 to vector<16xi32>
    %mul3A_270 = arith.muli %select_n3A_267, %mul3A_269 : vector<16xi32>
    %add3A_271 = arith.addi %mul3A_270, %and3A_211 : vector<16xi32>
    %add3A_272 = arith.constant 7712 : i32
    %add3A_273 = vector.broadcast %add3A_272 : i32 to vector<16xi32>
    %add3A_274 = arith.addi %add3A_271, %add3A_273 : vector<16xi32>
    %gather3A_275 = tpu.vector_load_idx %arg4[%add3A_274] : memref<8736xf32, #tpu.memory_space<vmem>>[vector<16xi32>], vector<16xf32>,
    %bitcast3A_276 = vector.bitcast %gather3A_275 : vector<16xf32> to vector<16xi32>
    %max3A_277 = arith.maxsi %bitcast3A_276, %select_n3A_236 : vector<16xi32>
    %min3A_278 = arith.minsi %bitcast3A_276, %select_n3A_236 : vector<16xi32>
    %add3A_279 = arith.constant 1 : i32
    %add3A_280 = vector.broadcast %add3A_279 : i32 to vector<16xi32>
    %add3A_281 = arith.addi %max3A_277, %add3A_280 : vector<16xi32>
    %mul3A_282 = arith.muli %max3A_277, %add3A_281 : vector<16xi32>
    %shift_right_logical3A_283 = arith.constant 1 : i32
    %shift_right_logical3A_284 = vector.broadcast %shift_right_logical3A_283 : i32 to vector<16xi32>
    %shift_right_logical3A_285 = arith.shrui %mul3A_282, %shift_right_logical3A_284 : vector<16xi32>
    %add3A_286 = arith.addi %shift_right_logical3A_285, %min3A_278 : vector<16xi32>
    %mul3A_287 = arith.constant 256 : i32
    %mul3A_288 = vector.broadcast %mul3A_287 : i32 to vector<16xi32>
    %mul3A_289 = arith.muli %add3A_286, %mul3A_288 : vector<16xi32>
    %add3A_290 = arith.addi %mul3A_289, %and3A_211 : vector<16xi32>
    %gather3A_291 = tpu.vector_load_idx %arg4[%add3A_286] : memref<8736xf32, #tpu.memory_space<vmem>>[vector<16xi32>], vector<16xf32>,
    %add3A_292 = arith.constant 16 : i32
    %add3A_293 = vector.broadcast %add3A_292 : i32 to vector<16xi32>
    %add3A_294 = arith.addi %add3A_286, %add3A_293 : vector<16xi32>
    %gather3A_295 = tpu.vector_load_idx %arg4[%add3A_294] : memref<8736xf32, #tpu.memory_space<vmem>>[vector<16xi32>], vector<16xf32>,
    %add3A_296 = arith.constant 32 : i32
    %add3A_297 = vector.broadcast %add3A_296 : i32 to vector<16xi32>
    %add3A_298 = arith.addi %add3A_290, %add3A_297 : vector<16xi32>
    %gather3A_299 = tpu.vector_load_idx %arg4[%add3A_298] : memref<8736xf32, #tpu.memory_space<vmem>>[vector<16xi32>], vector<16xf32>,
    %add3A_300 = arith.constant 3872 : i32
    %add3A_301 = vector.broadcast %add3A_300 : i32 to vector<16xi32>
    %add3A_302 = arith.addi %add3A_290, %add3A_301 : vector<16xi32>
    %gather3A_303 = tpu.vector_load_idx %arg4[%add3A_302] : memref<8736xf32, #tpu.memory_space<vmem>>[vector<16xi32>], vector<16xf32>,
    %mul3A_304 = arith.mulf %gather3A_291, %gather3A_299 : vector<16xf32>
    %swap3A_305 = arith.constant 32 : index
    %swap3A_306 = tpu.vector_load %arg5[%swap3A_305] {strides = array<i32>} : memref<640xf32, #tpu.memory_space<vmem>>, vector<16xf32>,
    tpu.vector_store %arg5[%swap3A_305], %mul3A_304 {strides = array<i32>} : memref<640xf32, #tpu.memory_space<vmem>>, vector<16xf32>,
    %mul3A_307 = arith.mulf %gather3A_291, %gather3A_303 : vector<16xf32>
    %add3A_308 = arith.addf %mul3A_307, %gather3A_295 : vector<16xf32>
    %swap3A_309 = arith.constant 352 : index
    %swap3A_310 = tpu.vector_load %arg5[%swap3A_309] {strides = array<i32>} : memref<640xf32, #tpu.memory_space<vmem>>, vector<16xf32>,
    tpu.vector_store %arg5[%swap3A_309], %add3A_308 {strides = array<i32>} : memref<640xf32, #tpu.memory_space<vmem>>, vector<16xf32>,
    %mul3A_311 = arith.constant 320 : i32
    %mul3A_312 = arith.muli %add3A, %mul3A_311 : i32
    %add3A_313 = arith.constant 48 : i32
    %add3A_314 = arith.addi %mul3A_312, %add3A_313 : i32
    %iota3A_315 = tpu.iota {dimensions = array<i32: 0>} : vector<16xi32>
    %add3A_316 = vector.broadcast %add3A_314 : i32 to vector<16xi32>
    %add3A_317 = arith.addi %add3A_316, %iota3A_315 : vector<16xi32>
    %and3A_318 = arith.constant 255 : i32
    %and3A_319 = vector.broadcast %and3A_318 : i32 to vector<16xi32>
    %and3A_320 = arith.andi %add3A_317, %and3A_319 : vector<16xi32>
    %shift_right_logical3A_321 = arith.constant 8 : i32
    %shift_right_logical3A_322 = vector.broadcast %shift_right_logical3A_321 : i32 to vector<16xi32>
    %shift_right_logical3A_323 = arith.shrui %add3A_317, %shift_right_logical3A_322 : vector<16xi32>
    %jit3A_324 = arith.constant 5 : i32
    %eq3A_325 = arith.constant 0 : i32
    %eq3A_326 = arith.cmpi eq, %jit3A_324, %eq3A_325 : i32
    %jit3A_327 = arith.constant 1 : i32
    %select_n3A_328 = arith.select %eq3A_326, %jit3A_327, %jit3A_324 : i32
    %rem3A_329 = vector.broadcast %select_n3A_328 : i32 to vector<16xi32>
    %rem3A_330 = arith.remsi %shift_right_logical3A_323, %rem3A_329 : vector<16xi32>
    %ne3A_331 = arith.constant 0 : i32
    %ne3A_332 = vector.broadcast %ne3A_331 : i32 to vector<16xi32>
    %ne3A_333 = arith.cmpi ne, %rem3A_330, %ne3A_332 : vector<16xi32>
    %lt3A_334 = arith.constant 0 : i32
    %lt3A_335 = vector.broadcast %lt3A_334 : i32 to vector<16xi32>
    %lt3A_336 = arith.cmpi slt, %rem3A_330, %lt3A_335 : vector<16xi32>
    %lt3A_337 = arith.constant 0 : i32
    %lt3A_338 = arith.cmpi slt, %select_n3A_328, %lt3A_337 : i32
    %ne3A_339 = vector.broadcast %lt3A_338 : i1 to vector<16xi1>
    %ne3A_340 = vector.broadcast %ne3A_339 : vector<16xi1> to vector<16xi1>
    %ne3A_341 = arith.xori %lt3A_336, %ne3A_340 : vector<16xi1>
    %and3A_342 = arith.andi %ne3A_341, %ne3A_333 : vector<16xi1>
    %add3A_343 = vector.broadcast %select_n3A_328 : i32 to vector<16xi32>
    %add3A_344 = arith.addi %rem3A_330, %add3A_343 : vector<16xi32>
    %select_n3A_345 = arith.select %and3A_342, %add3A_344, %rem3A_330 : vector<16xi1>, vector<16xi32>
    %jit3A_346 = arith.constant 1280 : i32
    %div3A_347 = vector.broadcast %jit3A_346 : i32 to vector<16xi32>
    %div3A_348 = arith.divsi %add3A_317, %div3A_347 : vector<16xi32>
    %sign3A_349 = arith.constant 0 : i32
    %sign3A_350 = vector.broadcast %sign3A_349 : i32 to vector<16xi32>
    %sign3A_351 = arith.cmpi sgt, %add3A_317, %sign3A_350 : vector<16xi32>
    %sign3A_352 = arith.extui %sign3A_351 : vector<16xi1> to vector<16xi32>
    %sign3A_353 = arith.constant 0 : i32
    %sign3A_354 = vector.broadcast %sign3A_353 : i32 to vector<16xi32>
    %sign3A_355 = arith.cmpi slt, %add3A_317, %sign3A_354 : vector<16xi32>
    %sign3A_356 = arith.extui %sign3A_355 : vector<16xi1> to vector<16xi32>
    %sign3A_357 = arith.subi %sign3A_352, %sign3A_356 : vector<16xi32>
    %sign3A_358 = arith.constant 0 : i32
    %sign3A_359 = arith.cmpi sgt, %jit3A_346, %sign3A_358 : i32
    %sign3A_360 = arith.extui %sign3A_359 : i1 to i32
    %sign3A_361 = arith.constant 0 : i32
    %sign3A_362 = arith.cmpi slt, %jit3A_346, %sign3A_361 : i32
    %sign3A_363 = arith.extui %sign3A_362 : i1 to i32
    %sign3A_364 = arith.subi %sign3A_360, %sign3A_363 : i32
    %ne3A_365 = vector.broadcast %sign3A_364 : i32 to vector<16xi32>
    %ne3A_366 = arith.cmpi ne, %sign3A_357, %ne3A_365 : vector<16xi32>
    %rem3A_367 = vector.broadcast %jit3A_346 : i32 to vector<16xi32>
    %rem3A_368 = arith.remsi %add3A_317, %rem3A_367 : vector<16xi32>
    %ne3A_369 = arith.constant 0 : i32
    %ne3A_370 = vector.broadcast %ne3A_369 : i32 to vector<16xi32>
    %ne3A_371 = arith.cmpi ne, %rem3A_368, %ne3A_370 : vector<16xi32>
    %and3A_372 = arith.andi %ne3A_366, %ne3A_371 : vector<16xi1>
    %sub3A_373 = arith.constant 1 : i32
    %sub3A_374 = vector.broadcast %sub3A_373 : i32 to vector<16xi32>
    %sub3A_375 = arith.subi %div3A_348, %sub3A_374 : vector<16xi32>
    %select_n3A_376 = arith.select %and3A_372, %sub3A_375, %div3A_348 : vector<16xi1>, vector<16xi32>
    %mul3A_377 = arith.constant 256 : i32
    %mul3A_378 = vector.broadcast %mul3A_377 : i32 to vector<16xi32>
    %mul3A_379 = arith.muli %select_n3A_376, %mul3A_378 : vector<16xi32>
    %add3A_380 = arith.addi %mul3A_379, %and3A_320 : vector<16xi32>
    %add3A_381 = arith.constant 7712 : i32
    %add3A_382 = vector.broadcast %add3A_381 : i32 to vector<16xi32>
    %add3A_383 = arith.addi %add3A_380, %add3A_382 : vector<16xi32>
    %gather3A_384 = tpu.vector_load_idx %arg4[%add3A_383] : memref<8736xf32, #tpu.memory_space<vmem>>[vector<16xi32>], vector<16xf32>,
    %bitcast3A_385 = vector.bitcast %gather3A_384 : vector<16xf32> to vector<16xi32>
    %max3A_386 = arith.maxsi %bitcast3A_385, %select_n3A_345 : vector<16xi32>
    %min3A_387 = arith.minsi %bitcast3A_385, %select_n3A_345 : vector<16xi32>
    %add3A_388 = arith.constant 1 : i32
    %add3A_389 = vector.broadcast %add3A_388 : i32 to vector<16xi32>
    %add3A_390 = arith.addi %max3A_386, %add3A_389 : vector<16xi32>
    %mul3A_391 = arith.muli %max3A_386, %add3A_390 : vector<16xi32>
    %shift_right_logical3A_392 = arith.constant 1 : i32
    %shift_right_logical3A_393 = vector.broadcast %shift_right_logical3A_392 : i32 to vector<16xi32>
    %shift_right_logical3A_394 = arith.shrui %mul3A_391, %shift_right_logical3A_393 : vector<16xi32>
    %add3A_395 = arith.addi %shift_right_logical3A_394, %min3A_387 : vector<16xi32>
    %mul3A_396 = arith.constant 256 : i32
    %mul3A_397 = vector.broadcast %mul3A_396 : i32 to vector<16xi32>
    %mul3A_398 = arith.muli %add3A_395, %mul3A_397 : vector<16xi32>
    %add3A_399 = arith.addi %mul3A_398, %and3A_320 : vector<16xi32>
    %gather3A_400 = tpu.vector_load_idx %arg4[%add3A_395] : memref<8736xf32, #tpu.memory_space<vmem>>[vector<16xi32>], vector<16xf32>,
    %add3A_401 = arith.constant 16 : i32
    %add3A_402 = vector.broadcast %add3A_401 : i32 to vector<16xi32>
    %add3A_403 = arith.addi %add3A_395, %add3A_402 : vector<16xi32>
    %gather3A_404 = tpu.vector_load_idx %arg4[%add3A_403] : memref<8736xf32, #tpu.memory_space<vmem>>[vector<16xi32>], vector<16xf32>,
    %add3A_405 = arith.constant 32 : i32
    %add3A_406 = vector.broadcast %add3A_405 : i32 to vector<16xi32>
    %add3A_407 = arith.addi %add3A_399, %add3A_406 : vector<16xi32>
    %gather3A_408 = tpu.vector_load_idx %arg4[%add3A_407] : memref<8736xf32, #tpu.memory_space<vmem>>[vector<16xi32>], vector<16xf32>,
    %add3A_409 = arith.constant 3872 : i32
    %add3A_410 = vector.broadcast %add3A_409 : i32 to vector<16xi32>
    %add3A_411 = arith.addi %add3A_399, %add3A_410 : vector<16xi32>
    %gather3A_412 = tpu.vector_load_idx %arg4[%add3A_411] : memref<8736xf32, #tpu.memory_space<vmem>>[vector<16xi32>], vector<16xf32>,
    %mul3A_413 = arith.mulf %gather3A_400, %gather3A_408 : vector<16xf32>
    %swap3A_414 = arith.constant 48 : index
    %swap3A_415 = tpu.vector_load %arg5[%swap3A_414] {strides = array<i32>} : memref<640xf32, #tpu.memory_space<vmem>>, vector<16xf32>,
    tpu.vector_store %arg5[%swap3A_414], %mul3A_413 {strides = array<i32>} : memref<640xf32, #tpu.memory_space<vmem>>, vector<16xf32>,
    %mul3A_416 = arith.mulf %gather3A_400, %gather3A_412 : vector<16xf32>
    %add3A_417 = arith.addf %mul3A_416, %gather3A_404 : vector<16xf32>
    %swap3A_418 = arith.constant 368 : index
    %swap3A_419 = tpu.vector_load %arg5[%swap3A_418] {strides = array<i32>} : memref<640xf32, #tpu.memory_space<vmem>>, vector<16xf32>,
    tpu.vector_store %arg5[%swap3A_418], %add3A_417 {strides = array<i32>} : memref<640xf32, #tpu.memory_space<vmem>>, vector<16xf32>,
    %mul3A_420 = arith.constant 320 : i32
    %mul3A_421 = arith.muli %add3A, %mul3A_420 : i32
    %add3A_422 = arith.constant 64 : i32
    %add3A_423 = arith.addi %mul3A_421, %add3A_422 : i32
    %iota3A_424 = tpu.iota {dimensions = array<i32: 0>} : vector<16xi32>
    %add3A_425 = vector.broadcast %add3A_423 : i32 to vector<16xi32>
    %add3A_426 = arith.addi %add3A_425, %iota3A_424 : vector<16xi32>
    %and3A_427 = arith.constant 255 : i32
    %and3A_428 = vector.broadcast %and3A_427 : i32 to vector<16xi32>
    %and3A_429 = arith.andi %add3A_426, %and3A_428 : vector<16xi32>
    %shift_right_logical3A_430 = arith.constant 8 : i32
    %shift_right_logical3A_431 = vector.broadcast %shift_right_logical3A_430 : i32 to vector<16xi32>
    %shift_right_logical3A_432 = arith.shrui %add3A_426, %shift_right_logical3A_431 : vector<16xi32>
    %jit3A_433 = arith.constant 5 : i32
    %eq3A_434 = arith.constant 0 : i32
    %eq3A_435 = arith.cmpi eq, %jit3A_433, %eq3A_434 : i32
    %jit3A_436 = arith.constant 1 : i32
    %select_n3A_437 = arith.select %eq3A_435, %jit3A_436, %jit3A_433 : i32
    %rem3A_438 = vector.broadcast %select_n3A_437 : i32 to vector<16xi32>
    %rem3A_439 = arith.remsi %shift_right_logical3A_432, %rem3A_438 : vector<16xi32>
    %ne3A_440 = arith.constant 0 : i32
    %ne3A_441 = vector.broadcast %ne3A_440 : i32 to vector<16xi32>
    %ne3A_442 = arith.cmpi ne, %rem3A_439, %ne3A_441 : vector<16xi32>
    %lt3A_443 = arith.constant 0 : i32
    %lt3A_444 = vector.broadcast %lt3A_443 : i32 to vector<16xi32>
    %lt3A_445 = arith.cmpi slt, %rem3A_439, %lt3A_444 : vector<16xi32>
    %lt3A_446 = arith.constant 0 : i32
    %lt3A_447 = arith.cmpi slt, %select_n3A_437, %lt3A_446 : i32
    %ne3A_448 = vector.broadcast %lt3A_447 : i1 to vector<16xi1>
    %ne3A_449 = vector.broadcast %ne3A_448 : vector<16xi1> to vector<16xi1>
    %ne3A_450 = arith.xori %lt3A_445, %ne3A_449 : vector<16xi1>
    %and3A_451 = arith.andi %ne3A_450, %ne3A_442 : vector<16xi1>
    %add3A_452 = vector.broadcast %select_n3A_437 : i32 to vector<16xi32>
    %add3A_453 = arith.addi %rem3A_439, %add3A_452 : vector<16xi32>
    %select_n3A_454 = arith.select %and3A_451, %add3A_453, %rem3A_439 : vector<16xi1>, vector<16xi32>
    %jit3A_455 = arith.constant 1280 : i32
    %div3A_456 = vector.broadcast %jit3A_455 : i32 to vector<16xi32>
    %div3A_457 = arith.divsi %add3A_426, %div3A_456 : vector<16xi32>
    %sign3A_458 = arith.constant 0 : i32
    %sign3A_459 = vector.broadcast %sign3A_458 : i32 to vector<16xi32>
    %sign3A_460 = arith.cmpi sgt, %add3A_426, %sign3A_459 : vector<16xi32>
    %sign3A_461 = arith.extui %sign3A_460 : vector<16xi1> to vector<16xi32>
    %sign3A_462 = arith.constant 0 : i32
    %sign3A_463 = vector.broadcast %sign3A_462 : i32 to vector<16xi32>
    %sign3A_464 = arith.cmpi slt, %add3A_426, %sign3A_463 : vector<16xi32>
    %sign3A_465 = arith.extui %sign3A_464 : vector<16xi1> to vector<16xi32>
    %sign3A_466 = arith.subi %sign3A_461, %sign3A_465 : vector<16xi32>
    %sign3A_467 = arith.constant 0 : i32
    %sign3A_468 = arith.cmpi sgt, %jit3A_455, %sign3A_467 : i32
    %sign3A_469 = arith.extui %sign3A_468 : i1 to i32
    %sign3A_470 = arith.constant 0 : i32
    %sign3A_471 = arith.cmpi slt, %jit3A_455, %sign3A_470 : i32
    %sign3A_472 = arith.extui %sign3A_471 : i1 to i32
    %sign3A_473 = arith.subi %sign3A_469, %sign3A_472 : i32
    %ne3A_474 = vector.broadcast %sign3A_473 : i32 to vector<16xi32>
    %ne3A_475 = arith.cmpi ne, %sign3A_466, %ne3A_474 : vector<16xi32>
    %rem3A_476 = vector.broadcast %jit3A_455 : i32 to vector<16xi32>
    %rem3A_477 = arith.remsi %add3A_426, %rem3A_476 : vector<16xi32>
    %ne3A_478 = arith.constant 0 : i32
    %ne3A_479 = vector.broadcast %ne3A_478 : i32 to vector<16xi32>
    %ne3A_480 = arith.cmpi ne, %rem3A_477, %ne3A_479 : vector<16xi32>
    %and3A_481 = arith.andi %ne3A_475, %ne3A_480 : vector<16xi1>
    %sub3A_482 = arith.constant 1 : i32
    %sub3A_483 = vector.broadcast %sub3A_482 : i32 to vector<16xi32>
    %sub3A_484 = arith.subi %div3A_457, %sub3A_483 : vector<16xi32>
    %select_n3A_485 = arith.select %and3A_481, %sub3A_484, %div3A_457 : vector<16xi1>, vector<16xi32>
    %mul3A_486 = arith.constant 256 : i32
    %mul3A_487 = vector.broadcast %mul3A_486 : i32 to vector<16xi32>
    %mul3A_488 = arith.muli %select_n3A_485, %mul3A_487 : vector<16xi32>
    %add3A_489 = arith.addi %mul3A_488, %and3A_429 : vector<16xi32>
    %add3A_490 = arith.constant 7712 : i32
    %add3A_491 = vector.broadcast %add3A_490 : i32 to vector<16xi32>
    %add3A_492 = arith.addi %add3A_489, %add3A_491 : vector<16xi32>
    %gather3A_493 = tpu.vector_load_idx %arg4[%add3A_492] : memref<8736xf32, #tpu.memory_space<vmem>>[vector<16xi32>], vector<16xf32>,
    %bitcast3A_494 = vector.bitcast %gather3A_493 : vector<16xf32> to vector<16xi32>
    %max3A_495 = arith.maxsi %bitcast3A_494, %select_n3A_454 : vector<16xi32>
    %min3A_496 = arith.minsi %bitcast3A_494, %select_n3A_454 : vector<16xi32>
    %add3A_497 = arith.constant 1 : i32
    %add3A_498 = vector.broadcast %add3A_497 : i32 to vector<16xi32>
    %add3A_499 = arith.addi %max3A_495, %add3A_498 : vector<16xi32>
    %mul3A_500 = arith.muli %max3A_495, %add3A_499 : vector<16xi32>
    %shift_right_logical3A_501 = arith.constant 1 : i32
    %shift_right_logical3A_502 = vector.broadcast %shift_right_logical3A_501 : i32 to vector<16xi32>
    %shift_right_logical3A_503 = arith.shrui %mul3A_500, %shift_right_logical3A_502 : vector<16xi32>
    %add3A_504 = arith.addi %shift_right_logical3A_503, %min3A_496 : vector<16xi32>
    %mul3A_505 = arith.constant 256 : i32
    %mul3A_506 = vector.broadcast %mul3A_505 : i32 to vector<16xi32>
    %mul3A_507 = arith.muli %add3A_504, %mul3A_506 : vector<16xi32>
    %add3A_508 = arith.addi %mul3A_507, %and3A_429 : vector<16xi32>
    %gather3A_509 = tpu.vector_load_idx %arg4[%add3A_504] : memref<8736xf32, #tpu.memory_space<vmem>>[vector<16xi32>], vector<16xf32>,
    %add3A_510 = arith.constant 16 : i32
    %add3A_511 = vector.broadcast %add3A_510 : i32 to vector<16xi32>
    %add3A_512 = arith.addi %add3A_504, %add3A_511 : vector<16xi32>
    %gather3A_513 = tpu.vector_load_idx %arg4[%add3A_512] : memref<8736xf32, #tpu.memory_space<vmem>>[vector<16xi32>], vector<16xf32>,
    %add3A_514 = arith.constant 32 : i32
    %add3A_515 = vector.broadcast %add3A_514 : i32 to vector<16xi32>
    %add3A_516 = arith.addi %add3A_508, %add3A_515 : vector<16xi32>
    %gather3A_517 = tpu.vector_load_idx %arg4[%add3A_516] : memref<8736xf32, #tpu.memory_space<vmem>>[vector<16xi32>], vector<16xf32>,
    %add3A_518 = arith.constant 3872 : i32
    %add3A_519 = vector.broadcast %add3A_518 : i32 to vector<16xi32>
    %add3A_520 = arith.addi %add3A_508, %add3A_519 : vector<16xi32>
    %gather3A_521 = tpu.vector_load_idx %arg4[%add3A_520] : memref<8736xf32, #tpu.memory_space<vmem>>[vector<16xi32>], vector<16xf32>,
    %mul3A_522 = arith.mulf %gather3A_509, %gather3A_517 : vector<16xf32>
    %swap3A_523 = arith.constant 64 : index
    %swap3A_524 = tpu.vector_load %arg5[%swap3A_523] {strides = array<i32>} : memref<640xf32, #tpu.memory_space<vmem>>, vector<16xf32>,
    tpu.vector_store %arg5[%swap3A_523], %mul3A_522 {strides = array<i32>} : memref<640xf32, #tpu.memory_space<vmem>>, vector<16xf32>,
    %mul3A_525 = arith.mulf %gather3A_509, %gather3A_521 : vector<16xf32>
    %add3A_526 = arith.addf %mul3A_525, %gather3A_513 : vector<16xf32>
    %swap3A_527 = arith.constant 384 : index
    %swap3A_528 = tpu.vector_load %arg5[%swap3A_527] {strides = array<i32>} : memref<640xf32, #tpu.memory_space<vmem>>, vector<16xf32>,
    tpu.vector_store %arg5[%swap3A_527], %add3A_526 {strides = array<i32>} : memref<640xf32, #tpu.memory_space<vmem>>, vector<16xf32>,
    %mul3A_529 = arith.constant 320 : i32
    %mul3A_530 = arith.muli %add3A, %mul3A_529 : i32
    %add3A_531 = arith.constant 80 : i32
    %add3A_532 = arith.addi %mul3A_530, %add3A_531 : i32
    %iota3A_533 = tpu.iota {dimensions = array<i32: 0>} : vector<16xi32>
    %add3A_534 = vector.broadcast %add3A_532 : i32 to vector<16xi32>
    %add3A_535 = arith.addi %add3A_534, %iota3A_533 : vector<16xi32>
    %and3A_536 = arith.constant 255 : i32
    %and3A_537 = vector.broadcast %and3A_536 : i32 to vector<16xi32>
    %and3A_538 = arith.andi %add3A_535, %and3A_537 : vector<16xi32>
    %shift_right_logical3A_539 = arith.constant 8 : i32
    %shift_right_logical3A_540 = vector.broadcast %shift_right_logical3A_539 : i32 to vector<16xi32>
    %shift_right_logical3A_541 = arith.shrui %add3A_535, %shift_right_logical3A_540 : vector<16xi32>
    %jit3A_542 = arith.constant 5 : i32
    %eq3A_543 = arith.constant 0 : i32
    %eq3A_544 = arith.cmpi eq, %jit3A_542, %eq3A_543 : i32
    %jit3A_545 = arith.constant 1 : i32
    %select_n3A_546 = arith.select %eq3A_544, %jit3A_545, %jit3A_542 : i32
    %rem3A_547 = vector.broadcast %select_n3A_546 : i32 to vector<16xi32>
    %rem3A_548 = arith.remsi %shift_right_logical3A_541, %rem3A_547 : vector<16xi32>
    %ne3A_549 = arith.constant 0 : i32
    %ne3A_550 = vector.broadcast %ne3A_549 : i32 to vector<16xi32>
    %ne3A_551 = arith.cmpi ne, %rem3A_548, %ne3A_550 : vector<16xi32>
    %lt3A_552 = arith.constant 0 : i32
    %lt3A_553 = vector.broadcast %lt3A_552 : i32 to vector<16xi32>
    %lt3A_554 = arith.cmpi slt, %rem3A_548, %lt3A_553 : vector<16xi32>
    %lt3A_555 = arith.constant 0 : i32
    %lt3A_556 = arith.cmpi slt, %select_n3A_546, %lt3A_555 : i32
    %ne3A_557 = vector.broadcast %lt3A_556 : i1 to vector<16xi1>
    %ne3A_558 = vector.broadcast %ne3A_557 : vector<16xi1> to vector<16xi1>
    %ne3A_559 = arith.xori %lt3A_554, %ne3A_558 : vector<16xi1>
    %and3A_560 = arith.andi %ne3A_559, %ne3A_551 : vector<16xi1>
    %add3A_561 = vector.broadcast %select_n3A_546 : i32 to vector<16xi32>
    %add3A_562 = arith.addi %rem3A_548, %add3A_561 : vector<16xi32>
    %select_n3A_563 = arith.select %and3A_560, %add3A_562, %rem3A_548 : vector<16xi1>, vector<16xi32>
    %jit3A_564 = arith.constant 1280 : i32
    %div3A_565 = vector.broadcast %jit3A_564 : i32 to vector<16xi32>
    %div3A_566 = arith.divsi %add3A_535, %div3A_565 : vector<16xi32>
    %sign3A_567 = arith.constant 0 : i32
    %sign3A_568 = vector.broadcast %sign3A_567 : i32 to vector<16xi32>
    %sign3A_569 = arith.cmpi sgt, %add3A_535, %sign3A_568 : vector<16xi32>
    %sign3A_570 = arith.extui %sign3A_569 : vector<16xi1> to vector<16xi32>
    %sign3A_571 = arith.constant 0 : i32
    %sign3A_572 = vector.broadcast %sign3A_571 : i32 to vector<16xi32>
    %sign3A_573 = arith.cmpi slt, %add3A_535, %sign3A_572 : vector<16xi32>
    %sign3A_574 = arith.extui %sign3A_573 : vector<16xi1> to vector<16xi32>
    %sign3A_575 = arith.subi %sign3A_570, %sign3A_574 : vector<16xi32>
    %sign3A_576 = arith.constant 0 : i32
    %sign3A_577 = arith.cmpi sgt, %jit3A_564, %sign3A_576 : i32
    %sign3A_578 = arith.extui %sign3A_577 : i1 to i32
    %sign3A_579 = arith.constant 0 : i32
    %sign3A_580 = arith.cmpi slt, %jit3A_564, %sign3A_579 : i32
    %sign3A_581 = arith.extui %sign3A_580 : i1 to i32
    %sign3A_582 = arith.subi %sign3A_578, %sign3A_581 : i32
    %ne3A_583 = vector.broadcast %sign3A_582 : i32 to vector<16xi32>
    %ne3A_584 = arith.cmpi ne, %sign3A_575, %ne3A_583 : vector<16xi32>
    %rem3A_585 = vector.broadcast %jit3A_564 : i32 to vector<16xi32>
    %rem3A_586 = arith.remsi %add3A_535, %rem3A_585 : vector<16xi32>
    %ne3A_587 = arith.constant 0 : i32
    %ne3A_588 = vector.broadcast %ne3A_587 : i32 to vector<16xi32>
    %ne3A_589 = arith.cmpi ne, %rem3A_586, %ne3A_588 : vector<16xi32>
    %and3A_590 = arith.andi %ne3A_584, %ne3A_589 : vector<16xi1>
    %sub3A_591 = arith.constant 1 : i32
    %sub3A_592 = vector.broadcast %sub3A_591 : i32 to vector<16xi32>
    %sub3A_593 = arith.subi %div3A_566, %sub3A_592 : vector<16xi32>
    %select_n3A_594 = arith.select %and3A_590, %sub3A_593, %div3A_566 : vector<16xi1>, vector<16xi32>
    %mul3A_595 = arith.constant 256 : i32
    %mul3A_596 = vector.broadcast %mul3A_595 : i32 to vector<16xi32>
    %mul3A_597 = arith.muli %select_n3A_594, %mul3A_596 : vector<16xi32>
    %add3A_598 = arith.addi %mul3A_597, %and3A_538 : vector<16xi32>
    %add3A_599 = arith.constant 7712 : i32
    %add3A_600 = vector.broadcast %add3A_599 : i32 to vector<16xi32>
    %add3A_601 = arith.addi %add3A_598, %add3A_600 : vector<16xi32>
    %gather3A_602 = tpu.vector_load_idx %arg4[%add3A_601] : memref<8736xf32, #tpu.memory_space<vmem>>[vector<16xi32>], vector<16xf32>,
    %bitcast3A_603 = vector.bitcast %gather3A_602 : vector<16xf32> to vector<16xi32>
    %max3A_604 = arith.maxsi %bitcast3A_603, %select_n3A_563 : vector<16xi32>
    %min3A_605 = arith.minsi %bitcast3A_603, %select_n3A_563 : vector<16xi32>
    %add3A_606 = arith.constant 1 : i32
    %add3A_607 = vector.broadcast %add3A_606 : i32 to vector<16xi32>
    %add3A_608 = arith.addi %max3A_604, %add3A_607 : vector<16xi32>
    %mul3A_609 = arith.muli %max3A_604, %add3A_608 : vector<16xi32>
    %shift_right_logical3A_610 = arith.constant 1 : i32
    %shift_right_logical3A_611 = vector.broadcast %shift_right_logical3A_610 : i32 to vector<16xi32>
    %shift_right_logical3A_612 = arith.shrui %mul3A_609, %shift_right_logical3A_611 : vector<16xi32>
    %add3A_613 = arith.addi %shift_right_logical3A_612, %min3A_605 : vector<16xi32>
    %mul3A_614 = arith.constant 256 : i32
    %mul3A_615 = vector.broadcast %mul3A_614 : i32 to vector<16xi32>
    %mul3A_616 = arith.muli %add3A_613, %mul3A_615 : vector<16xi32>
    %add3A_617 = arith.addi %mul3A_616, %and3A_538 : vector<16xi32>
    %gather3A_618 = tpu.vector_load_idx %arg4[%add3A_613] : memref<8736xf32, #tpu.memory_space<vmem>>[vector<16xi32>], vector<16xf32>,
    %add3A_619 = arith.constant 16 : i32
    %add3A_620 = vector.broadcast %add3A_619 : i32 to vector<16xi32>
    %add3A_621 = arith.addi %add3A_613, %add3A_620 : vector<16xi32>
    %gather3A_622 = tpu.vector_load_idx %arg4[%add3A_621] : memref<8736xf32, #tpu.memory_space<vmem>>[vector<16xi32>], vector<16xf32>,
    %add3A_623 = arith.constant 32 : i32
    %add3A_624 = vector.broadcast %add3A_623 : i32 to vector<16xi32>
    %add3A_625 = arith.addi %add3A_617, %add3A_624 : vector<16xi32>
    %gather3A_626 = tpu.vector_load_idx %arg4[%add3A_625] : memref<8736xf32, #tpu.memory_space<vmem>>[vector<16xi32>], vector<16xf32>,
    %add3A_627 = arith.constant 3872 : i32
    %add3A_628 = vector.broadcast %add3A_627 : i32 to vector<16xi32>
    %add3A_629 = arith.addi %add3A_617, %add3A_628 : vector<16xi32>
    %gather3A_630 = tpu.vector_load_idx %arg4[%add3A_629] : memref<8736xf32, #tpu.memory_space<vmem>>[vector<16xi32>], vector<16xf32>,
    %mul3A_631 = arith.mulf %gather3A_618, %gather3A_626 : vector<16xf32>
    %swap3A_632 = arith.constant 80 : index
    %swap3A_633 = tpu.vector_load %arg5[%swap3A_632] {strides = array<i32>} : memref<640xf32, #tpu.memory_space<vmem>>, vector<16xf32>,
    tpu.vector_store %arg5[%swap3A_632], %mul3A_631 {strides = array<i32>} : memref<640xf32, #tpu.memory_space<vmem>>, vector<16xf32>,
    %mul3A_634 = arith.mulf %gather3A_618, %gather3A_630 : vector<16xf32>
    %add3A_635 = arith.addf %mul3A_634, %gather3A_622 : vector<16xf32>
    %swap3A_636 = arith.constant 400 : index
    %swap3A_637 = tpu.vector_load %arg5[%swap3A_636] {strides = array<i32>} : memref<640xf32, #tpu.memory_space<vmem>>, vector<16xf32>,
    tpu.vector_store %arg5[%swap3A_636], %add3A_635 {strides = array<i32>} : memref<640xf32, #tpu.memory_space<vmem>>, vector<16xf32>,
    %mul3A_638 = arith.constant 320 : i32
    %mul3A_639 = arith.muli %add3A, %mul3A_638 : i32
    %add3A_640 = arith.constant 96 : i32
    %add3A_641 = arith.addi %mul3A_639, %add3A_640 : i32
    %iota3A_642 = tpu.iota {dimensions = array<i32: 0>} : vector<16xi32>
    %add3A_643 = vector.broadcast %add3A_641 : i32 to vector<16xi32>
    %add3A_644 = arith.addi %add3A_643, %iota3A_642 : vector<16xi32>
    %and3A_645 = arith.constant 255 : i32
    %and3A_646 = vector.broadcast %and3A_645 : i32 to vector<16xi32>
    %and3A_647 = arith.andi %add3A_644, %and3A_646 : vector<16xi32>
    %shift_right_logical3A_648 = arith.constant 8 : i32
    %shift_right_logical3A_649 = vector.broadcast %shift_right_logical3A_648 : i32 to vector<16xi32>
    %shift_right_logical3A_650 = arith.shrui %add3A_644, %shift_right_logical3A_649 : vector<16xi32>
    %jit3A_651 = arith.constant 5 : i32
    %eq3A_652 = arith.constant 0 : i32
    %eq3A_653 = arith.cmpi eq, %jit3A_651, %eq3A_652 : i32
    %jit3A_654 = arith.constant 1 : i32
    %select_n3A_655 = arith.select %eq3A_653, %jit3A_654, %jit3A_651 : i32
    %rem3A_656 = vector.broadcast %select_n3A_655 : i32 to vector<16xi32>
    %rem3A_657 = arith.remsi %shift_right_logical3A_650, %rem3A_656 : vector<16xi32>
    %ne3A_658 = arith.constant 0 : i32
    %ne3A_659 = vector.broadcast %ne3A_658 : i32 to vector<16xi32>
    %ne3A_660 = arith.cmpi ne, %rem3A_657, %ne3A_659 : vector<16xi32>
    %lt3A_661 = arith.constant 0 : i32
    %lt3A_662 = vector.broadcast %lt3A_661 : i32 to vector<16xi32>
    %lt3A_663 = arith.cmpi slt, %rem3A_657, %lt3A_662 : vector<16xi32>
    %lt3A_664 = arith.constant 0 : i32
    %lt3A_665 = arith.cmpi slt, %select_n3A_655, %lt3A_664 : i32
    %ne3A_666 = vector.broadcast %lt3A_665 : i1 to vector<16xi1>
    %ne3A_667 = vector.broadcast %ne3A_666 : vector<16xi1> to vector<16xi1>
    %ne3A_668 = arith.xori %lt3A_663, %ne3A_667 : vector<16xi1>
    %and3A_669 = arith.andi %ne3A_668, %ne3A_660 : vector<16xi1>
    %add3A_670 = vector.broadcast %select_n3A_655 : i32 to vector<16xi32>
    %add3A_671 = arith.addi %rem3A_657, %add3A_670 : vector<16xi32>
    %select_n3A_672 = arith.select %and3A_669, %add3A_671, %rem3A_657 : vector<16xi1>, vector<16xi32>
    %jit3A_673 = arith.constant 1280 : i32
    %div3A_674 = vector.broadcast %jit3A_673 : i32 to vector<16xi32>
    %div3A_675 = arith.divsi %add3A_644, %div3A_674 : vector<16xi32>
    %sign3A_676 = arith.constant 0 : i32
    %sign3A_677 = vector.broadcast %sign3A_676 : i32 to vector<16xi32>
    %sign3A_678 = arith.cmpi sgt, %add3A_644, %sign3A_677 : vector<16xi32>
    %sign3A_679 = arith.extui %sign3A_678 : vector<16xi1> to vector<16xi32>
    %sign3A_680 = arith.constant 0 : i32
    %sign3A_681 = vector.broadcast %sign3A_680 : i32 to vector<16xi32>
    %sign3A_682 = arith.cmpi slt, %add3A_644, %sign3A_681 : vector<16xi32>
    %sign3A_683 = arith.extui %sign3A_682 : vector<16xi1> to vector<16xi32>
    %sign3A_684 = arith.subi %sign3A_679, %sign3A_683 : vector<16xi32>
    %sign3A_685 = arith.constant 0 : i32
    %sign3A_686 = arith.cmpi sgt, %jit3A_673, %sign3A_685 : i32
    %sign3A_687 = arith.extui %sign3A_686 : i1 to i32
    %sign3A_688 = arith.constant 0 : i32
    %sign3A_689 = arith.cmpi slt, %jit3A_673, %sign3A_688 : i32
    %sign3A_690 = arith.extui %sign3A_689 : i1 to i32
    %sign3A_691 = arith.subi %sign3A_687, %sign3A_690 : i32
    %ne3A_692 = vector.broadcast %sign3A_691 : i32 to vector<16xi32>
    %ne3A_693 = arith.cmpi ne, %sign3A_684, %ne3A_692 : vector<16xi32>
    %rem3A_694 = vector.broadcast %jit3A_673 : i32 to vector<16xi32>
    %rem3A_695 = arith.remsi %add3A_644, %rem3A_694 : vector<16xi32>
    %ne3A_696 = arith.constant 0 : i32
    %ne3A_697 = vector.broadcast %ne3A_696 : i32 to vector<16xi32>
    %ne3A_698 = arith.cmpi ne, %rem3A_695, %ne3A_697 : vector<16xi32>
    %and3A_699 = arith.andi %ne3A_693, %ne3A_698 : vector<16xi1>
    %sub3A_700 = arith.constant 1 : i32
    %sub3A_701 = vector.broadcast %sub3A_700 : i32 to vector<16xi32>
    %sub3A_702 = arith.subi %div3A_675, %sub3A_701 : vector<16xi32>
    %select_n3A_703 = arith.select %and3A_699, %sub3A_702, %div3A_675 : vector<16xi1>, vector<16xi32>
    %mul3A_704 = arith.constant 256 : i32
    %mul3A_705 = vector.broadcast %mul3A_704 : i32 to vector<16xi32>
    %mul3A_706 = arith.muli %select_n3A_703, %mul3A_705 : vector<16xi32>
    %add3A_707 = arith.addi %mul3A_706, %and3A_647 : vector<16xi32>
    %add3A_708 = arith.constant 7712 : i32
    %add3A_709 = vector.broadcast %add3A_708 : i32 to vector<16xi32>
    %add3A_710 = arith.addi %add3A_707, %add3A_709 : vector<16xi32>
    %gather3A_711 = tpu.vector_load_idx %arg4[%add3A_710] : memref<8736xf32, #tpu.memory_space<vmem>>[vector<16xi32>], vector<16xf32>,
    %bitcast3A_712 = vector.bitcast %gather3A_711 : vector<16xf32> to vector<16xi32>
    %max3A_713 = arith.maxsi %bitcast3A_712, %select_n3A_672 : vector<16xi32>
    %min3A_714 = arith.minsi %bitcast3A_712, %select_n3A_672 : vector<16xi32>
    %add3A_715 = arith.constant 1 : i32
    %add3A_716 = vector.broadcast %add3A_715 : i32 to vector<16xi32>
    %add3A_717 = arith.addi %max3A_713, %add3A_716 : vector<16xi32>
    %mul3A_718 = arith.muli %max3A_713, %add3A_717 : vector<16xi32>
    %shift_right_logical3A_719 = arith.constant 1 : i32
    %shift_right_logical3A_720 = vector.broadcast %shift_right_logical3A_719 : i32 to vector<16xi32>
    %shift_right_logical3A_721 = arith.shrui %mul3A_718, %shift_right_logical3A_720 : vector<16xi32>
    %add3A_722 = arith.addi %shift_right_logical3A_721, %min3A_714 : vector<16xi32>
    %mul3A_723 = arith.constant 256 : i32
    %mul3A_724 = vector.broadcast %mul3A_723 : i32 to vector<16xi32>
    %mul3A_725 = arith.muli %add3A_722, %mul3A_724 : vector<16xi32>
    %add3A_726 = arith.addi %mul3A_725, %and3A_647 : vector<16xi32>
    %gather3A_727 = tpu.vector_load_idx %arg4[%add3A_722] : memref<8736xf32, #tpu.memory_space<vmem>>[vector<16xi32>], vector<16xf32>,
    %add3A_728 = arith.constant 16 : i32
    %add3A_729 = vector.broadcast %add3A_728 : i32 to vector<16xi32>
    %add3A_730 = arith.addi %add3A_722, %add3A_729 : vector<16xi32>
    %gather3A_731 = tpu.vector_load_idx %arg4[%add3A_730] : memref<8736xf32, #tpu.memory_space<vmem>>[vector<16xi32>], vector<16xf32>,
    %add3A_732 = arith.constant 32 : i32
    %add3A_733 = vector.broadcast %add3A_732 : i32 to vector<16xi32>
    %add3A_734 = arith.addi %add3A_726, %add3A_733 : vector<16xi32>
    %gather3A_735 = tpu.vector_load_idx %arg4[%add3A_734] : memref<8736xf32, #tpu.memory_space<vmem>>[vector<16xi32>], vector<16xf32>,
    %add3A_736 = arith.constant 3872 : i32
    %add3A_737 = vector.broadcast %add3A_736 : i32 to vector<16xi32>
    %add3A_738 = arith.addi %add3A_726, %add3A_737 : vector<16xi32>
    %gather3A_739 = tpu.vector_load_idx %arg4[%add3A_738] : memref<8736xf32, #tpu.memory_space<vmem>>[vector<16xi32>], vector<16xf32>,
    %mul3A_740 = arith.mulf %gather3A_727, %gather3A_735 : vector<16xf32>
    %swap3A_741 = arith.constant 96 : index
    %swap3A_742 = tpu.vector_load %arg5[%swap3A_741] {strides = array<i32>} : memref<640xf32, #tpu.memory_space<vmem>>, vector<16xf32>,
    tpu.vector_store %arg5[%swap3A_741], %mul3A_740 {strides = array<i32>} : memref<640xf32, #tpu.memory_space<vmem>>, vector<16xf32>,
    %mul3A_743 = arith.mulf %gather3A_727, %gather3A_739 : vector<16xf32>
    %add3A_744 = arith.addf %mul3A_743, %gather3A_731 : vector<16xf32>
    %swap3A_745 = arith.constant 416 : index
    %swap3A_746 = tpu.vector_load %arg5[%swap3A_745] {strides = array<i32>} : memref<640xf32, #tpu.memory_space<vmem>>, vector<16xf32>,
    tpu.vector_store %arg5[%swap3A_745], %add3A_744 {strides = array<i32>} : memref<640xf32, #tpu.memory_space<vmem>>, vector<16xf32>,
    %mul3A_747 = arith.constant 320 : i32
    %mul3A_748 = arith.muli %add3A, %mul3A_747 : i32
    %add3A_749 = arith.constant 112 : i32
    %add3A_750 = arith.addi %mul3A_748, %add3A_749 : i32
    %iota3A_751 = tpu.iota {dimensions = array<i32: 0>} : vector<16xi32>
    %add3A_752 = vector.broadcast %add3A_750 : i32 to vector<16xi32>
    %add3A_753 = arith.addi %add3A_752, %iota3A_751 : vector<16xi32>
    %and3A_754 = arith.constant 255 : i32
    %and3A_755 = vector.broadcast %and3A_754 : i32 to vector<16xi32>
    %and3A_756 = arith.andi %add3A_753, %and3A_755 : vector<16xi32>
    %shift_right_logical3A_757 = arith.constant 8 : i32
    %shift_right_logical3A_758 = vector.broadcast %shift_right_logical3A_757 : i32 to vector<16xi32>
    %shift_right_logical3A_759 = arith.shrui %add3A_753, %shift_right_logical3A_758 : vector<16xi32>
    %jit3A_760 = arith.constant 5 : i32
    %eq3A_761 = arith.constant 0 : i32
    %eq3A_762 = arith.cmpi eq, %jit3A_760, %eq3A_761 : i32
    %jit3A_763 = arith.constant 1 : i32
    %select_n3A_764 = arith.select %eq3A_762, %jit3A_763, %jit3A_760 : i32
    %rem3A_765 = vector.broadcast %select_n3A_764 : i32 to vector<16xi32>
    %rem3A_766 = arith.remsi %shift_right_logical3A_759, %rem3A_765 : vector<16xi32>
    %ne3A_767 = arith.constant 0 : i32
    %ne3A_768 = vector.broadcast %ne3A_767 : i32 to vector<16xi32>
    %ne3A_769 = arith.cmpi ne, %rem3A_766, %ne3A_768 : vector<16xi32>
    %lt3A_770 = arith.constant 0 : i32
    %lt3A_771 = vector.broadcast %lt3A_770 : i32 to vector<16xi32>
    %lt3A_772 = arith.cmpi slt, %rem3A_766, %lt3A_771 : vector<16xi32>
    %lt3A_773 = arith.constant 0 : i32
    %lt3A_774 = arith.cmpi slt, %select_n3A_764, %lt3A_773 : i32
    %ne3A_775 = vector.broadcast %lt3A_774 : i1 to vector<16xi1>
    %ne3A_776 = vector.broadcast %ne3A_775 : vector<16xi1> to vector<16xi1>
    %ne3A_777 = arith.xori %lt3A_772, %ne3A_776 : vector<16xi1>
    %and3A_778 = arith.andi %ne3A_777, %ne3A_769 : vector<16xi1>
    %add3A_779 = vector.broadcast %select_n3A_764 : i32 to vector<16xi32>
    %add3A_780 = arith.addi %rem3A_766, %add3A_779 : vector<16xi32>
    %select_n3A_781 = arith.select %and3A_778, %add3A_780, %rem3A_766 : vector<16xi1>, vector<16xi32>
    %jit3A_782 = arith.constant 1280 : i32
    %div3A_783 = vector.broadcast %jit3A_782 : i32 to vector<16xi32>
    %div3A_784 = arith.divsi %add3A_753, %div3A_783 : vector<16xi32>
    %sign3A_785 = arith.constant 0 : i32
    %sign3A_786 = vector.broadcast %sign3A_785 : i32 to vector<16xi32>
    %sign3A_787 = arith.cmpi sgt, %add3A_753, %sign3A_786 : vector<16xi32>
    %sign3A_788 = arith.extui %sign3A_787 : vector<16xi1> to vector<16xi32>
    %sign3A_789 = arith.constant 0 : i32
    %sign3A_790 = vector.broadcast %sign3A_789 : i32 to vector<16xi32>
    %sign3A_791 = arith.cmpi slt, %add3A_753, %sign3A_790 : vector<16xi32>
    %sign3A_792 = arith.extui %sign3A_791 : vector<16xi1> to vector<16xi32>
    %sign3A_793 = arith.subi %sign3A_788, %sign3A_792 : vector<16xi32>
    %sign3A_794 = arith.constant 0 : i32
    %sign3A_795 = arith.cmpi sgt, %jit3A_782, %sign3A_794 : i32
    %sign3A_796 = arith.extui %sign3A_795 : i1 to i32
    %sign3A_797 = arith.constant 0 : i32
    %sign3A_798 = arith.cmpi slt, %jit3A_782, %sign3A_797 : i32
    %sign3A_799 = arith.extui %sign3A_798 : i1 to i32
    %sign3A_800 = arith.subi %sign3A_796, %sign3A_799 : i32
    %ne3A_801 = vector.broadcast %sign3A_800 : i32 to vector<16xi32>
    %ne3A_802 = arith.cmpi ne, %sign3A_793, %ne3A_801 : vector<16xi32>
    %rem3A_803 = vector.broadcast %jit3A_782 : i32 to vector<16xi32>
    %rem3A_804 = arith.remsi %add3A_753, %rem3A_803 : vector<16xi32>
    %ne3A_805 = arith.constant 0 : i32
    %ne3A_806 = vector.broadcast %ne3A_805 : i32 to vector<16xi32>
    %ne3A_807 = arith.cmpi ne, %rem3A_804, %ne3A_806 : vector<16xi32>
    %and3A_808 = arith.andi %ne3A_802, %ne3A_807 : vector<16xi1>
    %sub3A_809 = arith.constant 1 : i32
    %sub3A_810 = vector.broadcast %sub3A_809 : i32 to vector<16xi32>
    %sub3A_811 = arith.subi %div3A_784, %sub3A_810 : vector<16xi32>
    %select_n3A_812 = arith.select %and3A_808, %sub3A_811, %div3A_784 : vector<16xi1>, vector<16xi32>
    %mul3A_813 = arith.constant 256 : i32
    %mul3A_814 = vector.broadcast %mul3A_813 : i32 to vector<16xi32>
    %mul3A_815 = arith.muli %select_n3A_812, %mul3A_814 : vector<16xi32>
    %add3A_816 = arith.addi %mul3A_815, %and3A_756 : vector<16xi32>
    %add3A_817 = arith.constant 7712 : i32
    %add3A_818 = vector.broadcast %add3A_817 : i32 to vector<16xi32>
    %add3A_819 = arith.addi %add3A_816, %add3A_818 : vector<16xi32>
    %gather3A_820 = tpu.vector_load_idx %arg4[%add3A_819] : memref<8736xf32, #tpu.memory_space<vmem>>[vector<16xi32>], vector<16xf32>,
    %bitcast3A_821 = vector.bitcast %gather3A_820 : vector<16xf32> to vector<16xi32>
    %max3A_822 = arith.maxsi %bitcast3A_821, %select_n3A_781 : vector<16xi32>
    %min3A_823 = arith.minsi %bitcast3A_821, %select_n3A_781 : vector<16xi32>
    %add3A_824 = arith.constant 1 : i32
    %add3A_825 = vector.broadcast %add3A_824 : i32 to vector<16xi32>
    %add3A_826 = arith.addi %max3A_822, %add3A_825 : vector<16xi32>
    %mul3A_827 = arith.muli %max3A_822, %add3A_826 : vector<16xi32>
    %shift_right_logical3A_828 = arith.constant 1 : i32
    %shift_right_logical3A_829 = vector.broadcast %shift_right_logical3A_828 : i32 to vector<16xi32>
    %shift_right_logical3A_830 = arith.shrui %mul3A_827, %shift_right_logical3A_829 : vector<16xi32>
    %add3A_831 = arith.addi %shift_right_logical3A_830, %min3A_823 : vector<16xi32>
    %mul3A_832 = arith.constant 256 : i32
    %mul3A_833 = vector.broadcast %mul3A_832 : i32 to vector<16xi32>
    %mul3A_834 = arith.muli %add3A_831, %mul3A_833 : vector<16xi32>
    %add3A_835 = arith.addi %mul3A_834, %and3A_756 : vector<16xi32>
    %gather3A_836 = tpu.vector_load_idx %arg4[%add3A_831] : memref<8736xf32, #tpu.memory_space<vmem>>[vector<16xi32>], vector<16xf32>,
    %add3A_837 = arith.constant 16 : i32
    %add3A_838 = vector.broadcast %add3A_837 : i32 to vector<16xi32>
    %add3A_839 = arith.addi %add3A_831, %add3A_838 : vector<16xi32>
    %gather3A_840 = tpu.vector_load_idx %arg4[%add3A_839] : memref<8736xf32, #tpu.memory_space<vmem>>[vector<16xi32>], vector<16xf32>,
    %add3A_841 = arith.constant 32 : i32
    %add3A_842 = vector.broadcast %add3A_841 : i32 to vector<16xi32>
    %add3A_843 = arith.addi %add3A_835, %add3A_842 : vector<16xi32>
    %gather3A_844 = tpu.vector_load_idx %arg4[%add3A_843] : memref<8736xf32, #tpu.memory_space<vmem>>[vector<16xi32>], vector<16xf32>,
    %add3A_845 = arith.constant 3872 : i32
    %add3A_846 = vector.broadcast %add3A_845 : i32 to vector<16xi32>
    %add3A_847 = arith.addi %add3A_835, %add3A_846 : vector<16xi32>
    %gather3A_848 = tpu.vector_load_idx %arg4[%add3A_847] : memref<8736xf32, #tpu.memory_space<vmem>>[vector<16xi32>], vector<16xf32>,
    %mul3A_849 = arith.mulf %gather3A_836, %gather3A_844 : vector<16xf32>
    %swap3A_850 = arith.constant 112 : index
    %swap3A_851 = tpu.vector_load %arg5[%swap3A_850] {strides = array<i32>} : memref<640xf32, #tpu.memory_space<vmem>>, vector<16xf32>,
    tpu.vector_store %arg5[%swap3A_850], %mul3A_849 {strides = array<i32>} : memref<640xf32, #tpu.memory_space<vmem>>, vector<16xf32>,
    %mul3A_852 = arith.mulf %gather3A_836, %gather3A_848 : vector<16xf32>
    %add3A_853 = arith.addf %mul3A_852, %gather3A_840 : vector<16xf32>
    %swap3A_854 = arith.constant 432 : index
    %swap3A_855 = tpu.vector_load %arg5[%swap3A_854] {strides = array<i32>} : memref<640xf32, #tpu.memory_space<vmem>>, vector<16xf32>,
    tpu.vector_store %arg5[%swap3A_854], %add3A_853 {strides = array<i32>} : memref<640xf32, #tpu.memory_space<vmem>>, vector<16xf32>,
    %mul3A_856 = arith.constant 320 : i32
    %mul3A_857 = arith.muli %add3A, %mul3A_856 : i32
    %add3A_858 = arith.constant 128 : i32
    %add3A_859 = arith.addi %mul3A_857, %add3A_858 : i32
    %iota3A_860 = tpu.iota {dimensions = array<i32: 0>} : vector<16xi32>
    %add3A_861 = vector.broadcast %add3A_859 : i32 to vector<16xi32>
    %add3A_862 = arith.addi %add3A_861, %iota3A_860 : vector<16xi32>
    %and3A_863 = arith.constant 255 : i32
    %and3A_864 = vector.broadcast %and3A_863 : i32 to vector<16xi32>
    %and3A_865 = arith.andi %add3A_862, %and3A_864 : vector<16xi32>
    %shift_right_logical3A_866 = arith.constant 8 : i32
    %shift_right_logical3A_867 = vector.broadcast %shift_right_logical3A_866 : i32 to vector<16xi32>
    %shift_right_logical3A_868 = arith.shrui %add3A_862, %shift_right_logical3A_867 : vector<16xi32>
    %jit3A_869 = arith.constant 5 : i32
    %eq3A_870 = arith.constant 0 : i32
    %eq3A_871 = arith.cmpi eq, %jit3A_869, %eq3A_870 : i32
    %jit3A_872 = arith.constant 1 : i32
    %select_n3A_873 = arith.select %eq3A_871, %jit3A_872, %jit3A_869 : i32
    %rem3A_874 = vector.broadcast %select_n3A_873 : i32 to vector<16xi32>
    %rem3A_875 = arith.remsi %shift_right_logical3A_868, %rem3A_874 : vector<16xi32>
    %ne3A_876 = arith.constant 0 : i32
    %ne3A_877 = vector.broadcast %ne3A_876 : i32 to vector<16xi32>
    %ne3A_878 = arith.cmpi ne, %rem3A_875, %ne3A_877 : vector<16xi32>
    %lt3A_879 = arith.constant 0 : i32
    %lt3A_880 = vector.broadcast %lt3A_879 : i32 to vector<16xi32>
    %lt3A_881 = arith.cmpi slt, %rem3A_875, %lt3A_880 : vector<16xi32>
    %lt3A_882 = arith.constant 0 : i32
    %lt3A_883 = arith.cmpi slt, %select_n3A_873, %lt3A_882 : i32
    %ne3A_884 = vector.broadcast %lt3A_883 : i1 to vector<16xi1>
    %ne3A_885 = vector.broadcast %ne3A_884 : vector<16xi1> to vector<16xi1>
    %ne3A_886 = arith.xori %lt3A_881, %ne3A_885 : vector<16xi1>
    %and3A_887 = arith.andi %ne3A_886, %ne3A_878 : vector<16xi1>
    %add3A_888 = vector.broadcast %select_n3A_873 : i32 to vector<16xi32>
    %add3A_889 = arith.addi %rem3A_875, %add3A_888 : vector<16xi32>
    %select_n3A_890 = arith.select %and3A_887, %add3A_889, %rem3A_875 : vector<16xi1>, vector<16xi32>
    %jit3A_891 = arith.constant 1280 : i32
    %div3A_892 = vector.broadcast %jit3A_891 : i32 to vector<16xi32>
    %div3A_893 = arith.divsi %add3A_862, %div3A_892 : vector<16xi32>
    %sign3A_894 = arith.constant 0 : i32
    %sign3A_895 = vector.broadcast %sign3A_894 : i32 to vector<16xi32>
    %sign3A_896 = arith.cmpi sgt, %add3A_862, %sign3A_895 : vector<16xi32>
    %sign3A_897 = arith.extui %sign3A_896 : vector<16xi1> to vector<16xi32>
    %sign3A_898 = arith.constant 0 : i32
    %sign3A_899 = vector.broadcast %sign3A_898 : i32 to vector<16xi32>
    %sign3A_900 = arith.cmpi slt, %add3A_862, %sign3A_899 : vector<16xi32>
    %sign3A_901 = arith.extui %sign3A_900 : vector<16xi1> to vector<16xi32>
    %sign3A_902 = arith.subi %sign3A_897, %sign3A_901 : vector<16xi32>
    %sign3A_903 = arith.constant 0 : i32
    %sign3A_904 = arith.cmpi sgt, %jit3A_891, %sign3A_903 : i32
    %sign3A_905 = arith.extui %sign3A_904 : i1 to i32
    %sign3A_906 = arith.constant 0 : i32
    %sign3A_907 = arith.cmpi slt, %jit3A_891, %sign3A_906 : i32
    %sign3A_908 = arith.extui %sign3A_907 : i1 to i32
    %sign3A_909 = arith.subi %sign3A_905, %sign3A_908 : i32
    %ne3A_910 = vector.broadcast %sign3A_909 : i32 to vector<16xi32>
    %ne3A_911 = arith.cmpi ne, %sign3A_902, %ne3A_910 : vector<16xi32>
    %rem3A_912 = vector.broadcast %jit3A_891 : i32 to vector<16xi32>
    %rem3A_913 = arith.remsi %add3A_862, %rem3A_912 : vector<16xi32>
    %ne3A_914 = arith.constant 0 : i32
    %ne3A_915 = vector.broadcast %ne3A_914 : i32 to vector<16xi32>
    %ne3A_916 = arith.cmpi ne, %rem3A_913, %ne3A_915 : vector<16xi32>
    %and3A_917 = arith.andi %ne3A_911, %ne3A_916 : vector<16xi1>
    %sub3A_918 = arith.constant 1 : i32
    %sub3A_919 = vector.broadcast %sub3A_918 : i32 to vector<16xi32>
    %sub3A_920 = arith.subi %div3A_893, %sub3A_919 : vector<16xi32>
    %select_n3A_921 = arith.select %and3A_917, %sub3A_920, %div3A_893 : vector<16xi1>, vector<16xi32>
    %mul3A_922 = arith.constant 256 : i32
    %mul3A_923 = vector.broadcast %mul3A_922 : i32 to vector<16xi32>
    %mul3A_924 = arith.muli %select_n3A_921, %mul3A_923 : vector<16xi32>
    %add3A_925 = arith.addi %mul3A_924, %and3A_865 : vector<16xi32>
    %add3A_926 = arith.constant 7712 : i32
    %add3A_927 = vector.broadcast %add3A_926 : i32 to vector<16xi32>
    %add3A_928 = arith.addi %add3A_925, %add3A_927 : vector<16xi32>
    %gather3A_929 = tpu.vector_load_idx %arg4[%add3A_928] : memref<8736xf32, #tpu.memory_space<vmem>>[vector<16xi32>], vector<16xf32>,
    %bitcast3A_930 = vector.bitcast %gather3A_929 : vector<16xf32> to vector<16xi32>
    %max3A_931 = arith.maxsi %bitcast3A_930, %select_n3A_890 : vector<16xi32>
    %min3A_932 = arith.minsi %bitcast3A_930, %select_n3A_890 : vector<16xi32>
    %add3A_933 = arith.constant 1 : i32
    %add3A_934 = vector.broadcast %add3A_933 : i32 to vector<16xi32>
    %add3A_935 = arith.addi %max3A_931, %add3A_934 : vector<16xi32>
    %mul3A_936 = arith.muli %max3A_931, %add3A_935 : vector<16xi32>
    %shift_right_logical3A_937 = arith.constant 1 : i32
    %shift_right_logical3A_938 = vector.broadcast %shift_right_logical3A_937 : i32 to vector<16xi32>
    %shift_right_logical3A_939 = arith.shrui %mul3A_936, %shift_right_logical3A_938 : vector<16xi32>
    %add3A_940 = arith.addi %shift_right_logical3A_939, %min3A_932 : vector<16xi32>
    %mul3A_941 = arith.constant 256 : i32
    %mul3A_942 = vector.broadcast %mul3A_941 : i32 to vector<16xi32>
    %mul3A_943 = arith.muli %add3A_940, %mul3A_942 : vector<16xi32>
    %add3A_944 = arith.addi %mul3A_943, %and3A_865 : vector<16xi32>
    %gather3A_945 = tpu.vector_load_idx %arg4[%add3A_940] : memref<8736xf32, #tpu.memory_space<vmem>>[vector<16xi32>], vector<16xf32>,
    %add3A_946 = arith.constant 16 : i32
    %add3A_947 = vector.broadcast %add3A_946 : i32 to vector<16xi32>
    %add3A_948 = arith.addi %add3A_940, %add3A_947 : vector<16xi32>
    %gather3A_949 = tpu.vector_load_idx %arg4[%add3A_948] : memref<8736xf32, #tpu.memory_space<vmem>>[vector<16xi32>], vector<16xf32>,
    %add3A_950 = arith.constant 32 : i32
    %add3A_951 = vector.broadcast %add3A_950 : i32 to vector<16xi32>
    %add3A_952 = arith.addi %add3A_944, %add3A_951 : vector<16xi32>
    %gather3A_953 = tpu.vector_load_idx %arg4[%add3A_952] : memref<8736xf32, #tpu.memory_space<vmem>>[vector<16xi32>], vector<16xf32>,
    %add3A_954 = arith.constant 3872 : i32
    %add3A_955 = vector.broadcast %add3A_954 : i32 to vector<16xi32>
    %add3A_956 = arith.addi %add3A_944, %add3A_955 : vector<16xi32>
    %gather3A_957 = tpu.vector_load_idx %arg4[%add3A_956] : memref<8736xf32, #tpu.memory_space<vmem>>[vector<16xi32>], vector<16xf32>,
    %mul3A_958 = arith.mulf %gather3A_945, %gather3A_953 : vector<16xf32>
    %swap3A_959 = arith.constant 128 : index
    %swap3A_960 = tpu.vector_load %arg5[%swap3A_959] {strides = array<i32>} : memref<640xf32, #tpu.memory_space<vmem>>, vector<16xf32>,
    tpu.vector_store %arg5[%swap3A_959], %mul3A_958 {strides = array<i32>} : memref<640xf32, #tpu.memory_space<vmem>>, vector<16xf32>,
    %mul3A_961 = arith.mulf %gather3A_945, %gather3A_957 : vector<16xf32>
    %add3A_962 = arith.addf %mul3A_961, %gather3A_949 : vector<16xf32>
    %swap3A_963 = arith.constant 448 : index
    %swap3A_964 = tpu.vector_load %arg5[%swap3A_963] {strides = array<i32>} : memref<640xf32, #tpu.memory_space<vmem>>, vector<16xf32>,
    tpu.vector_store %arg5[%swap3A_963], %add3A_962 {strides = array<i32>} : memref<640xf32, #tpu.memory_space<vmem>>, vector<16xf32>,
    %mul3A_965 = arith.constant 320 : i32
    %mul3A_966 = arith.muli %add3A, %mul3A_965 : i32
    %add3A_967 = arith.constant 144 : i32
    %add3A_968 = arith.addi %mul3A_966, %add3A_967 : i32
    %iota3A_969 = tpu.iota {dimensions = array<i32: 0>} : vector<16xi32>
    %add3A_970 = vector.broadcast %add3A_968 : i32 to vector<16xi32>
    %add3A_971 = arith.addi %add3A_970, %iota3A_969 : vector<16xi32>
    %and3A_972 = arith.constant 255 : i32
    %and3A_973 = vector.broadcast %and3A_972 : i32 to vector<16xi32>
    %and3A_974 = arith.andi %add3A_971, %and3A_973 : vector<16xi32>
    %shift_right_logical3A_975 = arith.constant 8 : i32
    %shift_right_logical3A_976 = vector.broadcast %shift_right_logical3A_975 : i32 to vector<16xi32>
    %shift_right_logical3A_977 = arith.shrui %add3A_971, %shift_right_logical3A_976 : vector<16xi32>
    %jit3A_978 = arith.constant 5 : i32
    %eq3A_979 = arith.constant 0 : i32
    %eq3A_980 = arith.cmpi eq, %jit3A_978, %eq3A_979 : i32
    %jit3A_981 = arith.constant 1 : i32
    %select_n3A_982 = arith.select %eq3A_980, %jit3A_981, %jit3A_978 : i32
    %rem3A_983 = vector.broadcast %select_n3A_982 : i32 to vector<16xi32>
    %rem3A_984 = arith.remsi %shift_right_logical3A_977, %rem3A_983 : vector<16xi32>
    %ne3A_985 = arith.constant 0 : i32
    %ne3A_986 = vector.broadcast %ne3A_985 : i32 to vector<16xi32>
    %ne3A_987 = arith.cmpi ne, %rem3A_984, %ne3A_986 : vector<16xi32>
    %lt3A_988 = arith.constant 0 : i32
    %lt3A_989 = vector.broadcast %lt3A_988 : i32 to vector<16xi32>
    %lt3A_990 = arith.cmpi slt, %rem3A_984, %lt3A_989 : vector<16xi32>
    %lt3A_991 = arith.constant 0 : i32
    %lt3A_992 = arith.cmpi slt, %select_n3A_982, %lt3A_991 : i32
    %ne3A_993 = vector.broadcast %lt3A_992 : i1 to vector<16xi1>
    %ne3A_994 = vector.broadcast %ne3A_993 : vector<16xi1> to vector<16xi1>
    %ne3A_995 = arith.xori %lt3A_990, %ne3A_994 : vector<16xi1>
    %and3A_996 = arith.andi %ne3A_995, %ne3A_987 : vector<16xi1>
    %add3A_997 = vector.broadcast %select_n3A_982 : i32 to vector<16xi32>
    %add3A_998 = arith.addi %rem3A_984, %add3A_997 : vector<16xi32>
    %select_n3A_999 = arith.select %and3A_996, %add3A_998, %rem3A_984 : vector<16xi1>, vector<16xi32>
    %jit3A_1000 = arith.constant 1280 : i32
    %div3A_1001 = vector.broadcast %jit3A_1000 : i32 to vector<16xi32>
    %div3A_1002 = arith.divsi %add3A_971, %div3A_1001 : vector<16xi32>
    %sign3A_1003 = arith.constant 0 : i32
    %sign3A_1004 = vector.broadcast %sign3A_1003 : i32 to vector<16xi32>
    %sign3A_1005 = arith.cmpi sgt, %add3A_971, %sign3A_1004 : vector<16xi32>
    %sign3A_1006 = arith.extui %sign3A_1005 : vector<16xi1> to vector<16xi32>
    %sign3A_1007 = arith.constant 0 : i32
    %sign3A_1008 = vector.broadcast %sign3A_1007 : i32 to vector<16xi32>
    %sign3A_1009 = arith.cmpi slt, %add3A_971, %sign3A_1008 : vector<16xi32>
    %sign3A_1010 = arith.extui %sign3A_1009 : vector<16xi1> to vector<16xi32>
    %sign3A_1011 = arith.subi %sign3A_1006, %sign3A_1010 : vector<16xi32>
    %sign3A_1012 = arith.constant 0 : i32
    %sign3A_1013 = arith.cmpi sgt, %jit3A_1000, %sign3A_1012 : i32
    %sign3A_1014 = arith.extui %sign3A_1013 : i1 to i32
    %sign3A_1015 = arith.constant 0 : i32
    %sign3A_1016 = arith.cmpi slt, %jit3A_1000, %sign3A_1015 : i32
    %sign3A_1017 = arith.extui %sign3A_1016 : i1 to i32
    %sign3A_1018 = arith.subi %sign3A_1014, %sign3A_1017 : i32
    %ne3A_1019 = vector.broadcast %sign3A_1018 : i32 to vector<16xi32>
    %ne3A_1020 = arith.cmpi ne, %sign3A_1011, %ne3A_1019 : vector<16xi32>
    %rem3A_1021 = vector.broadcast %jit3A_1000 : i32 to vector<16xi32>
    %rem3A_1022 = arith.remsi %add3A_971, %rem3A_1021 : vector<16xi32>
    %ne3A_1023 = arith.constant 0 : i32
    %ne3A_1024 = vector.broadcast %ne3A_1023 : i32 to vector<16xi32>
    %ne3A_1025 = arith.cmpi ne, %rem3A_1022, %ne3A_1024 : vector<16xi32>
    %and3A_1026 = arith.andi %ne3A_1020, %ne3A_1025 : vector<16xi1>
    %sub3A_1027 = arith.constant 1 : i32
    %sub3A_1028 = vector.broadcast %sub3A_1027 : i32 to vector<16xi32>
    %sub3A_1029 = arith.subi %div3A_1002, %sub3A_1028 : vector<16xi32>
    %select_n3A_1030 = arith.select %and3A_1026, %sub3A_1029, %div3A_1002 : vector<16xi1>, vector<16xi32>
    %mul3A_1031 = arith.constant 256 : i32
    %mul3A_1032 = vector.broadcast %mul3A_1031 : i32 to vector<16xi32>
    %mul3A_1033 = arith.muli %select_n3A_1030, %mul3A_1032 : vector<16xi32>
    %add3A_1034 = arith.addi %mul3A_1033, %and3A_974 : vector<16xi32>
    %add3A_1035 = arith.constant 7712 : i32
    %add3A_1036 = vector.broadcast %add3A_1035 : i32 to vector<16xi32>
    %add3A_1037 = arith.addi %add3A_1034, %add3A_1036 : vector<16xi32>
    %gather3A_1038 = tpu.vector_load_idx %arg4[%add3A_1037] : memref<8736xf32, #tpu.memory_space<vmem>>[vector<16xi32>], vector<16xf32>,
    %bitcast3A_1039 = vector.bitcast %gather3A_1038 : vector<16xf32> to vector<16xi32>
    %max3A_1040 = arith.maxsi %bitcast3A_1039, %select_n3A_999 : vector<16xi32>
    %min3A_1041 = arith.minsi %bitcast3A_1039, %select_n3A_999 : vector<16xi32>
    %add3A_1042 = arith.constant 1 : i32
    %add3A_1043 = vector.broadcast %add3A_1042 : i32 to vector<16xi32>
    %add3A_1044 = arith.addi %max3A_1040, %add3A_1043 : vector<16xi32>
    %mul3A_1045 = arith.muli %max3A_1040, %add3A_1044 : vector<16xi32>
    %shift_right_logical3A_1046 = arith.constant 1 : i32
    %shift_right_logical3A_1047 = vector.broadcast %shift_right_logical3A_1046 : i32 to vector<16xi32>
    %shift_right_logical3A_1048 = arith.shrui %mul3A_1045, %shift_right_logical3A_1047 : vector<16xi32>
    %add3A_1049 = arith.addi %shift_right_logical3A_1048, %min3A_1041 : vector<16xi32>
    %mul3A_1050 = arith.constant 256 : i32
    %mul3A_1051 = vector.broadcast %mul3A_1050 : i32 to vector<16xi32>
    %mul3A_1052 = arith.muli %add3A_1049, %mul3A_1051 : vector<16xi32>
    %add3A_1053 = arith.addi %mul3A_1052, %and3A_974 : vector<16xi32>
    %gather3A_1054 = tpu.vector_load_idx %arg4[%add3A_1049] : memref<8736xf32, #tpu.memory_space<vmem>>[vector<16xi32>], vector<16xf32>,
    %add3A_1055 = arith.constant 16 : i32
    %add3A_1056 = vector.broadcast %add3A_1055 : i32 to vector<16xi32>
    %add3A_1057 = arith.addi %add3A_1049, %add3A_1056 : vector<16xi32>
    %gather3A_1058 = tpu.vector_load_idx %arg4[%add3A_1057] : memref<8736xf32, #tpu.memory_space<vmem>>[vector<16xi32>], vector<16xf32>,
    %add3A_1059 = arith.constant 32 : i32
    %add3A_1060 = vector.broadcast %add3A_1059 : i32 to vector<16xi32>
    %add3A_1061 = arith.addi %add3A_1053, %add3A_1060 : vector<16xi32>
    %gather3A_1062 = tpu.vector_load_idx %arg4[%add3A_1061] : memref<8736xf32, #tpu.memory_space<vmem>>[vector<16xi32>], vector<16xf32>,
    %add3A_1063 = arith.constant 3872 : i32
    %add3A_1064 = vector.broadcast %add3A_1063 : i32 to vector<16xi32>
    %add3A_1065 = arith.addi %add3A_1053, %add3A_1064 : vector<16xi32>
    %gather3A_1066 = tpu.vector_load_idx %arg4[%add3A_1065] : memref<8736xf32, #tpu.memory_space<vmem>>[vector<16xi32>], vector<16xf32>,
    %mul3A_1067 = arith.mulf %gather3A_1054, %gather3A_1062 : vector<16xf32>
    %swap3A_1068 = arith.constant 144 : index
    %swap3A_1069 = tpu.vector_load %arg5[%swap3A_1068] {strides = array<i32>} : memref<640xf32, #tpu.memory_space<vmem>>, vector<16xf32>,
    tpu.vector_store %arg5[%swap3A_1068], %mul3A_1067 {strides = array<i32>} : memref<640xf32, #tpu.memory_space<vmem>>, vector<16xf32>,
    %mul3A_1070 = arith.mulf %gather3A_1054, %gather3A_1066 : vector<16xf32>
    %add3A_1071 = arith.addf %mul3A_1070, %gather3A_1058 : vector<16xf32>
    %swap3A_1072 = arith.constant 464 : index
    %swap3A_1073 = tpu.vector_load %arg5[%swap3A_1072] {strides = array<i32>} : memref<640xf32, #tpu.memory_space<vmem>>, vector<16xf32>,
    tpu.vector_store %arg5[%swap3A_1072], %add3A_1071 {strides = array<i32>} : memref<640xf32, #tpu.memory_space<vmem>>, vector<16xf32>,
    %mul3A_1074 = arith.constant 320 : i32
    %mul3A_1075 = arith.muli %add3A, %mul3A_1074 : i32
    %add3A_1076 = arith.constant 160 : i32
    %add3A_1077 = arith.addi %mul3A_1075, %add3A_1076 : i32
    %iota3A_1078 = tpu.iota {dimensions = array<i32: 0>} : vector<16xi32>
    %add3A_1079 = vector.broadcast %add3A_1077 : i32 to vector<16xi32>
    %add3A_1080 = arith.addi %add3A_1079, %iota3A_1078 : vector<16xi32>
    %and3A_1081 = arith.constant 255 : i32
    %and3A_1082 = vector.broadcast %and3A_1081 : i32 to vector<16xi32>
    %and3A_1083 = arith.andi %add3A_1080, %and3A_1082 : vector<16xi32>
    %shift_right_logical3A_1084 = arith.constant 8 : i32
    %shift_right_logical3A_1085 = vector.broadcast %shift_right_logical3A_1084 : i32 to vector<16xi32>
    %shift_right_logical3A_1086 = arith.shrui %add3A_1080, %shift_right_logical3A_1085 : vector<16xi32>
    %jit3A_1087 = arith.constant 5 : i32
    %eq3A_1088 = arith.constant 0 : i32
    %eq3A_1089 = arith.cmpi eq, %jit3A_1087, %eq3A_1088 : i32
    %jit3A_1090 = arith.constant 1 : i32
    %select_n3A_1091 = arith.select %eq3A_1089, %jit3A_1090, %jit3A_1087 : i32
    %rem3A_1092 = vector.broadcast %select_n3A_1091 : i32 to vector<16xi32>
    %rem3A_1093 = arith.remsi %shift_right_logical3A_1086, %rem3A_1092 : vector<16xi32>
    %ne3A_1094 = arith.constant 0 : i32
    %ne3A_1095 = vector.broadcast %ne3A_1094 : i32 to vector<16xi32>
    %ne3A_1096 = arith.cmpi ne, %rem3A_1093, %ne3A_1095 : vector<16xi32>
    %lt3A_1097 = arith.constant 0 : i32
    %lt3A_1098 = vector.broadcast %lt3A_1097 : i32 to vector<16xi32>
    %lt3A_1099 = arith.cmpi slt, %rem3A_1093, %lt3A_1098 : vector<16xi32>
    %lt3A_1100 = arith.constant 0 : i32
    %lt3A_1101 = arith.cmpi slt, %select_n3A_1091, %lt3A_1100 : i32
    %ne3A_1102 = vector.broadcast %lt3A_1101 : i1 to vector<16xi1>
    %ne3A_1103 = vector.broadcast %ne3A_1102 : vector<16xi1> to vector<16xi1>
    %ne3A_1104 = arith.xori %lt3A_1099, %ne3A_1103 : vector<16xi1>
    %and3A_1105 = arith.andi %ne3A_1104, %ne3A_1096 : vector<16xi1>
    %add3A_1106 = vector.broadcast %select_n3A_1091 : i32 to vector<16xi32>
    %add3A_1107 = arith.addi %rem3A_1093, %add3A_1106 : vector<16xi32>
    %select_n3A_1108 = arith.select %and3A_1105, %add3A_1107, %rem3A_1093 : vector<16xi1>, vector<16xi32>
    %jit3A_1109 = arith.constant 1280 : i32
    %div3A_1110 = vector.broadcast %jit3A_1109 : i32 to vector<16xi32>
    %div3A_1111 = arith.divsi %add3A_1080, %div3A_1110 : vector<16xi32>
    %sign3A_1112 = arith.constant 0 : i32
    %sign3A_1113 = vector.broadcast %sign3A_1112 : i32 to vector<16xi32>
    %sign3A_1114 = arith.cmpi sgt, %add3A_1080, %sign3A_1113 : vector<16xi32>
    %sign3A_1115 = arith.extui %sign3A_1114 : vector<16xi1> to vector<16xi32>
    %sign3A_1116 = arith.constant 0 : i32
    %sign3A_1117 = vector.broadcast %sign3A_1116 : i32 to vector<16xi32>
    %sign3A_1118 = arith.cmpi slt, %add3A_1080, %sign3A_1117 : vector<16xi32>
    %sign3A_1119 = arith.extui %sign3A_1118 : vector<16xi1> to vector<16xi32>
    %sign3A_1120 = arith.subi %sign3A_1115, %sign3A_1119 : vector<16xi32>
    %sign3A_1121 = arith.constant 0 : i32
    %sign3A_1122 = arith.cmpi sgt, %jit3A_1109, %sign3A_1121 : i32
    %sign3A_1123 = arith.extui %sign3A_1122 : i1 to i32
    %sign3A_1124 = arith.constant 0 : i32
    %sign3A_1125 = arith.cmpi slt, %jit3A_1109, %sign3A_1124 : i32
    %sign3A_1126 = arith.extui %sign3A_1125 : i1 to i32
    %sign3A_1127 = arith.subi %sign3A_1123, %sign3A_1126 : i32
    %ne3A_1128 = vector.broadcast %sign3A_1127 : i32 to vector<16xi32>
    %ne3A_1129 = arith.cmpi ne, %sign3A_1120, %ne3A_1128 : vector<16xi32>
    %rem3A_1130 = vector.broadcast %jit3A_1109 : i32 to vector<16xi32>
    %rem3A_1131 = arith.remsi %add3A_1080, %rem3A_1130 : vector<16xi32>
    %ne3A_1132 = arith.constant 0 : i32
    %ne3A_1133 = vector.broadcast %ne3A_1132 : i32 to vector<16xi32>
    %ne3A_1134 = arith.cmpi ne, %rem3A_1131, %ne3A_1133 : vector<16xi32>
    %and3A_1135 = arith.andi %ne3A_1129, %ne3A_1134 : vector<16xi1>
    %sub3A_1136 = arith.constant 1 : i32
    %sub3A_1137 = vector.broadcast %sub3A_1136 : i32 to vector<16xi32>
    %sub3A_1138 = arith.subi %div3A_1111, %sub3A_1137 : vector<16xi32>
    %select_n3A_1139 = arith.select %and3A_1135, %sub3A_1138, %div3A_1111 : vector<16xi1>, vector<16xi32>
    %mul3A_1140 = arith.constant 256 : i32
    %mul3A_1141 = vector.broadcast %mul3A_1140 : i32 to vector<16xi32>
    %mul3A_1142 = arith.muli %select_n3A_1139, %mul3A_1141 : vector<16xi32>
    %add3A_1143 = arith.addi %mul3A_1142, %and3A_1083 : vector<16xi32>
    %add3A_1144 = arith.constant 7712 : i32
    %add3A_1145 = vector.broadcast %add3A_1144 : i32 to vector<16xi32>
    %add3A_1146 = arith.addi %add3A_1143, %add3A_1145 : vector<16xi32>
    %gather3A_1147 = tpu.vector_load_idx %arg4[%add3A_1146] : memref<8736xf32, #tpu.memory_space<vmem>>[vector<16xi32>], vector<16xf32>,
    %bitcast3A_1148 = vector.bitcast %gather3A_1147 : vector<16xf32> to vector<16xi32>
    %max3A_1149 = arith.maxsi %bitcast3A_1148, %select_n3A_1108 : vector<16xi32>
    %min3A_1150 = arith.minsi %bitcast3A_1148, %select_n3A_1108 : vector<16xi32>
    %add3A_1151 = arith.constant 1 : i32
    %add3A_1152 = vector.broadcast %add3A_1151 : i32 to vector<16xi32>
    %add3A_1153 = arith.addi %max3A_1149, %add3A_1152 : vector<16xi32>
    %mul3A_1154 = arith.muli %max3A_1149, %add3A_1153 : vector<16xi32>
    %shift_right_logical3A_1155 = arith.constant 1 : i32
    %shift_right_logical3A_1156 = vector.broadcast %shift_right_logical3A_1155 : i32 to vector<16xi32>
    %shift_right_logical3A_1157 = arith.shrui %mul3A_1154, %shift_right_logical3A_1156 : vector<16xi32>
    %add3A_1158 = arith.addi %shift_right_logical3A_1157, %min3A_1150 : vector<16xi32>
    %mul3A_1159 = arith.constant 256 : i32
    %mul3A_1160 = vector.broadcast %mul3A_1159 : i32 to vector<16xi32>
    %mul3A_1161 = arith.muli %add3A_1158, %mul3A_1160 : vector<16xi32>
    %add3A_1162 = arith.addi %mul3A_1161, %and3A_1083 : vector<16xi32>
    %gather3A_1163 = tpu.vector_load_idx %arg4[%add3A_1158] : memref<8736xf32, #tpu.memory_space<vmem>>[vector<16xi32>], vector<16xf32>,
    %add3A_1164 = arith.constant 16 : i32
    %add3A_1165 = vector.broadcast %add3A_1164 : i32 to vector<16xi32>
    %add3A_1166 = arith.addi %add3A_1158, %add3A_1165 : vector<16xi32>
    %gather3A_1167 = tpu.vector_load_idx %arg4[%add3A_1166] : memref<8736xf32, #tpu.memory_space<vmem>>[vector<16xi32>], vector<16xf32>,
    %add3A_1168 = arith.constant 32 : i32
    %add3A_1169 = vector.broadcast %add3A_1168 : i32 to vector<16xi32>
    %add3A_1170 = arith.addi %add3A_1162, %add3A_1169 : vector<16xi32>
    %gather3A_1171 = tpu.vector_load_idx %arg4[%add3A_1170] : memref<8736xf32, #tpu.memory_space<vmem>>[vector<16xi32>], vector<16xf32>,
    %add3A_1172 = arith.constant 3872 : i32
    %add3A_1173 = vector.broadcast %add3A_1172 : i32 to vector<16xi32>
    %add3A_1174 = arith.addi %add3A_1162, %add3A_1173 : vector<16xi32>
    %gather3A_1175 = tpu.vector_load_idx %arg4[%add3A_1174] : memref<8736xf32, #tpu.memory_space<vmem>>[vector<16xi32>], vector<16xf32>,
    %mul3A_1176 = arith.mulf %gather3A_1163, %gather3A_1171 : vector<16xf32>
    %swap3A_1177 = arith.constant 160 : index
    %swap3A_1178 = tpu.vector_load %arg5[%swap3A_1177] {strides = array<i32>} : memref<640xf32, #tpu.memory_space<vmem>>, vector<16xf32>,
    tpu.vector_store %arg5[%swap3A_1177], %mul3A_1176 {strides = array<i32>} : memref<640xf32, #tpu.memory_space<vmem>>, vector<16xf32>,
    %mul3A_1179 = arith.mulf %gather3A_1163, %gather3A_1175 : vector<16xf32>
    %add3A_1180 = arith.addf %mul3A_1179, %gather3A_1167 : vector<16xf32>
    %swap3A_1181 = arith.constant 480 : index
    %swap3A_1182 = tpu.vector_load %arg5[%swap3A_1181] {strides = array<i32>} : memref<640xf32, #tpu.memory_space<vmem>>, vector<16xf32>,
    tpu.vector_store %arg5[%swap3A_1181], %add3A_1180 {strides = array<i32>} : memref<640xf32, #tpu.memory_space<vmem>>, vector<16xf32>,
    %mul3A_1183 = arith.constant 320 : i32
    %mul3A_1184 = arith.muli %add3A, %mul3A_1183 : i32
    %add3A_1185 = arith.constant 176 : i32
    %add3A_1186 = arith.addi %mul3A_1184, %add3A_1185 : i32
    %iota3A_1187 = tpu.iota {dimensions = array<i32: 0>} : vector<16xi32>
    %add3A_1188 = vector.broadcast %add3A_1186 : i32 to vector<16xi32>
    %add3A_1189 = arith.addi %add3A_1188, %iota3A_1187 : vector<16xi32>
    %and3A_1190 = arith.constant 255 : i32
    %and3A_1191 = vector.broadcast %and3A_1190 : i32 to vector<16xi32>
    %and3A_1192 = arith.andi %add3A_1189, %and3A_1191 : vector<16xi32>
    %shift_right_logical3A_1193 = arith.constant 8 : i32
    %shift_right_logical3A_1194 = vector.broadcast %shift_right_logical3A_1193 : i32 to vector<16xi32>
    %shift_right_logical3A_1195 = arith.shrui %add3A_1189, %shift_right_logical3A_1194 : vector<16xi32>
    %jit3A_1196 = arith.constant 5 : i32
    %eq3A_1197 = arith.constant 0 : i32
    %eq3A_1198 = arith.cmpi eq, %jit3A_1196, %eq3A_1197 : i32
    %jit3A_1199 = arith.constant 1 : i32
    %select_n3A_1200 = arith.select %eq3A_1198, %jit3A_1199, %jit3A_1196 : i32
    %rem3A_1201 = vector.broadcast %select_n3A_1200 : i32 to vector<16xi32>
    %rem3A_1202 = arith.remsi %shift_right_logical3A_1195, %rem3A_1201 : vector<16xi32>
    %ne3A_1203 = arith.constant 0 : i32
    %ne3A_1204 = vector.broadcast %ne3A_1203 : i32 to vector<16xi32>
    %ne3A_1205 = arith.cmpi ne, %rem3A_1202, %ne3A_1204 : vector<16xi32>
    %lt3A_1206 = arith.constant 0 : i32
    %lt3A_1207 = vector.broadcast %lt3A_1206 : i32 to vector<16xi32>
    %lt3A_1208 = arith.cmpi slt, %rem3A_1202, %lt3A_1207 : vector<16xi32>
    %lt3A_1209 = arith.constant 0 : i32
    %lt3A_1210 = arith.cmpi slt, %select_n3A_1200, %lt3A_1209 : i32
    %ne3A_1211 = vector.broadcast %lt3A_1210 : i1 to vector<16xi1>
    %ne3A_1212 = vector.broadcast %ne3A_1211 : vector<16xi1> to vector<16xi1>
    %ne3A_1213 = arith.xori %lt3A_1208, %ne3A_1212 : vector<16xi1>
    %and3A_1214 = arith.andi %ne3A_1213, %ne3A_1205 : vector<16xi1>
    %add3A_1215 = vector.broadcast %select_n3A_1200 : i32 to vector<16xi32>
    %add3A_1216 = arith.addi %rem3A_1202, %add3A_1215 : vector<16xi32>
    %select_n3A_1217 = arith.select %and3A_1214, %add3A_1216, %rem3A_1202 : vector<16xi1>, vector<16xi32>
    %jit3A_1218 = arith.constant 1280 : i32
    %div3A_1219 = vector.broadcast %jit3A_1218 : i32 to vector<16xi32>
    %div3A_1220 = arith.divsi %add3A_1189, %div3A_1219 : vector<16xi32>
    %sign3A_1221 = arith.constant 0 : i32
    %sign3A_1222 = vector.broadcast %sign3A_1221 : i32 to vector<16xi32>
    %sign3A_1223 = arith.cmpi sgt, %add3A_1189, %sign3A_1222 : vector<16xi32>
    %sign3A_1224 = arith.extui %sign3A_1223 : vector<16xi1> to vector<16xi32>
    %sign3A_1225 = arith.constant 0 : i32
    %sign3A_1226 = vector.broadcast %sign3A_1225 : i32 to vector<16xi32>
    %sign3A_1227 = arith.cmpi slt, %add3A_1189, %sign3A_1226 : vector<16xi32>
    %sign3A_1228 = arith.extui %sign3A_1227 : vector<16xi1> to vector<16xi32>
    %sign3A_1229 = arith.subi %sign3A_1224, %sign3A_1228 : vector<16xi32>
    %sign3A_1230 = arith.constant 0 : i32
    %sign3A_1231 = arith.cmpi sgt, %jit3A_1218, %sign3A_1230 : i32
    %sign3A_1232 = arith.extui %sign3A_1231 : i1 to i32
    %sign3A_1233 = arith.constant 0 : i32
    %sign3A_1234 = arith.cmpi slt, %jit3A_1218, %sign3A_1233 : i32
    %sign3A_1235 = arith.extui %sign3A_1234 : i1 to i32
    %sign3A_1236 = arith.subi %sign3A_1232, %sign3A_1235 : i32
    %ne3A_1237 = vector.broadcast %sign3A_1236 : i32 to vector<16xi32>
    %ne3A_1238 = arith.cmpi ne, %sign3A_1229, %ne3A_1237 : vector<16xi32>
    %rem3A_1239 = vector.broadcast %jit3A_1218 : i32 to vector<16xi32>
    %rem3A_1240 = arith.remsi %add3A_1189, %rem3A_1239 : vector<16xi32>
    %ne3A_1241 = arith.constant 0 : i32
    %ne3A_1242 = vector.broadcast %ne3A_1241 : i32 to vector<16xi32>
    %ne3A_1243 = arith.cmpi ne, %rem3A_1240, %ne3A_1242 : vector<16xi32>
    %and3A_1244 = arith.andi %ne3A_1238, %ne3A_1243 : vector<16xi1>
    %sub3A_1245 = arith.constant 1 : i32
    %sub3A_1246 = vector.broadcast %sub3A_1245 : i32 to vector<16xi32>
    %sub3A_1247 = arith.subi %div3A_1220, %sub3A_1246 : vector<16xi32>
    %select_n3A_1248 = arith.select %and3A_1244, %sub3A_1247, %div3A_1220 : vector<16xi1>, vector<16xi32>
    %mul3A_1249 = arith.constant 256 : i32
    %mul3A_1250 = vector.broadcast %mul3A_1249 : i32 to vector<16xi32>
    %mul3A_1251 = arith.muli %select_n3A_1248, %mul3A_1250 : vector<16xi32>
    %add3A_1252 = arith.addi %mul3A_1251, %and3A_1192 : vector<16xi32>
    %add3A_1253 = arith.constant 7712 : i32
    %add3A_1254 = vector.broadcast %add3A_1253 : i32 to vector<16xi32>
    %add3A_1255 = arith.addi %add3A_1252, %add3A_1254 : vector<16xi32>
    %gather3A_1256 = tpu.vector_load_idx %arg4[%add3A_1255] : memref<8736xf32, #tpu.memory_space<vmem>>[vector<16xi32>], vector<16xf32>,
    %bitcast3A_1257 = vector.bitcast %gather3A_1256 : vector<16xf32> to vector<16xi32>
    %max3A_1258 = arith.maxsi %bitcast3A_1257, %select_n3A_1217 : vector<16xi32>
    %min3A_1259 = arith.minsi %bitcast3A_1257, %select_n3A_1217 : vector<16xi32>
    %add3A_1260 = arith.constant 1 : i32
    %add3A_1261 = vector.broadcast %add3A_1260 : i32 to vector<16xi32>
    %add3A_1262 = arith.addi %max3A_1258, %add3A_1261 : vector<16xi32>
    %mul3A_1263 = arith.muli %max3A_1258, %add3A_1262 : vector<16xi32>
    %shift_right_logical3A_1264 = arith.constant 1 : i32
    %shift_right_logical3A_1265 = vector.broadcast %shift_right_logical3A_1264 : i32 to vector<16xi32>
    %shift_right_logical3A_1266 = arith.shrui %mul3A_1263, %shift_right_logical3A_1265 : vector<16xi32>
    %add3A_1267 = arith.addi %shift_right_logical3A_1266, %min3A_1259 : vector<16xi32>
    %mul3A_1268 = arith.constant 256 : i32
    %mul3A_1269 = vector.broadcast %mul3A_1268 : i32 to vector<16xi32>
    %mul3A_1270 = arith.muli %add3A_1267, %mul3A_1269 : vector<16xi32>
    %add3A_1271 = arith.addi %mul3A_1270, %and3A_1192 : vector<16xi32>
    %gather3A_1272 = tpu.vector_load_idx %arg4[%add3A_1267] : memref<8736xf32, #tpu.memory_space<vmem>>[vector<16xi32>], vector<16xf32>,
    %add3A_1273 = arith.constant 16 : i32
    %add3A_1274 = vector.broadcast %add3A_1273 : i32 to vector<16xi32>
    %add3A_1275 = arith.addi %add3A_1267, %add3A_1274 : vector<16xi32>
    %gather3A_1276 = tpu.vector_load_idx %arg4[%add3A_1275] : memref<8736xf32, #tpu.memory_space<vmem>>[vector<16xi32>], vector<16xf32>,
    %add3A_1277 = arith.constant 32 : i32
    %add3A_1278 = vector.broadcast %add3A_1277 : i32 to vector<16xi32>
    %add3A_1279 = arith.addi %add3A_1271, %add3A_1278 : vector<16xi32>
    %gather3A_1280 = tpu.vector_load_idx %arg4[%add3A_1279] : memref<8736xf32, #tpu.memory_space<vmem>>[vector<16xi32>], vector<16xf32>,
    %add3A_1281 = arith.constant 3872 : i32
    %add3A_1282 = vector.broadcast %add3A_1281 : i32 to vector<16xi32>
    %add3A_1283 = arith.addi %add3A_1271, %add3A_1282 : vector<16xi32>
    %gather3A_1284 = tpu.vector_load_idx %arg4[%add3A_1283] : memref<8736xf32, #tpu.memory_space<vmem>>[vector<16xi32>], vector<16xf32>,
    %mul3A_1285 = arith.mulf %gather3A_1272, %gather3A_1280 : vector<16xf32>
    %swap3A_1286 = arith.constant 176 : index
    %swap3A_1287 = tpu.vector_load %arg5[%swap3A_1286] {strides = array<i32>} : memref<640xf32, #tpu.memory_space<vmem>>, vector<16xf32>,
    tpu.vector_store %arg5[%swap3A_1286], %mul3A_1285 {strides = array<i32>} : memref<640xf32, #tpu.memory_space<vmem>>, vector<16xf32>,
    %mul3A_1288 = arith.mulf %gather3A_1272, %gather3A_1284 : vector<16xf32>
    %add3A_1289 = arith.addf %mul3A_1288, %gather3A_1276 : vector<16xf32>
    %swap3A_1290 = arith.constant 496 : index
    %swap3A_1291 = tpu.vector_load %arg5[%swap3A_1290] {strides = array<i32>} : memref<640xf32, #tpu.memory_space<vmem>>, vector<16xf32>,
    tpu.vector_store %arg5[%swap3A_1290], %add3A_1289 {strides = array<i32>} : memref<640xf32, #tpu.memory_space<vmem>>, vector<16xf32>,
    %mul3A_1292 = arith.constant 320 : i32
    %mul3A_1293 = arith.muli %add3A, %mul3A_1292 : i32
    %add3A_1294 = arith.constant 192 : i32
    %add3A_1295 = arith.addi %mul3A_1293, %add3A_1294 : i32
    %iota3A_1296 = tpu.iota {dimensions = array<i32: 0>} : vector<16xi32>
    %add3A_1297 = vector.broadcast %add3A_1295 : i32 to vector<16xi32>
    %add3A_1298 = arith.addi %add3A_1297, %iota3A_1296 : vector<16xi32>
    %and3A_1299 = arith.constant 255 : i32
    %and3A_1300 = vector.broadcast %and3A_1299 : i32 to vector<16xi32>
    %and3A_1301 = arith.andi %add3A_1298, %and3A_1300 : vector<16xi32>
    %shift_right_logical3A_1302 = arith.constant 8 : i32
    %shift_right_logical3A_1303 = vector.broadcast %shift_right_logical3A_1302 : i32 to vector<16xi32>
    %shift_right_logical3A_1304 = arith.shrui %add3A_1298, %shift_right_logical3A_1303 : vector<16xi32>
    %jit3A_1305 = arith.constant 5 : i32
    %eq3A_1306 = arith.constant 0 : i32
    %eq3A_1307 = arith.cmpi eq, %jit3A_1305, %eq3A_1306 : i32
    %jit3A_1308 = arith.constant 1 : i32
    %select_n3A_1309 = arith.select %eq3A_1307, %jit3A_1308, %jit3A_1305 : i32
    %rem3A_1310 = vector.broadcast %select_n3A_1309 : i32 to vector<16xi32>
    %rem3A_1311 = arith.remsi %shift_right_logical3A_1304, %rem3A_1310 : vector<16xi32>
    %ne3A_1312 = arith.constant 0 : i32
    %ne3A_1313 = vector.broadcast %ne3A_1312 : i32 to vector<16xi32>
    %ne3A_1314 = arith.cmpi ne, %rem3A_1311, %ne3A_1313 : vector<16xi32>
    %lt3A_1315 = arith.constant 0 : i32
    %lt3A_1316 = vector.broadcast %lt3A_1315 : i32 to vector<16xi32>
    %lt3A_1317 = arith.cmpi slt, %rem3A_1311, %lt3A_1316 : vector<16xi32>
    %lt3A_1318 = arith.constant 0 : i32
    %lt3A_1319 = arith.cmpi slt, %select_n3A_1309, %lt3A_1318 : i32
    %ne3A_1320 = vector.broadcast %lt3A_1319 : i1 to vector<16xi1>
    %ne3A_1321 = vector.broadcast %ne3A_1320 : vector<16xi1> to vector<16xi1>
    %ne3A_1322 = arith.xori %lt3A_1317, %ne3A_1321 : vector<16xi1>
    %and3A_1323 = arith.andi %ne3A_1322, %ne3A_1314 : vector<16xi1>
    %add3A_1324 = vector.broadcast %select_n3A_1309 : i32 to vector<16xi32>
    %add3A_1325 = arith.addi %rem3A_1311, %add3A_1324 : vector<16xi32>
    %select_n3A_1326 = arith.select %and3A_1323, %add3A_1325, %rem3A_1311 : vector<16xi1>, vector<16xi32>
    %jit3A_1327 = arith.constant 1280 : i32
    %div3A_1328 = vector.broadcast %jit3A_1327 : i32 to vector<16xi32>
    %div3A_1329 = arith.divsi %add3A_1298, %div3A_1328 : vector<16xi32>
    %sign3A_1330 = arith.constant 0 : i32
    %sign3A_1331 = vector.broadcast %sign3A_1330 : i32 to vector<16xi32>
    %sign3A_1332 = arith.cmpi sgt, %add3A_1298, %sign3A_1331 : vector<16xi32>
    %sign3A_1333 = arith.extui %sign3A_1332 : vector<16xi1> to vector<16xi32>
    %sign3A_1334 = arith.constant 0 : i32
    %sign3A_1335 = vector.broadcast %sign3A_1334 : i32 to vector<16xi32>
    %sign3A_1336 = arith.cmpi slt, %add3A_1298, %sign3A_1335 : vector<16xi32>
    %sign3A_1337 = arith.extui %sign3A_1336 : vector<16xi1> to vector<16xi32>
    %sign3A_1338 = arith.subi %sign3A_1333, %sign3A_1337 : vector<16xi32>
    %sign3A_1339 = arith.constant 0 : i32
    %sign3A_1340 = arith.cmpi sgt, %jit3A_1327, %sign3A_1339 : i32
    %sign3A_1341 = arith.extui %sign3A_1340 : i1 to i32
    %sign3A_1342 = arith.constant 0 : i32
    %sign3A_1343 = arith.cmpi slt, %jit3A_1327, %sign3A_1342 : i32
    %sign3A_1344 = arith.extui %sign3A_1343 : i1 to i32
    %sign3A_1345 = arith.subi %sign3A_1341, %sign3A_1344 : i32
    %ne3A_1346 = vector.broadcast %sign3A_1345 : i32 to vector<16xi32>
    %ne3A_1347 = arith.cmpi ne, %sign3A_1338, %ne3A_1346 : vector<16xi32>
    %rem3A_1348 = vector.broadcast %jit3A_1327 : i32 to vector<16xi32>
    %rem3A_1349 = arith.remsi %add3A_1298, %rem3A_1348 : vector<16xi32>
    %ne3A_1350 = arith.constant 0 : i32
    %ne3A_1351 = vector.broadcast %ne3A_1350 : i32 to vector<16xi32>
    %ne3A_1352 = arith.cmpi ne, %rem3A_1349, %ne3A_1351 : vector<16xi32>
    %and3A_1353 = arith.andi %ne3A_1347, %ne3A_1352 : vector<16xi1>
    %sub3A_1354 = arith.constant 1 : i32
    %sub3A_1355 = vector.broadcast %sub3A_1354 : i32 to vector<16xi32>
    %sub3A_1356 = arith.subi %div3A_1329, %sub3A_1355 : vector<16xi32>
    %select_n3A_1357 = arith.select %and3A_1353, %sub3A_1356, %div3A_1329 : vector<16xi1>, vector<16xi32>
    %mul3A_1358 = arith.constant 256 : i32
    %mul3A_1359 = vector.broadcast %mul3A_1358 : i32 to vector<16xi32>
    %mul3A_1360 = arith.muli %select_n3A_1357, %mul3A_1359 : vector<16xi32>
    %add3A_1361 = arith.addi %mul3A_1360, %and3A_1301 : vector<16xi32>
    %add3A_1362 = arith.constant 7712 : i32
    %add3A_1363 = vector.broadcast %add3A_1362 : i32 to vector<16xi32>
    %add3A_1364 = arith.addi %add3A_1361, %add3A_1363 : vector<16xi32>
    %gather3A_1365 = tpu.vector_load_idx %arg4[%add3A_1364] : memref<8736xf32, #tpu.memory_space<vmem>>[vector<16xi32>], vector<16xf32>,
    %bitcast3A_1366 = vector.bitcast %gather3A_1365 : vector<16xf32> to vector<16xi32>
    %max3A_1367 = arith.maxsi %bitcast3A_1366, %select_n3A_1326 : vector<16xi32>
    %min3A_1368 = arith.minsi %bitcast3A_1366, %select_n3A_1326 : vector<16xi32>
    %add3A_1369 = arith.constant 1 : i32
    %add3A_1370 = vector.broadcast %add3A_1369 : i32 to vector<16xi32>
    %add3A_1371 = arith.addi %max3A_1367, %add3A_1370 : vector<16xi32>
    %mul3A_1372 = arith.muli %max3A_1367, %add3A_1371 : vector<16xi32>
    %shift_right_logical3A_1373 = arith.constant 1 : i32
    %shift_right_logical3A_1374 = vector.broadcast %shift_right_logical3A_1373 : i32 to vector<16xi32>
    %shift_right_logical3A_1375 = arith.shrui %mul3A_1372, %shift_right_logical3A_1374 : vector<16xi32>
    %add3A_1376 = arith.addi %shift_right_logical3A_1375, %min3A_1368 : vector<16xi32>
    %mul3A_1377 = arith.constant 256 : i32
    %mul3A_1378 = vector.broadcast %mul3A_1377 : i32 to vector<16xi32>
    %mul3A_1379 = arith.muli %add3A_1376, %mul3A_1378 : vector<16xi32>
    %add3A_1380 = arith.addi %mul3A_1379, %and3A_1301 : vector<16xi32>
    %gather3A_1381 = tpu.vector_load_idx %arg4[%add3A_1376] : memref<8736xf32, #tpu.memory_space<vmem>>[vector<16xi32>], vector<16xf32>,
    %add3A_1382 = arith.constant 16 : i32
    %add3A_1383 = vector.broadcast %add3A_1382 : i32 to vector<16xi32>
    %add3A_1384 = arith.addi %add3A_1376, %add3A_1383 : vector<16xi32>
    %gather3A_1385 = tpu.vector_load_idx %arg4[%add3A_1384] : memref<8736xf32, #tpu.memory_space<vmem>>[vector<16xi32>], vector<16xf32>,
    %add3A_1386 = arith.constant 32 : i32
    %add3A_1387 = vector.broadcast %add3A_1386 : i32 to vector<16xi32>
    %add3A_1388 = arith.addi %add3A_1380, %add3A_1387 : vector<16xi32>
    %gather3A_1389 = tpu.vector_load_idx %arg4[%add3A_1388] : memref<8736xf32, #tpu.memory_space<vmem>>[vector<16xi32>], vector<16xf32>,
    %add3A_1390 = arith.constant 3872 : i32
    %add3A_1391 = vector.broadcast %add3A_1390 : i32 to vector<16xi32>
    %add3A_1392 = arith.addi %add3A_1380, %add3A_1391 : vector<16xi32>
    %gather3A_1393 = tpu.vector_load_idx %arg4[%add3A_1392] : memref<8736xf32, #tpu.memory_space<vmem>>[vector<16xi32>], vector<16xf32>,
    %mul3A_1394 = arith.mulf %gather3A_1381, %gather3A_1389 : vector<16xf32>
    %swap3A_1395 = arith.constant 192 : index
    %swap3A_1396 = tpu.vector_load %arg5[%swap3A_1395] {strides = array<i32>} : memref<640xf32, #tpu.memory_space<vmem>>, vector<16xf32>,
    tpu.vector_store %arg5[%swap3A_1395], %mul3A_1394 {strides = array<i32>} : memref<640xf32, #tpu.memory_space<vmem>>, vector<16xf32>,
    %mul3A_1397 = arith.mulf %gather3A_1381, %gather3A_1393 : vector<16xf32>
    %add3A_1398 = arith.addf %mul3A_1397, %gather3A_1385 : vector<16xf32>
    %swap3A_1399 = arith.constant 512 : index
    %swap3A_1400 = tpu.vector_load %arg5[%swap3A_1399] {strides = array<i32>} : memref<640xf32, #tpu.memory_space<vmem>>, vector<16xf32>,
    tpu.vector_store %arg5[%swap3A_1399], %add3A_1398 {strides = array<i32>} : memref<640xf32, #tpu.memory_space<vmem>>, vector<16xf32>,
    %mul3A_1401 = arith.constant 320 : i32
    %mul3A_1402 = arith.muli %add3A, %mul3A_1401 : i32
    %add3A_1403 = arith.constant 208 : i32
    %add3A_1404 = arith.addi %mul3A_1402, %add3A_1403 : i32
    %iota3A_1405 = tpu.iota {dimensions = array<i32: 0>} : vector<16xi32>
    %add3A_1406 = vector.broadcast %add3A_1404 : i32 to vector<16xi32>
    %add3A_1407 = arith.addi %add3A_1406, %iota3A_1405 : vector<16xi32>
    %and3A_1408 = arith.constant 255 : i32
    %and3A_1409 = vector.broadcast %and3A_1408 : i32 to vector<16xi32>
    %and3A_1410 = arith.andi %add3A_1407, %and3A_1409 : vector<16xi32>
    %shift_right_logical3A_1411 = arith.constant 8 : i32
    %shift_right_logical3A_1412 = vector.broadcast %shift_right_logical3A_1411 : i32 to vector<16xi32>
    %shift_right_logical3A_1413 = arith.shrui %add3A_1407, %shift_right_logical3A_1412 : vector<16xi32>
    %jit3A_1414 = arith.constant 5 : i32
    %eq3A_1415 = arith.constant 0 : i32
    %eq3A_1416 = arith.cmpi eq, %jit3A_1414, %eq3A_1415 : i32
    %jit3A_1417 = arith.constant 1 : i32
    %select_n3A_1418 = arith.select %eq3A_1416, %jit3A_1417, %jit3A_1414 : i32
    %rem3A_1419 = vector.broadcast %select_n3A_1418 : i32 to vector<16xi32>
    %rem3A_1420 = arith.remsi %shift_right_logical3A_1413, %rem3A_1419 : vector<16xi32>
    %ne3A_1421 = arith.constant 0 : i32
    %ne3A_1422 = vector.broadcast %ne3A_1421 : i32 to vector<16xi32>
    %ne3A_1423 = arith.cmpi ne, %rem3A_1420, %ne3A_1422 : vector<16xi32>
    %lt3A_1424 = arith.constant 0 : i32
    %lt3A_1425 = vector.broadcast %lt3A_1424 : i32 to vector<16xi32>
    %lt3A_1426 = arith.cmpi slt, %rem3A_1420, %lt3A_1425 : vector<16xi32>
    %lt3A_1427 = arith.constant 0 : i32
    %lt3A_1428 = arith.cmpi slt, %select_n3A_1418, %lt3A_1427 : i32
    %ne3A_1429 = vector.broadcast %lt3A_1428 : i1 to vector<16xi1>
    %ne3A_1430 = vector.broadcast %ne3A_1429 : vector<16xi1> to vector<16xi1>
    %ne3A_1431 = arith.xori %lt3A_1426, %ne3A_1430 : vector<16xi1>
    %and3A_1432 = arith.andi %ne3A_1431, %ne3A_1423 : vector<16xi1>
    %add3A_1433 = vector.broadcast %select_n3A_1418 : i32 to vector<16xi32>
    %add3A_1434 = arith.addi %rem3A_1420, %add3A_1433 : vector<16xi32>
    %select_n3A_1435 = arith.select %and3A_1432, %add3A_1434, %rem3A_1420 : vector<16xi1>, vector<16xi32>
    %jit3A_1436 = arith.constant 1280 : i32
    %div3A_1437 = vector.broadcast %jit3A_1436 : i32 to vector<16xi32>
    %div3A_1438 = arith.divsi %add3A_1407, %div3A_1437 : vector<16xi32>
    %sign3A_1439 = arith.constant 0 : i32
    %sign3A_1440 = vector.broadcast %sign3A_1439 : i32 to vector<16xi32>
    %sign3A_1441 = arith.cmpi sgt, %add3A_1407, %sign3A_1440 : vector<16xi32>
    %sign3A_1442 = arith.extui %sign3A_1441 : vector<16xi1> to vector<16xi32>
    %sign3A_1443 = arith.constant 0 : i32
    %sign3A_1444 = vector.broadcast %sign3A_1443 : i32 to vector<16xi32>
    %sign3A_1445 = arith.cmpi slt, %add3A_1407, %sign3A_1444 : vector<16xi32>
    %sign3A_1446 = arith.extui %sign3A_1445 : vector<16xi1> to vector<16xi32>
    %sign3A_1447 = arith.subi %sign3A_1442, %sign3A_1446 : vector<16xi32>
    %sign3A_1448 = arith.constant 0 : i32
    %sign3A_1449 = arith.cmpi sgt, %jit3A_1436, %sign3A_1448 : i32
    %sign3A_1450 = arith.extui %sign3A_1449 : i1 to i32
    %sign3A_1451 = arith.constant 0 : i32
    %sign3A_1452 = arith.cmpi slt, %jit3A_1436, %sign3A_1451 : i32
    %sign3A_1453 = arith.extui %sign3A_1452 : i1 to i32
    %sign3A_1454 = arith.subi %sign3A_1450, %sign3A_1453 : i32
    %ne3A_1455 = vector.broadcast %sign3A_1454 : i32 to vector<16xi32>
    %ne3A_1456 = arith.cmpi ne, %sign3A_1447, %ne3A_1455 : vector<16xi32>
    %rem3A_1457 = vector.broadcast %jit3A_1436 : i32 to vector<16xi32>
    %rem3A_1458 = arith.remsi %add3A_1407, %rem3A_1457 : vector<16xi32>
    %ne3A_1459 = arith.constant 0 : i32
    %ne3A_1460 = vector.broadcast %ne3A_1459 : i32 to vector<16xi32>
    %ne3A_1461 = arith.cmpi ne, %rem3A_1458, %ne3A_1460 : vector<16xi32>
    %and3A_1462 = arith.andi %ne3A_1456, %ne3A_1461 : vector<16xi1>
    %sub3A_1463 = arith.constant 1 : i32
    %sub3A_1464 = vector.broadcast %sub3A_1463 : i32 to vector<16xi32>
    %sub3A_1465 = arith.subi %div3A_1438, %sub3A_1464 : vector<16xi32>
    %select_n3A_1466 = arith.select %and3A_1462, %sub3A_1465, %div3A_1438 : vector<16xi1>, vector<16xi32>
    %mul3A_1467 = arith.constant 256 : i32
    %mul3A_1468 = vector.broadcast %mul3A_1467 : i32 to vector<16xi32>
    %mul3A_1469 = arith.muli %select_n3A_1466, %mul3A_1468 : vector<16xi32>
    %add3A_1470 = arith.addi %mul3A_1469, %and3A_1410 : vector<16xi32>
    %add3A_1471 = arith.constant 7712 : i32
    %add3A_1472 = vector.broadcast %add3A_1471 : i32 to vector<16xi32>
    %add3A_1473 = arith.addi %add3A_1470, %add3A_1472 : vector<16xi32>
    %gather3A_1474 = tpu.vector_load_idx %arg4[%add3A_1473] : memref<8736xf32, #tpu.memory_space<vmem>>[vector<16xi32>], vector<16xf32>,
    %bitcast3A_1475 = vector.bitcast %gather3A_1474 : vector<16xf32> to vector<16xi32>
    %max3A_1476 = arith.maxsi %bitcast3A_1475, %select_n3A_1435 : vector<16xi32>
    %min3A_1477 = arith.minsi %bitcast3A_1475, %select_n3A_1435 : vector<16xi32>
    %add3A_1478 = arith.constant 1 : i32
    %add3A_1479 = vector.broadcast %add3A_1478 : i32 to vector<16xi32>
    %add3A_1480 = arith.addi %max3A_1476, %add3A_1479 : vector<16xi32>
    %mul3A_1481 = arith.muli %max3A_1476, %add3A_1480 : vector<16xi32>
    %shift_right_logical3A_1482 = arith.constant 1 : i32
    %shift_right_logical3A_1483 = vector.broadcast %shift_right_logical3A_1482 : i32 to vector<16xi32>
    %shift_right_logical3A_1484 = arith.shrui %mul3A_1481, %shift_right_logical3A_1483 : vector<16xi32>
    %add3A_1485 = arith.addi %shift_right_logical3A_1484, %min3A_1477 : vector<16xi32>
    %mul3A_1486 = arith.constant 256 : i32
    %mul3A_1487 = vector.broadcast %mul3A_1486 : i32 to vector<16xi32>
    %mul3A_1488 = arith.muli %add3A_1485, %mul3A_1487 : vector<16xi32>
    %add3A_1489 = arith.addi %mul3A_1488, %and3A_1410 : vector<16xi32>
    %gather3A_1490 = tpu.vector_load_idx %arg4[%add3A_1485] : memref<8736xf32, #tpu.memory_space<vmem>>[vector<16xi32>], vector<16xf32>,
    %add3A_1491 = arith.constant 16 : i32
    %add3A_1492 = vector.broadcast %add3A_1491 : i32 to vector<16xi32>
    %add3A_1493 = arith.addi %add3A_1485, %add3A_1492 : vector<16xi32>
    %gather3A_1494 = tpu.vector_load_idx %arg4[%add3A_1493] : memref<8736xf32, #tpu.memory_space<vmem>>[vector<16xi32>], vector<16xf32>,
    %add3A_1495 = arith.constant 32 : i32
    %add3A_1496 = vector.broadcast %add3A_1495 : i32 to vector<16xi32>
    %add3A_1497 = arith.addi %add3A_1489, %add3A_1496 : vector<16xi32>
    %gather3A_1498 = tpu.vector_load_idx %arg4[%add3A_1497] : memref<8736xf32, #tpu.memory_space<vmem>>[vector<16xi32>], vector<16xf32>,
    %add3A_1499 = arith.constant 3872 : i32
    %add3A_1500 = vector.broadcast %add3A_1499 : i32 to vector<16xi32>
    %add3A_1501 = arith.addi %add3A_1489, %add3A_1500 : vector<16xi32>
    %gather3A_1502 = tpu.vector_load_idx %arg4[%add3A_1501] : memref<8736xf32, #tpu.memory_space<vmem>>[vector<16xi32>], vector<16xf32>,
    %mul3A_1503 = arith.mulf %gather3A_1490, %gather3A_1498 : vector<16xf32>
    %swap3A_1504 = arith.constant 208 : index
    %swap3A_1505 = tpu.vector_load %arg5[%swap3A_1504] {strides = array<i32>} : memref<640xf32, #tpu.memory_space<vmem>>, vector<16xf32>,
    tpu.vector_store %arg5[%swap3A_1504], %mul3A_1503 {strides = array<i32>} : memref<640xf32, #tpu.memory_space<vmem>>, vector<16xf32>,
    %mul3A_1506 = arith.mulf %gather3A_1490, %gather3A_1502 : vector<16xf32>
    %add3A_1507 = arith.addf %mul3A_1506, %gather3A_1494 : vector<16xf32>
    %swap3A_1508 = arith.constant 528 : index
    %swap3A_1509 = tpu.vector_load %arg5[%swap3A_1508] {strides = array<i32>} : memref<640xf32, #tpu.memory_space<vmem>>, vector<16xf32>,
    tpu.vector_store %arg5[%swap3A_1508], %add3A_1507 {strides = array<i32>} : memref<640xf32, #tpu.memory_space<vmem>>, vector<16xf32>,
    %mul3A_1510 = arith.constant 320 : i32
    %mul3A_1511 = arith.muli %add3A, %mul3A_1510 : i32
    %add3A_1512 = arith.constant 224 : i32
    %add3A_1513 = arith.addi %mul3A_1511, %add3A_1512 : i32
    %iota3A_1514 = tpu.iota {dimensions = array<i32: 0>} : vector<16xi32>
    %add3A_1515 = vector.broadcast %add3A_1513 : i32 to vector<16xi32>
    %add3A_1516 = arith.addi %add3A_1515, %iota3A_1514 : vector<16xi32>
    %and3A_1517 = arith.constant 255 : i32
    %and3A_1518 = vector.broadcast %and3A_1517 : i32 to vector<16xi32>
    %and3A_1519 = arith.andi %add3A_1516, %and3A_1518 : vector<16xi32>
    %shift_right_logical3A_1520 = arith.constant 8 : i32
    %shift_right_logical3A_1521 = vector.broadcast %shift_right_logical3A_1520 : i32 to vector<16xi32>
    %shift_right_logical3A_1522 = arith.shrui %add3A_1516, %shift_right_logical3A_1521 : vector<16xi32>
    %jit3A_1523 = arith.constant 5 : i32
    %eq3A_1524 = arith.constant 0 : i32
    %eq3A_1525 = arith.cmpi eq, %jit3A_1523, %eq3A_1524 : i32
    %jit3A_1526 = arith.constant 1 : i32
    %select_n3A_1527 = arith.select %eq3A_1525, %jit3A_1526, %jit3A_1523 : i32
    %rem3A_1528 = vector.broadcast %select_n3A_1527 : i32 to vector<16xi32>
    %rem3A_1529 = arith.remsi %shift_right_logical3A_1522, %rem3A_1528 : vector<16xi32>
    %ne3A_1530 = arith.constant 0 : i32
    %ne3A_1531 = vector.broadcast %ne3A_1530 : i32 to vector<16xi32>
    %ne3A_1532 = arith.cmpi ne, %rem3A_1529, %ne3A_1531 : vector<16xi32>
    %lt3A_1533 = arith.constant 0 : i32
    %lt3A_1534 = vector.broadcast %lt3A_1533 : i32 to vector<16xi32>
    %lt3A_1535 = arith.cmpi slt, %rem3A_1529, %lt3A_1534 : vector<16xi32>
    %lt3A_1536 = arith.constant 0 : i32
    %lt3A_1537 = arith.cmpi slt, %select_n3A_1527, %lt3A_1536 : i32
    %ne3A_1538 = vector.broadcast %lt3A_1537 : i1 to vector<16xi1>
    %ne3A_1539 = vector.broadcast %ne3A_1538 : vector<16xi1> to vector<16xi1>
    %ne3A_1540 = arith.xori %lt3A_1535, %ne3A_1539 : vector<16xi1>
    %and3A_1541 = arith.andi %ne3A_1540, %ne3A_1532 : vector<16xi1>
    %add3A_1542 = vector.broadcast %select_n3A_1527 : i32 to vector<16xi32>
    %add3A_1543 = arith.addi %rem3A_1529, %add3A_1542 : vector<16xi32>
    %select_n3A_1544 = arith.select %and3A_1541, %add3A_1543, %rem3A_1529 : vector<16xi1>, vector<16xi32>
    %jit3A_1545 = arith.constant 1280 : i32
    %div3A_1546 = vector.broadcast %jit3A_1545 : i32 to vector<16xi32>
    %div3A_1547 = arith.divsi %add3A_1516, %div3A_1546 : vector<16xi32>
    %sign3A_1548 = arith.constant 0 : i32
    %sign3A_1549 = vector.broadcast %sign3A_1548 : i32 to vector<16xi32>
    %sign3A_1550 = arith.cmpi sgt, %add3A_1516, %sign3A_1549 : vector<16xi32>
    %sign3A_1551 = arith.extui %sign3A_1550 : vector<16xi1> to vector<16xi32>
    %sign3A_1552 = arith.constant 0 : i32
    %sign3A_1553 = vector.broadcast %sign3A_1552 : i32 to vector<16xi32>
    %sign3A_1554 = arith.cmpi slt, %add3A_1516, %sign3A_1553 : vector<16xi32>
    %sign3A_1555 = arith.extui %sign3A_1554 : vector<16xi1> to vector<16xi32>
    %sign3A_1556 = arith.subi %sign3A_1551, %sign3A_1555 : vector<16xi32>
    %sign3A_1557 = arith.constant 0 : i32
    %sign3A_1558 = arith.cmpi sgt, %jit3A_1545, %sign3A_1557 : i32
    %sign3A_1559 = arith.extui %sign3A_1558 : i1 to i32
    %sign3A_1560 = arith.constant 0 : i32
    %sign3A_1561 = arith.cmpi slt, %jit3A_1545, %sign3A_1560 : i32
    %sign3A_1562 = arith.extui %sign3A_1561 : i1 to i32
    %sign3A_1563 = arith.subi %sign3A_1559, %sign3A_1562 : i32
    %ne3A_1564 = vector.broadcast %sign3A_1563 : i32 to vector<16xi32>
    %ne3A_1565 = arith.cmpi ne, %sign3A_1556, %ne3A_1564 : vector<16xi32>
    %rem3A_1566 = vector.broadcast %jit3A_1545 : i32 to vector<16xi32>
    %rem3A_1567 = arith.remsi %add3A_1516, %rem3A_1566 : vector<16xi32>
    %ne3A_1568 = arith.constant 0 : i32
    %ne3A_1569 = vector.broadcast %ne3A_1568 : i32 to vector<16xi32>
    %ne3A_1570 = arith.cmpi ne, %rem3A_1567, %ne3A_1569 : vector<16xi32>
    %and3A_1571 = arith.andi %ne3A_1565, %ne3A_1570 : vector<16xi1>
    %sub3A_1572 = arith.constant 1 : i32
    %sub3A_1573 = vector.broadcast %sub3A_1572 : i32 to vector<16xi32>
    %sub3A_1574 = arith.subi %div3A_1547, %sub3A_1573 : vector<16xi32>
    %select_n3A_1575 = arith.select %and3A_1571, %sub3A_1574, %div3A_1547 : vector<16xi1>, vector<16xi32>
    %mul3A_1576 = arith.constant 256 : i32
    %mul3A_1577 = vector.broadcast %mul3A_1576 : i32 to vector<16xi32>
    %mul3A_1578 = arith.muli %select_n3A_1575, %mul3A_1577 : vector<16xi32>
    %add3A_1579 = arith.addi %mul3A_1578, %and3A_1519 : vector<16xi32>
    %add3A_1580 = arith.constant 7712 : i32
    %add3A_1581 = vector.broadcast %add3A_1580 : i32 to vector<16xi32>
    %add3A_1582 = arith.addi %add3A_1579, %add3A_1581 : vector<16xi32>
    %gather3A_1583 = tpu.vector_load_idx %arg4[%add3A_1582] : memref<8736xf32, #tpu.memory_space<vmem>>[vector<16xi32>], vector<16xf32>,
    %bitcast3A_1584 = vector.bitcast %gather3A_1583 : vector<16xf32> to vector<16xi32>
    %max3A_1585 = arith.maxsi %bitcast3A_1584, %select_n3A_1544 : vector<16xi32>
    %min3A_1586 = arith.minsi %bitcast3A_1584, %select_n3A_1544 : vector<16xi32>
    %add3A_1587 = arith.constant 1 : i32
    %add3A_1588 = vector.broadcast %add3A_1587 : i32 to vector<16xi32>
    %add3A_1589 = arith.addi %max3A_1585, %add3A_1588 : vector<16xi32>
    %mul3A_1590 = arith.muli %max3A_1585, %add3A_1589 : vector<16xi32>
    %shift_right_logical3A_1591 = arith.constant 1 : i32
    %shift_right_logical3A_1592 = vector.broadcast %shift_right_logical3A_1591 : i32 to vector<16xi32>
    %shift_right_logical3A_1593 = arith.shrui %mul3A_1590, %shift_right_logical3A_1592 : vector<16xi32>
    %add3A_1594 = arith.addi %shift_right_logical3A_1593, %min3A_1586 : vector<16xi32>
    %mul3A_1595 = arith.constant 256 : i32
    %mul3A_1596 = vector.broadcast %mul3A_1595 : i32 to vector<16xi32>
    %mul3A_1597 = arith.muli %add3A_1594, %mul3A_1596 : vector<16xi32>
    %add3A_1598 = arith.addi %mul3A_1597, %and3A_1519 : vector<16xi32>
    %gather3A_1599 = tpu.vector_load_idx %arg4[%add3A_1594] : memref<8736xf32, #tpu.memory_space<vmem>>[vector<16xi32>], vector<16xf32>,
    %add3A_1600 = arith.constant 16 : i32
    %add3A_1601 = vector.broadcast %add3A_1600 : i32 to vector<16xi32>
    %add3A_1602 = arith.addi %add3A_1594, %add3A_1601 : vector<16xi32>
    %gather3A_1603 = tpu.vector_load_idx %arg4[%add3A_1602] : memref<8736xf32, #tpu.memory_space<vmem>>[vector<16xi32>], vector<16xf32>,
    %add3A_1604 = arith.constant 32 : i32
    %add3A_1605 = vector.broadcast %add3A_1604 : i32 to vector<16xi32>
    %add3A_1606 = arith.addi %add3A_1598, %add3A_1605 : vector<16xi32>
    %gather3A_1607 = tpu.vector_load_idx %arg4[%add3A_1606] : memref<8736xf32, #tpu.memory_space<vmem>>[vector<16xi32>], vector<16xf32>,
    %add3A_1608 = arith.constant 3872 : i32
    %add3A_1609 = vector.broadcast %add3A_1608 : i32 to vector<16xi32>
    %add3A_1610 = arith.addi %add3A_1598, %add3A_1609 : vector<16xi32>
    %gather3A_1611 = tpu.vector_load_idx %arg4[%add3A_1610] : memref<8736xf32, #tpu.memory_space<vmem>>[vector<16xi32>], vector<16xf32>,
    %mul3A_1612 = arith.mulf %gather3A_1599, %gather3A_1607 : vector<16xf32>
    %swap3A_1613 = arith.constant 224 : index
    %swap3A_1614 = tpu.vector_load %arg5[%swap3A_1613] {strides = array<i32>} : memref<640xf32, #tpu.memory_space<vmem>>, vector<16xf32>,
    tpu.vector_store %arg5[%swap3A_1613], %mul3A_1612 {strides = array<i32>} : memref<640xf32, #tpu.memory_space<vmem>>, vector<16xf32>,
    %mul3A_1615 = arith.mulf %gather3A_1599, %gather3A_1611 : vector<16xf32>
    %add3A_1616 = arith.addf %mul3A_1615, %gather3A_1603 : vector<16xf32>
    %swap3A_1617 = arith.constant 544 : index
    %swap3A_1618 = tpu.vector_load %arg5[%swap3A_1617] {strides = array<i32>} : memref<640xf32, #tpu.memory_space<vmem>>, vector<16xf32>,
    tpu.vector_store %arg5[%swap3A_1617], %add3A_1616 {strides = array<i32>} : memref<640xf32, #tpu.memory_space<vmem>>, vector<16xf32>,
    %mul3A_1619 = arith.constant 320 : i32
    %mul3A_1620 = arith.muli %add3A, %mul3A_1619 : i32
    %add3A_1621 = arith.constant 240 : i32
    %add3A_1622 = arith.addi %mul3A_1620, %add3A_1621 : i32
    %iota3A_1623 = tpu.iota {dimensions = array<i32: 0>} : vector<16xi32>
    %add3A_1624 = vector.broadcast %add3A_1622 : i32 to vector<16xi32>
    %add3A_1625 = arith.addi %add3A_1624, %iota3A_1623 : vector<16xi32>
    %and3A_1626 = arith.constant 255 : i32
    %and3A_1627 = vector.broadcast %and3A_1626 : i32 to vector<16xi32>
    %and3A_1628 = arith.andi %add3A_1625, %and3A_1627 : vector<16xi32>
    %shift_right_logical3A_1629 = arith.constant 8 : i32
    %shift_right_logical3A_1630 = vector.broadcast %shift_right_logical3A_1629 : i32 to vector<16xi32>
    %shift_right_logical3A_1631 = arith.shrui %add3A_1625, %shift_right_logical3A_1630 : vector<16xi32>
    %jit3A_1632 = arith.constant 5 : i32
    %eq3A_1633 = arith.constant 0 : i32
    %eq3A_1634 = arith.cmpi eq, %jit3A_1632, %eq3A_1633 : i32
    %jit3A_1635 = arith.constant 1 : i32
    %select_n3A_1636 = arith.select %eq3A_1634, %jit3A_1635, %jit3A_1632 : i32
    %rem3A_1637 = vector.broadcast %select_n3A_1636 : i32 to vector<16xi32>
    %rem3A_1638 = arith.remsi %shift_right_logical3A_1631, %rem3A_1637 : vector<16xi32>
    %ne3A_1639 = arith.constant 0 : i32
    %ne3A_1640 = vector.broadcast %ne3A_1639 : i32 to vector<16xi32>
    %ne3A_1641 = arith.cmpi ne, %rem3A_1638, %ne3A_1640 : vector<16xi32>
    %lt3A_1642 = arith.constant 0 : i32
    %lt3A_1643 = vector.broadcast %lt3A_1642 : i32 to vector<16xi32>
    %lt3A_1644 = arith.cmpi slt, %rem3A_1638, %lt3A_1643 : vector<16xi32>
    %lt3A_1645 = arith.constant 0 : i32
    %lt3A_1646 = arith.cmpi slt, %select_n3A_1636, %lt3A_1645 : i32
    %ne3A_1647 = vector.broadcast %lt3A_1646 : i1 to vector<16xi1>
    %ne3A_1648 = vector.broadcast %ne3A_1647 : vector<16xi1> to vector<16xi1>
    %ne3A_1649 = arith.xori %lt3A_1644, %ne3A_1648 : vector<16xi1>
    %and3A_1650 = arith.andi %ne3A_1649, %ne3A_1641 : vector<16xi1>
    %add3A_1651 = vector.broadcast %select_n3A_1636 : i32 to vector<16xi32>
    %add3A_1652 = arith.addi %rem3A_1638, %add3A_1651 : vector<16xi32>
    %select_n3A_1653 = arith.select %and3A_1650, %add3A_1652, %rem3A_1638 : vector<16xi1>, vector<16xi32>
    %jit3A_1654 = arith.constant 1280 : i32
    %div3A_1655 = vector.broadcast %jit3A_1654 : i32 to vector<16xi32>
    %div3A_1656 = arith.divsi %add3A_1625, %div3A_1655 : vector<16xi32>
    %sign3A_1657 = arith.constant 0 : i32
    %sign3A_1658 = vector.broadcast %sign3A_1657 : i32 to vector<16xi32>
    %sign3A_1659 = arith.cmpi sgt, %add3A_1625, %sign3A_1658 : vector<16xi32>
    %sign3A_1660 = arith.extui %sign3A_1659 : vector<16xi1> to vector<16xi32>
    %sign3A_1661 = arith.constant 0 : i32
    %sign3A_1662 = vector.broadcast %sign3A_1661 : i32 to vector<16xi32>
    %sign3A_1663 = arith.cmpi slt, %add3A_1625, %sign3A_1662 : vector<16xi32>
    %sign3A_1664 = arith.extui %sign3A_1663 : vector<16xi1> to vector<16xi32>
    %sign3A_1665 = arith.subi %sign3A_1660, %sign3A_1664 : vector<16xi32>
    %sign3A_1666 = arith.constant 0 : i32
    %sign3A_1667 = arith.cmpi sgt, %jit3A_1654, %sign3A_1666 : i32
    %sign3A_1668 = arith.extui %sign3A_1667 : i1 to i32
    %sign3A_1669 = arith.constant 0 : i32
    %sign3A_1670 = arith.cmpi slt, %jit3A_1654, %sign3A_1669 : i32
    %sign3A_1671 = arith.extui %sign3A_1670 : i1 to i32
    %sign3A_1672 = arith.subi %sign3A_1668, %sign3A_1671 : i32
    %ne3A_1673 = vector.broadcast %sign3A_1672 : i32 to vector<16xi32>
    %ne3A_1674 = arith.cmpi ne, %sign3A_1665, %ne3A_1673 : vector<16xi32>
    %rem3A_1675 = vector.broadcast %jit3A_1654 : i32 to vector<16xi32>
    %rem3A_1676 = arith.remsi %add3A_1625, %rem3A_1675 : vector<16xi32>
    %ne3A_1677 = arith.constant 0 : i32
    %ne3A_1678 = vector.broadcast %ne3A_1677 : i32 to vector<16xi32>
    %ne3A_1679 = arith.cmpi ne, %rem3A_1676, %ne3A_1678 : vector<16xi32>
    %and3A_1680 = arith.andi %ne3A_1674, %ne3A_1679 : vector<16xi1>
    %sub3A_1681 = arith.constant 1 : i32
    %sub3A_1682 = vector.broadcast %sub3A_1681 : i32 to vector<16xi32>
    %sub3A_1683 = arith.subi %div3A_1656, %sub3A_1682 : vector<16xi32>
    %select_n3A_1684 = arith.select %and3A_1680, %sub3A_1683, %div3A_1656 : vector<16xi1>, vector<16xi32>
    %mul3A_1685 = arith.constant 256 : i32
    %mul3A_1686 = vector.broadcast %mul3A_1685 : i32 to vector<16xi32>
    %mul3A_1687 = arith.muli %select_n3A_1684, %mul3A_1686 : vector<16xi32>
    %add3A_1688 = arith.addi %mul3A_1687, %and3A_1628 : vector<16xi32>
    %add3A_1689 = arith.constant 7712 : i32
    %add3A_1690 = vector.broadcast %add3A_1689 : i32 to vector<16xi32>
    %add3A_1691 = arith.addi %add3A_1688, %add3A_1690 : vector<16xi32>
    %gather3A_1692 = tpu.vector_load_idx %arg4[%add3A_1691] : memref<8736xf32, #tpu.memory_space<vmem>>[vector<16xi32>], vector<16xf32>,
    %bitcast3A_1693 = vector.bitcast %gather3A_1692 : vector<16xf32> to vector<16xi32>
    %max3A_1694 = arith.maxsi %bitcast3A_1693, %select_n3A_1653 : vector<16xi32>
    %min3A_1695 = arith.minsi %bitcast3A_1693, %select_n3A_1653 : vector<16xi32>
    %add3A_1696 = arith.constant 1 : i32
    %add3A_1697 = vector.broadcast %add3A_1696 : i32 to vector<16xi32>
    %add3A_1698 = arith.addi %max3A_1694, %add3A_1697 : vector<16xi32>
    %mul3A_1699 = arith.muli %max3A_1694, %add3A_1698 : vector<16xi32>
    %shift_right_logical3A_1700 = arith.constant 1 : i32
    %shift_right_logical3A_1701 = vector.broadcast %shift_right_logical3A_1700 : i32 to vector<16xi32>
    %shift_right_logical3A_1702 = arith.shrui %mul3A_1699, %shift_right_logical3A_1701 : vector<16xi32>
    %add3A_1703 = arith.addi %shift_right_logical3A_1702, %min3A_1695 : vector<16xi32>
    %mul3A_1704 = arith.constant 256 : i32
    %mul3A_1705 = vector.broadcast %mul3A_1704 : i32 to vector<16xi32>
    %mul3A_1706 = arith.muli %add3A_1703, %mul3A_1705 : vector<16xi32>
    %add3A_1707 = arith.addi %mul3A_1706, %and3A_1628 : vector<16xi32>
    %gather3A_1708 = tpu.vector_load_idx %arg4[%add3A_1703] : memref<8736xf32, #tpu.memory_space<vmem>>[vector<16xi32>], vector<16xf32>,
    %add3A_1709 = arith.constant 16 : i32
    %add3A_1710 = vector.broadcast %add3A_1709 : i32 to vector<16xi32>
    %add3A_1711 = arith.addi %add3A_1703, %add3A_1710 : vector<16xi32>
    %gather3A_1712 = tpu.vector_load_idx %arg4[%add3A_1711] : memref<8736xf32, #tpu.memory_space<vmem>>[vector<16xi32>], vector<16xf32>,
    %add3A_1713 = arith.constant 32 : i32
    %add3A_1714 = vector.broadcast %add3A_1713 : i32 to vector<16xi32>
    %add3A_1715 = arith.addi %add3A_1707, %add3A_1714 : vector<16xi32>
    %gather3A_1716 = tpu.vector_load_idx %arg4[%add3A_1715] : memref<8736xf32, #tpu.memory_space<vmem>>[vector<16xi32>], vector<16xf32>,
    %add3A_1717 = arith.constant 3872 : i32
    %add3A_1718 = vector.broadcast %add3A_1717 : i32 to vector<16xi32>
    %add3A_1719 = arith.addi %add3A_1707, %add3A_1718 : vector<16xi32>
    %gather3A_1720 = tpu.vector_load_idx %arg4[%add3A_1719] : memref<8736xf32, #tpu.memory_space<vmem>>[vector<16xi32>], vector<16xf32>,
    %mul3A_1721 = arith.mulf %gather3A_1708, %gather3A_1716 : vector<16xf32>
    %swap3A_1722 = arith.constant 240 : index
    %swap3A_1723 = tpu.vector_load %arg5[%swap3A_1722] {strides = array<i32>} : memref<640xf32, #tpu.memory_space<vmem>>, vector<16xf32>,
    tpu.vector_store %arg5[%swap3A_1722], %mul3A_1721 {strides = array<i32>} : memref<640xf32, #tpu.memory_space<vmem>>, vector<16xf32>,
    %mul3A_1724 = arith.mulf %gather3A_1708, %gather3A_1720 : vector<16xf32>
    %add3A_1725 = arith.addf %mul3A_1724, %gather3A_1712 : vector<16xf32>
    %swap3A_1726 = arith.constant 560 : index
    %swap3A_1727 = tpu.vector_load %arg5[%swap3A_1726] {strides = array<i32>} : memref<640xf32, #tpu.memory_space<vmem>>, vector<16xf32>,
    tpu.vector_store %arg5[%swap3A_1726], %add3A_1725 {strides = array<i32>} : memref<640xf32, #tpu.memory_space<vmem>>, vector<16xf32>,
    %mul3A_1728 = arith.constant 320 : i32
    %mul3A_1729 = arith.muli %add3A, %mul3A_1728 : i32
    %add3A_1730 = arith.constant 256 : i32
    %add3A_1731 = arith.addi %mul3A_1729, %add3A_1730 : i32
    %iota3A_1732 = tpu.iota {dimensions = array<i32: 0>} : vector<16xi32>
    %add3A_1733 = vector.broadcast %add3A_1731 : i32 to vector<16xi32>
    %add3A_1734 = arith.addi %add3A_1733, %iota3A_1732 : vector<16xi32>
    %and3A_1735 = arith.constant 255 : i32
    %and3A_1736 = vector.broadcast %and3A_1735 : i32 to vector<16xi32>
    %and3A_1737 = arith.andi %add3A_1734, %and3A_1736 : vector<16xi32>
    %shift_right_logical3A_1738 = arith.constant 8 : i32
    %shift_right_logical3A_1739 = vector.broadcast %shift_right_logical3A_1738 : i32 to vector<16xi32>
    %shift_right_logical3A_1740 = arith.shrui %add3A_1734, %shift_right_logical3A_1739 : vector<16xi32>
    %jit3A_1741 = arith.constant 5 : i32
    %eq3A_1742 = arith.constant 0 : i32
    %eq3A_1743 = arith.cmpi eq, %jit3A_1741, %eq3A_1742 : i32
    %jit3A_1744 = arith.constant 1 : i32
    %select_n3A_1745 = arith.select %eq3A_1743, %jit3A_1744, %jit3A_1741 : i32
    %rem3A_1746 = vector.broadcast %select_n3A_1745 : i32 to vector<16xi32>
    %rem3A_1747 = arith.remsi %shift_right_logical3A_1740, %rem3A_1746 : vector<16xi32>
    %ne3A_1748 = arith.constant 0 : i32
    %ne3A_1749 = vector.broadcast %ne3A_1748 : i32 to vector<16xi32>
    %ne3A_1750 = arith.cmpi ne, %rem3A_1747, %ne3A_1749 : vector<16xi32>
    %lt3A_1751 = arith.constant 0 : i32
    %lt3A_1752 = vector.broadcast %lt3A_1751 : i32 to vector<16xi32>
    %lt3A_1753 = arith.cmpi slt, %rem3A_1747, %lt3A_1752 : vector<16xi32>
    %lt3A_1754 = arith.constant 0 : i32
    %lt3A_1755 = arith.cmpi slt, %select_n3A_1745, %lt3A_1754 : i32
    %ne3A_1756 = vector.broadcast %lt3A_1755 : i1 to vector<16xi1>
    %ne3A_1757 = vector.broadcast %ne3A_1756 : vector<16xi1> to vector<16xi1>
    %ne3A_1758 = arith.xori %lt3A_1753, %ne3A_1757 : vector<16xi1>
    %and3A_1759 = arith.andi %ne3A_1758, %ne3A_1750 : vector<16xi1>
    %add3A_1760 = vector.broadcast %select_n3A_1745 : i32 to vector<16xi32>
    %add3A_1761 = arith.addi %rem3A_1747, %add3A_1760 : vector<16xi32>
    %select_n3A_1762 = arith.select %and3A_1759, %add3A_1761, %rem3A_1747 : vector<16xi1>, vector<16xi32>
    %jit3A_1763 = arith.constant 1280 : i32
    %div3A_1764 = vector.broadcast %jit3A_1763 : i32 to vector<16xi32>
    %div3A_1765 = arith.divsi %add3A_1734, %div3A_1764 : vector<16xi32>
    %sign3A_1766 = arith.constant 0 : i32
    %sign3A_1767 = vector.broadcast %sign3A_1766 : i32 to vector<16xi32>
    %sign3A_1768 = arith.cmpi sgt, %add3A_1734, %sign3A_1767 : vector<16xi32>
    %sign3A_1769 = arith.extui %sign3A_1768 : vector<16xi1> to vector<16xi32>
    %sign3A_1770 = arith.constant 0 : i32
    %sign3A_1771 = vector.broadcast %sign3A_1770 : i32 to vector<16xi32>
    %sign3A_1772 = arith.cmpi slt, %add3A_1734, %sign3A_1771 : vector<16xi32>
    %sign3A_1773 = arith.extui %sign3A_1772 : vector<16xi1> to vector<16xi32>
    %sign3A_1774 = arith.subi %sign3A_1769, %sign3A_1773 : vector<16xi32>
    %sign3A_1775 = arith.constant 0 : i32
    %sign3A_1776 = arith.cmpi sgt, %jit3A_1763, %sign3A_1775 : i32
    %sign3A_1777 = arith.extui %sign3A_1776 : i1 to i32
    %sign3A_1778 = arith.constant 0 : i32
    %sign3A_1779 = arith.cmpi slt, %jit3A_1763, %sign3A_1778 : i32
    %sign3A_1780 = arith.extui %sign3A_1779 : i1 to i32
    %sign3A_1781 = arith.subi %sign3A_1777, %sign3A_1780 : i32
    %ne3A_1782 = vector.broadcast %sign3A_1781 : i32 to vector<16xi32>
    %ne3A_1783 = arith.cmpi ne, %sign3A_1774, %ne3A_1782 : vector<16xi32>
    %rem3A_1784 = vector.broadcast %jit3A_1763 : i32 to vector<16xi32>
    %rem3A_1785 = arith.remsi %add3A_1734, %rem3A_1784 : vector<16xi32>
    %ne3A_1786 = arith.constant 0 : i32
    %ne3A_1787 = vector.broadcast %ne3A_1786 : i32 to vector<16xi32>
    %ne3A_1788 = arith.cmpi ne, %rem3A_1785, %ne3A_1787 : vector<16xi32>
    %and3A_1789 = arith.andi %ne3A_1783, %ne3A_1788 : vector<16xi1>
    %sub3A_1790 = arith.constant 1 : i32
    %sub3A_1791 = vector.broadcast %sub3A_1790 : i32 to vector<16xi32>
    %sub3A_1792 = arith.subi %div3A_1765, %sub3A_1791 : vector<16xi32>
    %select_n3A_1793 = arith.select %and3A_1789, %sub3A_1792, %div3A_1765 : vector<16xi1>, vector<16xi32>
    %mul3A_1794 = arith.constant 256 : i32
    %mul3A_1795 = vector.broadcast %mul3A_1794 : i32 to vector<16xi32>
    %mul3A_1796 = arith.muli %select_n3A_1793, %mul3A_1795 : vector<16xi32>
    %add3A_1797 = arith.addi %mul3A_1796, %and3A_1737 : vector<16xi32>
    %add3A_1798 = arith.constant 7712 : i32
    %add3A_1799 = vector.broadcast %add3A_1798 : i32 to vector<16xi32>
    %add3A_1800 = arith.addi %add3A_1797, %add3A_1799 : vector<16xi32>
    %gather3A_1801 = tpu.vector_load_idx %arg4[%add3A_1800] : memref<8736xf32, #tpu.memory_space<vmem>>[vector<16xi32>], vector<16xf32>,
    %bitcast3A_1802 = vector.bitcast %gather3A_1801 : vector<16xf32> to vector<16xi32>
    %max3A_1803 = arith.maxsi %bitcast3A_1802, %select_n3A_1762 : vector<16xi32>
    %min3A_1804 = arith.minsi %bitcast3A_1802, %select_n3A_1762 : vector<16xi32>
    %add3A_1805 = arith.constant 1 : i32
    %add3A_1806 = vector.broadcast %add3A_1805 : i32 to vector<16xi32>
    %add3A_1807 = arith.addi %max3A_1803, %add3A_1806 : vector<16xi32>
    %mul3A_1808 = arith.muli %max3A_1803, %add3A_1807 : vector<16xi32>
    %shift_right_logical3A_1809 = arith.constant 1 : i32
    %shift_right_logical3A_1810 = vector.broadcast %shift_right_logical3A_1809 : i32 to vector<16xi32>
    %shift_right_logical3A_1811 = arith.shrui %mul3A_1808, %shift_right_logical3A_1810 : vector<16xi32>
    %add3A_1812 = arith.addi %shift_right_logical3A_1811, %min3A_1804 : vector<16xi32>
    %mul3A_1813 = arith.constant 256 : i32
    %mul3A_1814 = vector.broadcast %mul3A_1813 : i32 to vector<16xi32>
    %mul3A_1815 = arith.muli %add3A_1812, %mul3A_1814 : vector<16xi32>
    %add3A_1816 = arith.addi %mul3A_1815, %and3A_1737 : vector<16xi32>
    %gather3A_1817 = tpu.vector_load_idx %arg4[%add3A_1812] : memref<8736xf32, #tpu.memory_space<vmem>>[vector<16xi32>], vector<16xf32>,
    %add3A_1818 = arith.constant 16 : i32
    %add3A_1819 = vector.broadcast %add3A_1818 : i32 to vector<16xi32>
    %add3A_1820 = arith.addi %add3A_1812, %add3A_1819 : vector<16xi32>
    %gather3A_1821 = tpu.vector_load_idx %arg4[%add3A_1820] : memref<8736xf32, #tpu.memory_space<vmem>>[vector<16xi32>], vector<16xf32>,
    %add3A_1822 = arith.constant 32 : i32
    %add3A_1823 = vector.broadcast %add3A_1822 : i32 to vector<16xi32>
    %add3A_1824 = arith.addi %add3A_1816, %add3A_1823 : vector<16xi32>
    %gather3A_1825 = tpu.vector_load_idx %arg4[%add3A_1824] : memref<8736xf32, #tpu.memory_space<vmem>>[vector<16xi32>], vector<16xf32>,
    %add3A_1826 = arith.constant 3872 : i32
    %add3A_1827 = vector.broadcast %add3A_1826 : i32 to vector<16xi32>
    %add3A_1828 = arith.addi %add3A_1816, %add3A_1827 : vector<16xi32>
    %gather3A_1829 = tpu.vector_load_idx %arg4[%add3A_1828] : memref<8736xf32, #tpu.memory_space<vmem>>[vector<16xi32>], vector<16xf32>,
    %mul3A_1830 = arith.mulf %gather3A_1817, %gather3A_1825 : vector<16xf32>
    %swap3A_1831 = arith.constant 256 : index
    %swap3A_1832 = tpu.vector_load %arg5[%swap3A_1831] {strides = array<i32>} : memref<640xf32, #tpu.memory_space<vmem>>, vector<16xf32>,
    tpu.vector_store %arg5[%swap3A_1831], %mul3A_1830 {strides = array<i32>} : memref<640xf32, #tpu.memory_space<vmem>>, vector<16xf32>,
    %mul3A_1833 = arith.mulf %gather3A_1817, %gather3A_1829 : vector<16xf32>
    %add3A_1834 = arith.addf %mul3A_1833, %gather3A_1821 : vector<16xf32>
    %swap3A_1835 = arith.constant 576 : index
    %swap3A_1836 = tpu.vector_load %arg5[%swap3A_1835] {strides = array<i32>} : memref<640xf32, #tpu.memory_space<vmem>>, vector<16xf32>,
    tpu.vector_store %arg5[%swap3A_1835], %add3A_1834 {strides = array<i32>} : memref<640xf32, #tpu.memory_space<vmem>>, vector<16xf32>,
    %mul3A_1837 = arith.constant 320 : i32
    %mul3A_1838 = arith.muli %add3A, %mul3A_1837 : i32
    %add3A_1839 = arith.constant 272 : i32
    %add3A_1840 = arith.addi %mul3A_1838, %add3A_1839 : i32
    %iota3A_1841 = tpu.iota {dimensions = array<i32: 0>} : vector<16xi32>
    %add3A_1842 = vector.broadcast %add3A_1840 : i32 to vector<16xi32>
    %add3A_1843 = arith.addi %add3A_1842, %iota3A_1841 : vector<16xi32>
    %and3A_1844 = arith.constant 255 : i32
    %and3A_1845 = vector.broadcast %and3A_1844 : i32 to vector<16xi32>
    %and3A_1846 = arith.andi %add3A_1843, %and3A_1845 : vector<16xi32>
    %shift_right_logical3A_1847 = arith.constant 8 : i32
    %shift_right_logical3A_1848 = vector.broadcast %shift_right_logical3A_1847 : i32 to vector<16xi32>
    %shift_right_logical3A_1849 = arith.shrui %add3A_1843, %shift_right_logical3A_1848 : vector<16xi32>
    %jit3A_1850 = arith.constant 5 : i32
    %eq3A_1851 = arith.constant 0 : i32
    %eq3A_1852 = arith.cmpi eq, %jit3A_1850, %eq3A_1851 : i32
    %jit3A_1853 = arith.constant 1 : i32
    %select_n3A_1854 = arith.select %eq3A_1852, %jit3A_1853, %jit3A_1850 : i32
    %rem3A_1855 = vector.broadcast %select_n3A_1854 : i32 to vector<16xi32>
    %rem3A_1856 = arith.remsi %shift_right_logical3A_1849, %rem3A_1855 : vector<16xi32>
    %ne3A_1857 = arith.constant 0 : i32
    %ne3A_1858 = vector.broadcast %ne3A_1857 : i32 to vector<16xi32>
    %ne3A_1859 = arith.cmpi ne, %rem3A_1856, %ne3A_1858 : vector<16xi32>
    %lt3A_1860 = arith.constant 0 : i32
    %lt3A_1861 = vector.broadcast %lt3A_1860 : i32 to vector<16xi32>
    %lt3A_1862 = arith.cmpi slt, %rem3A_1856, %lt3A_1861 : vector<16xi32>
    %lt3A_1863 = arith.constant 0 : i32
    %lt3A_1864 = arith.cmpi slt, %select_n3A_1854, %lt3A_1863 : i32
    %ne3A_1865 = vector.broadcast %lt3A_1864 : i1 to vector<16xi1>
    %ne3A_1866 = vector.broadcast %ne3A_1865 : vector<16xi1> to vector<16xi1>
    %ne3A_1867 = arith.xori %lt3A_1862, %ne3A_1866 : vector<16xi1>
    %and3A_1868 = arith.andi %ne3A_1867, %ne3A_1859 : vector<16xi1>
    %add3A_1869 = vector.broadcast %select_n3A_1854 : i32 to vector<16xi32>
    %add3A_1870 = arith.addi %rem3A_1856, %add3A_1869 : vector<16xi32>
    %select_n3A_1871 = arith.select %and3A_1868, %add3A_1870, %rem3A_1856 : vector<16xi1>, vector<16xi32>
    %jit3A_1872 = arith.constant 1280 : i32
    %div3A_1873 = vector.broadcast %jit3A_1872 : i32 to vector<16xi32>
    %div3A_1874 = arith.divsi %add3A_1843, %div3A_1873 : vector<16xi32>
    %sign3A_1875 = arith.constant 0 : i32
    %sign3A_1876 = vector.broadcast %sign3A_1875 : i32 to vector<16xi32>
    %sign3A_1877 = arith.cmpi sgt, %add3A_1843, %sign3A_1876 : vector<16xi32>
    %sign3A_1878 = arith.extui %sign3A_1877 : vector<16xi1> to vector<16xi32>
    %sign3A_1879 = arith.constant 0 : i32
    %sign3A_1880 = vector.broadcast %sign3A_1879 : i32 to vector<16xi32>
    %sign3A_1881 = arith.cmpi slt, %add3A_1843, %sign3A_1880 : vector<16xi32>
    %sign3A_1882 = arith.extui %sign3A_1881 : vector<16xi1> to vector<16xi32>
    %sign3A_1883 = arith.subi %sign3A_1878, %sign3A_1882 : vector<16xi32>
    %sign3A_1884 = arith.constant 0 : i32
    %sign3A_1885 = arith.cmpi sgt, %jit3A_1872, %sign3A_1884 : i32
    %sign3A_1886 = arith.extui %sign3A_1885 : i1 to i32
    %sign3A_1887 = arith.constant 0 : i32
    %sign3A_1888 = arith.cmpi slt, %jit3A_1872, %sign3A_1887 : i32
    %sign3A_1889 = arith.extui %sign3A_1888 : i1 to i32
    %sign3A_1890 = arith.subi %sign3A_1886, %sign3A_1889 : i32
    %ne3A_1891 = vector.broadcast %sign3A_1890 : i32 to vector<16xi32>
    %ne3A_1892 = arith.cmpi ne, %sign3A_1883, %ne3A_1891 : vector<16xi32>
    %rem3A_1893 = vector.broadcast %jit3A_1872 : i32 to vector<16xi32>
    %rem3A_1894 = arith.remsi %add3A_1843, %rem3A_1893 : vector<16xi32>
    %ne3A_1895 = arith.constant 0 : i32
    %ne3A_1896 = vector.broadcast %ne3A_1895 : i32 to vector<16xi32>
    %ne3A_1897 = arith.cmpi ne, %rem3A_1894, %ne3A_1896 : vector<16xi32>
    %and3A_1898 = arith.andi %ne3A_1892, %ne3A_1897 : vector<16xi1>
    %sub3A_1899 = arith.constant 1 : i32
    %sub3A_1900 = vector.broadcast %sub3A_1899 : i32 to vector<16xi32>
    %sub3A_1901 = arith.subi %div3A_1874, %sub3A_1900 : vector<16xi32>
    %select_n3A_1902 = arith.select %and3A_1898, %sub3A_1901, %div3A_1874 : vector<16xi1>, vector<16xi32>
    %mul3A_1903 = arith.constant 256 : i32
    %mul3A_1904 = vector.broadcast %mul3A_1903 : i32 to vector<16xi32>
    %mul3A_1905 = arith.muli %select_n3A_1902, %mul3A_1904 : vector<16xi32>
    %add3A_1906 = arith.addi %mul3A_1905, %and3A_1846 : vector<16xi32>
    %add3A_1907 = arith.constant 7712 : i32
    %add3A_1908 = vector.broadcast %add3A_1907 : i32 to vector<16xi32>
    %add3A_1909 = arith.addi %add3A_1906, %add3A_1908 : vector<16xi32>
    %gather3A_1910 = tpu.vector_load_idx %arg4[%add3A_1909] : memref<8736xf32, #tpu.memory_space<vmem>>[vector<16xi32>], vector<16xf32>,
    %bitcast3A_1911 = vector.bitcast %gather3A_1910 : vector<16xf32> to vector<16xi32>
    %max3A_1912 = arith.maxsi %bitcast3A_1911, %select_n3A_1871 : vector<16xi32>
    %min3A_1913 = arith.minsi %bitcast3A_1911, %select_n3A_1871 : vector<16xi32>
    %add3A_1914 = arith.constant 1 : i32
    %add3A_1915 = vector.broadcast %add3A_1914 : i32 to vector<16xi32>
    %add3A_1916 = arith.addi %max3A_1912, %add3A_1915 : vector<16xi32>
    %mul3A_1917 = arith.muli %max3A_1912, %add3A_1916 : vector<16xi32>
    %shift_right_logical3A_1918 = arith.constant 1 : i32
    %shift_right_logical3A_1919 = vector.broadcast %shift_right_logical3A_1918 : i32 to vector<16xi32>
    %shift_right_logical3A_1920 = arith.shrui %mul3A_1917, %shift_right_logical3A_1919 : vector<16xi32>
    %add3A_1921 = arith.addi %shift_right_logical3A_1920, %min3A_1913 : vector<16xi32>
    %mul3A_1922 = arith.constant 256 : i32
    %mul3A_1923 = vector.broadcast %mul3A_1922 : i32 to vector<16xi32>
    %mul3A_1924 = arith.muli %add3A_1921, %mul3A_1923 : vector<16xi32>
    %add3A_1925 = arith.addi %mul3A_1924, %and3A_1846 : vector<16xi32>
    %gather3A_1926 = tpu.vector_load_idx %arg4[%add3A_1921] : memref<8736xf32, #tpu.memory_space<vmem>>[vector<16xi32>], vector<16xf32>,
    %add3A_1927 = arith.constant 16 : i32
    %add3A_1928 = vector.broadcast %add3A_1927 : i32 to vector<16xi32>
    %add3A_1929 = arith.addi %add3A_1921, %add3A_1928 : vector<16xi32>
    %gather3A_1930 = tpu.vector_load_idx %arg4[%add3A_1929] : memref<8736xf32, #tpu.memory_space<vmem>>[vector<16xi32>], vector<16xf32>,
    %add3A_1931 = arith.constant 32 : i32
    %add3A_1932 = vector.broadcast %add3A_1931 : i32 to vector<16xi32>
    %add3A_1933 = arith.addi %add3A_1925, %add3A_1932 : vector<16xi32>
    %gather3A_1934 = tpu.vector_load_idx %arg4[%add3A_1933] : memref<8736xf32, #tpu.memory_space<vmem>>[vector<16xi32>], vector<16xf32>,
    %add3A_1935 = arith.constant 3872 : i32
    %add3A_1936 = vector.broadcast %add3A_1935 : i32 to vector<16xi32>
    %add3A_1937 = arith.addi %add3A_1925, %add3A_1936 : vector<16xi32>
    %gather3A_1938 = tpu.vector_load_idx %arg4[%add3A_1937] : memref<8736xf32, #tpu.memory_space<vmem>>[vector<16xi32>], vector<16xf32>,
    %mul3A_1939 = arith.mulf %gather3A_1926, %gather3A_1934 : vector<16xf32>
    %swap3A_1940 = arith.constant 272 : index
    %swap3A_1941 = tpu.vector_load %arg5[%swap3A_1940] {strides = array<i32>} : memref<640xf32, #tpu.memory_space<vmem>>, vector<16xf32>,
    tpu.vector_store %arg5[%swap3A_1940], %mul3A_1939 {strides = array<i32>} : memref<640xf32, #tpu.memory_space<vmem>>, vector<16xf32>,
    %mul3A_1942 = arith.mulf %gather3A_1926, %gather3A_1938 : vector<16xf32>
    %add3A_1943 = arith.addf %mul3A_1942, %gather3A_1930 : vector<16xf32>
    %swap3A_1944 = arith.constant 592 : index
    %swap3A_1945 = tpu.vector_load %arg5[%swap3A_1944] {strides = array<i32>} : memref<640xf32, #tpu.memory_space<vmem>>, vector<16xf32>,
    tpu.vector_store %arg5[%swap3A_1944], %add3A_1943 {strides = array<i32>} : memref<640xf32, #tpu.memory_space<vmem>>, vector<16xf32>,
    %mul3A_1946 = arith.constant 320 : i32
    %mul3A_1947 = arith.muli %add3A, %mul3A_1946 : i32
    %add3A_1948 = arith.constant 288 : i32
    %add3A_1949 = arith.addi %mul3A_1947, %add3A_1948 : i32
    %iota3A_1950 = tpu.iota {dimensions = array<i32: 0>} : vector<16xi32>
    %add3A_1951 = vector.broadcast %add3A_1949 : i32 to vector<16xi32>
    %add3A_1952 = arith.addi %add3A_1951, %iota3A_1950 : vector<16xi32>
    %and3A_1953 = arith.constant 255 : i32
    %and3A_1954 = vector.broadcast %and3A_1953 : i32 to vector<16xi32>
    %and3A_1955 = arith.andi %add3A_1952, %and3A_1954 : vector<16xi32>
    %shift_right_logical3A_1956 = arith.constant 8 : i32
    %shift_right_logical3A_1957 = vector.broadcast %shift_right_logical3A_1956 : i32 to vector<16xi32>
    %shift_right_logical3A_1958 = arith.shrui %add3A_1952, %shift_right_logical3A_1957 : vector<16xi32>
    %jit3A_1959 = arith.constant 5 : i32
    %eq3A_1960 = arith.constant 0 : i32
    %eq3A_1961 = arith.cmpi eq, %jit3A_1959, %eq3A_1960 : i32
    %jit3A_1962 = arith.constant 1 : i32
    %select_n3A_1963 = arith.select %eq3A_1961, %jit3A_1962, %jit3A_1959 : i32
    %rem3A_1964 = vector.broadcast %select_n3A_1963 : i32 to vector<16xi32>
    %rem3A_1965 = arith.remsi %shift_right_logical3A_1958, %rem3A_1964 : vector<16xi32>
    %ne3A_1966 = arith.constant 0 : i32
    %ne3A_1967 = vector.broadcast %ne3A_1966 : i32 to vector<16xi32>
    %ne3A_1968 = arith.cmpi ne, %rem3A_1965, %ne3A_1967 : vector<16xi32>
    %lt3A_1969 = arith.constant 0 : i32
    %lt3A_1970 = vector.broadcast %lt3A_1969 : i32 to vector<16xi32>
    %lt3A_1971 = arith.cmpi slt, %rem3A_1965, %lt3A_1970 : vector<16xi32>
    %lt3A_1972 = arith.constant 0 : i32
    %lt3A_1973 = arith.cmpi slt, %select_n3A_1963, %lt3A_1972 : i32
    %ne3A_1974 = vector.broadcast %lt3A_1973 : i1 to vector<16xi1>
    %ne3A_1975 = vector.broadcast %ne3A_1974 : vector<16xi1> to vector<16xi1>
    %ne3A_1976 = arith.xori %lt3A_1971, %ne3A_1975 : vector<16xi1>
    %and3A_1977 = arith.andi %ne3A_1976, %ne3A_1968 : vector<16xi1>
    %add3A_1978 = vector.broadcast %select_n3A_1963 : i32 to vector<16xi32>
    %add3A_1979 = arith.addi %rem3A_1965, %add3A_1978 : vector<16xi32>
    %select_n3A_1980 = arith.select %and3A_1977, %add3A_1979, %rem3A_1965 : vector<16xi1>, vector<16xi32>
    %jit3A_1981 = arith.constant 1280 : i32
    %div3A_1982 = vector.broadcast %jit3A_1981 : i32 to vector<16xi32>
    %div3A_1983 = arith.divsi %add3A_1952, %div3A_1982 : vector<16xi32>
    %sign3A_1984 = arith.constant 0 : i32
    %sign3A_1985 = vector.broadcast %sign3A_1984 : i32 to vector<16xi32>
    %sign3A_1986 = arith.cmpi sgt, %add3A_1952, %sign3A_1985 : vector<16xi32>
    %sign3A_1987 = arith.extui %sign3A_1986 : vector<16xi1> to vector<16xi32>
    %sign3A_1988 = arith.constant 0 : i32
    %sign3A_1989 = vector.broadcast %sign3A_1988 : i32 to vector<16xi32>
    %sign3A_1990 = arith.cmpi slt, %add3A_1952, %sign3A_1989 : vector<16xi32>
    %sign3A_1991 = arith.extui %sign3A_1990 : vector<16xi1> to vector<16xi32>
    %sign3A_1992 = arith.subi %sign3A_1987, %sign3A_1991 : vector<16xi32>
    %sign3A_1993 = arith.constant 0 : i32
    %sign3A_1994 = arith.cmpi sgt, %jit3A_1981, %sign3A_1993 : i32
    %sign3A_1995 = arith.extui %sign3A_1994 : i1 to i32
    %sign3A_1996 = arith.constant 0 : i32
    %sign3A_1997 = arith.cmpi slt, %jit3A_1981, %sign3A_1996 : i32
    %sign3A_1998 = arith.extui %sign3A_1997 : i1 to i32
    %sign3A_1999 = arith.subi %sign3A_1995, %sign3A_1998 : i32
    %ne3A_2000 = vector.broadcast %sign3A_1999 : i32 to vector<16xi32>
    %ne3A_2001 = arith.cmpi ne, %sign3A_1992, %ne3A_2000 : vector<16xi32>
    %rem3A_2002 = vector.broadcast %jit3A_1981 : i32 to vector<16xi32>
    %rem3A_2003 = arith.remsi %add3A_1952, %rem3A_2002 : vector<16xi32>
    %ne3A_2004 = arith.constant 0 : i32
    %ne3A_2005 = vector.broadcast %ne3A_2004 : i32 to vector<16xi32>
    %ne3A_2006 = arith.cmpi ne, %rem3A_2003, %ne3A_2005 : vector<16xi32>
    %and3A_2007 = arith.andi %ne3A_2001, %ne3A_2006 : vector<16xi1>
    %sub3A_2008 = arith.constant 1 : i32
    %sub3A_2009 = vector.broadcast %sub3A_2008 : i32 to vector<16xi32>
    %sub3A_2010 = arith.subi %div3A_1983, %sub3A_2009 : vector<16xi32>
    %select_n3A_2011 = arith.select %and3A_2007, %sub3A_2010, %div3A_1983 : vector<16xi1>, vector<16xi32>
    %mul3A_2012 = arith.constant 256 : i32
    %mul3A_2013 = vector.broadcast %mul3A_2012 : i32 to vector<16xi32>
    %mul3A_2014 = arith.muli %select_n3A_2011, %mul3A_2013 : vector<16xi32>
    %add3A_2015 = arith.addi %mul3A_2014, %and3A_1955 : vector<16xi32>
    %add3A_2016 = arith.constant 7712 : i32
    %add3A_2017 = vector.broadcast %add3A_2016 : i32 to vector<16xi32>
    %add3A_2018 = arith.addi %add3A_2015, %add3A_2017 : vector<16xi32>
    %gather3A_2019 = tpu.vector_load_idx %arg4[%add3A_2018] : memref<8736xf32, #tpu.memory_space<vmem>>[vector<16xi32>], vector<16xf32>,
    %bitcast3A_2020 = vector.bitcast %gather3A_2019 : vector<16xf32> to vector<16xi32>
    %max3A_2021 = arith.maxsi %bitcast3A_2020, %select_n3A_1980 : vector<16xi32>
    %min3A_2022 = arith.minsi %bitcast3A_2020, %select_n3A_1980 : vector<16xi32>
    %add3A_2023 = arith.constant 1 : i32
    %add3A_2024 = vector.broadcast %add3A_2023 : i32 to vector<16xi32>
    %add3A_2025 = arith.addi %max3A_2021, %add3A_2024 : vector<16xi32>
    %mul3A_2026 = arith.muli %max3A_2021, %add3A_2025 : vector<16xi32>
    %shift_right_logical3A_2027 = arith.constant 1 : i32
    %shift_right_logical3A_2028 = vector.broadcast %shift_right_logical3A_2027 : i32 to vector<16xi32>
    %shift_right_logical3A_2029 = arith.shrui %mul3A_2026, %shift_right_logical3A_2028 : vector<16xi32>
    %add3A_2030 = arith.addi %shift_right_logical3A_2029, %min3A_2022 : vector<16xi32>
    %mul3A_2031 = arith.constant 256 : i32
    %mul3A_2032 = vector.broadcast %mul3A_2031 : i32 to vector<16xi32>
    %mul3A_2033 = arith.muli %add3A_2030, %mul3A_2032 : vector<16xi32>
    %add3A_2034 = arith.addi %mul3A_2033, %and3A_1955 : vector<16xi32>
    %gather3A_2035 = tpu.vector_load_idx %arg4[%add3A_2030] : memref<8736xf32, #tpu.memory_space<vmem>>[vector<16xi32>], vector<16xf32>,
    %add3A_2036 = arith.constant 16 : i32
    %add3A_2037 = vector.broadcast %add3A_2036 : i32 to vector<16xi32>
    %add3A_2038 = arith.addi %add3A_2030, %add3A_2037 : vector<16xi32>
    %gather3A_2039 = tpu.vector_load_idx %arg4[%add3A_2038] : memref<8736xf32, #tpu.memory_space<vmem>>[vector<16xi32>], vector<16xf32>,
    %add3A_2040 = arith.constant 32 : i32
    %add3A_2041 = vector.broadcast %add3A_2040 : i32 to vector<16xi32>
    %add3A_2042 = arith.addi %add3A_2034, %add3A_2041 : vector<16xi32>
    %gather3A_2043 = tpu.vector_load_idx %arg4[%add3A_2042] : memref<8736xf32, #tpu.memory_space<vmem>>[vector<16xi32>], vector<16xf32>,
    %add3A_2044 = arith.constant 3872 : i32
    %add3A_2045 = vector.broadcast %add3A_2044 : i32 to vector<16xi32>
    %add3A_2046 = arith.addi %add3A_2034, %add3A_2045 : vector<16xi32>
    %gather3A_2047 = tpu.vector_load_idx %arg4[%add3A_2046] : memref<8736xf32, #tpu.memory_space<vmem>>[vector<16xi32>], vector<16xf32>,
    %mul3A_2048 = arith.mulf %gather3A_2035, %gather3A_2043 : vector<16xf32>
    %swap3A_2049 = arith.constant 288 : index
    %swap3A_2050 = tpu.vector_load %arg5[%swap3A_2049] {strides = array<i32>} : memref<640xf32, #tpu.memory_space<vmem>>, vector<16xf32>,
    tpu.vector_store %arg5[%swap3A_2049], %mul3A_2048 {strides = array<i32>} : memref<640xf32, #tpu.memory_space<vmem>>, vector<16xf32>,
    %mul3A_2051 = arith.mulf %gather3A_2035, %gather3A_2047 : vector<16xf32>
    %add3A_2052 = arith.addf %mul3A_2051, %gather3A_2039 : vector<16xf32>
    %swap3A_2053 = arith.constant 608 : index
    %swap3A_2054 = tpu.vector_load %arg5[%swap3A_2053] {strides = array<i32>} : memref<640xf32, #tpu.memory_space<vmem>>, vector<16xf32>,
    tpu.vector_store %arg5[%swap3A_2053], %add3A_2052 {strides = array<i32>} : memref<640xf32, #tpu.memory_space<vmem>>, vector<16xf32>,
    %mul3A_2055 = arith.constant 320 : i32
    %mul3A_2056 = arith.muli %add3A, %mul3A_2055 : i32
    %add3A_2057 = arith.constant 304 : i32
    %add3A_2058 = arith.addi %mul3A_2056, %add3A_2057 : i32
    %iota3A_2059 = tpu.iota {dimensions = array<i32: 0>} : vector<16xi32>
    %add3A_2060 = vector.broadcast %add3A_2058 : i32 to vector<16xi32>
    %add3A_2061 = arith.addi %add3A_2060, %iota3A_2059 : vector<16xi32>
    %and3A_2062 = arith.constant 255 : i32
    %and3A_2063 = vector.broadcast %and3A_2062 : i32 to vector<16xi32>
    %and3A_2064 = arith.andi %add3A_2061, %and3A_2063 : vector<16xi32>
    %shift_right_logical3A_2065 = arith.constant 8 : i32
    %shift_right_logical3A_2066 = vector.broadcast %shift_right_logical3A_2065 : i32 to vector<16xi32>
    %shift_right_logical3A_2067 = arith.shrui %add3A_2061, %shift_right_logical3A_2066 : vector<16xi32>
    %jit3A_2068 = arith.constant 5 : i32
    %eq3A_2069 = arith.constant 0 : i32
    %eq3A_2070 = arith.cmpi eq, %jit3A_2068, %eq3A_2069 : i32
    %jit3A_2071 = arith.constant 1 : i32
    %select_n3A_2072 = arith.select %eq3A_2070, %jit3A_2071, %jit3A_2068 : i32
    %rem3A_2073 = vector.broadcast %select_n3A_2072 : i32 to vector<16xi32>
    %rem3A_2074 = arith.remsi %shift_right_logical3A_2067, %rem3A_2073 : vector<16xi32>
    %ne3A_2075 = arith.constant 0 : i32
    %ne3A_2076 = vector.broadcast %ne3A_2075 : i32 to vector<16xi32>
    %ne3A_2077 = arith.cmpi ne, %rem3A_2074, %ne3A_2076 : vector<16xi32>
    %lt3A_2078 = arith.constant 0 : i32
    %lt3A_2079 = vector.broadcast %lt3A_2078 : i32 to vector<16xi32>
    %lt3A_2080 = arith.cmpi slt, %rem3A_2074, %lt3A_2079 : vector<16xi32>
    %lt3A_2081 = arith.constant 0 : i32
    %lt3A_2082 = arith.cmpi slt, %select_n3A_2072, %lt3A_2081 : i32
    %ne3A_2083 = vector.broadcast %lt3A_2082 : i1 to vector<16xi1>
    %ne3A_2084 = vector.broadcast %ne3A_2083 : vector<16xi1> to vector<16xi1>
    %ne3A_2085 = arith.xori %lt3A_2080, %ne3A_2084 : vector<16xi1>
    %and3A_2086 = arith.andi %ne3A_2085, %ne3A_2077 : vector<16xi1>
    %add3A_2087 = vector.broadcast %select_n3A_2072 : i32 to vector<16xi32>
    %add3A_2088 = arith.addi %rem3A_2074, %add3A_2087 : vector<16xi32>
    %select_n3A_2089 = arith.select %and3A_2086, %add3A_2088, %rem3A_2074 : vector<16xi1>, vector<16xi32>
    %jit3A_2090 = arith.constant 1280 : i32
    %div3A_2091 = vector.broadcast %jit3A_2090 : i32 to vector<16xi32>
    %div3A_2092 = arith.divsi %add3A_2061, %div3A_2091 : vector<16xi32>
    %sign3A_2093 = arith.constant 0 : i32
    %sign3A_2094 = vector.broadcast %sign3A_2093 : i32 to vector<16xi32>
    %sign3A_2095 = arith.cmpi sgt, %add3A_2061, %sign3A_2094 : vector<16xi32>
    %sign3A_2096 = arith.extui %sign3A_2095 : vector<16xi1> to vector<16xi32>
    %sign3A_2097 = arith.constant 0 : i32
    %sign3A_2098 = vector.broadcast %sign3A_2097 : i32 to vector<16xi32>
    %sign3A_2099 = arith.cmpi slt, %add3A_2061, %sign3A_2098 : vector<16xi32>
    %sign3A_2100 = arith.extui %sign3A_2099 : vector<16xi1> to vector<16xi32>
    %sign3A_2101 = arith.subi %sign3A_2096, %sign3A_2100 : vector<16xi32>
    %sign3A_2102 = arith.constant 0 : i32
    %sign3A_2103 = arith.cmpi sgt, %jit3A_2090, %sign3A_2102 : i32
    %sign3A_2104 = arith.extui %sign3A_2103 : i1 to i32
    %sign3A_2105 = arith.constant 0 : i32
    %sign3A_2106 = arith.cmpi slt, %jit3A_2090, %sign3A_2105 : i32
    %sign3A_2107 = arith.extui %sign3A_2106 : i1 to i32
    %sign3A_2108 = arith.subi %sign3A_2104, %sign3A_2107 : i32
    %ne3A_2109 = vector.broadcast %sign3A_2108 : i32 to vector<16xi32>
    %ne3A_2110 = arith.cmpi ne, %sign3A_2101, %ne3A_2109 : vector<16xi32>
    %rem3A_2111 = vector.broadcast %jit3A_2090 : i32 to vector<16xi32>
    %rem3A_2112 = arith.remsi %add3A_2061, %rem3A_2111 : vector<16xi32>
    %ne3A_2113 = arith.constant 0 : i32
    %ne3A_2114 = vector.broadcast %ne3A_2113 : i32 to vector<16xi32>
    %ne3A_2115 = arith.cmpi ne, %rem3A_2112, %ne3A_2114 : vector<16xi32>
    %and3A_2116 = arith.andi %ne3A_2110, %ne3A_2115 : vector<16xi1>
    %sub3A_2117 = arith.constant 1 : i32
    %sub3A_2118 = vector.broadcast %sub3A_2117 : i32 to vector<16xi32>
    %sub3A_2119 = arith.subi %div3A_2092, %sub3A_2118 : vector<16xi32>
    %select_n3A_2120 = arith.select %and3A_2116, %sub3A_2119, %div3A_2092 : vector<16xi1>, vector<16xi32>
    %mul3A_2121 = arith.constant 256 : i32
    %mul3A_2122 = vector.broadcast %mul3A_2121 : i32 to vector<16xi32>
    %mul3A_2123 = arith.muli %select_n3A_2120, %mul3A_2122 : vector<16xi32>
    %add3A_2124 = arith.addi %mul3A_2123, %and3A_2064 : vector<16xi32>
    %add3A_2125 = arith.constant 7712 : i32
    %add3A_2126 = vector.broadcast %add3A_2125 : i32 to vector<16xi32>
    %add3A_2127 = arith.addi %add3A_2124, %add3A_2126 : vector<16xi32>
    %gather3A_2128 = tpu.vector_load_idx %arg4[%add3A_2127] : memref<8736xf32, #tpu.memory_space<vmem>>[vector<16xi32>], vector<16xf32>,
    %bitcast3A_2129 = vector.bitcast %gather3A_2128 : vector<16xf32> to vector<16xi32>
    %max3A_2130 = arith.maxsi %bitcast3A_2129, %select_n3A_2089 : vector<16xi32>
    %min3A_2131 = arith.minsi %bitcast3A_2129, %select_n3A_2089 : vector<16xi32>
    %add3A_2132 = arith.constant 1 : i32
    %add3A_2133 = vector.broadcast %add3A_2132 : i32 to vector<16xi32>
    %add3A_2134 = arith.addi %max3A_2130, %add3A_2133 : vector<16xi32>
    %mul3A_2135 = arith.muli %max3A_2130, %add3A_2134 : vector<16xi32>
    %shift_right_logical3A_2136 = arith.constant 1 : i32
    %shift_right_logical3A_2137 = vector.broadcast %shift_right_logical3A_2136 : i32 to vector<16xi32>
    %shift_right_logical3A_2138 = arith.shrui %mul3A_2135, %shift_right_logical3A_2137 : vector<16xi32>
    %add3A_2139 = arith.addi %shift_right_logical3A_2138, %min3A_2131 : vector<16xi32>
    %mul3A_2140 = arith.constant 256 : i32
    %mul3A_2141 = vector.broadcast %mul3A_2140 : i32 to vector<16xi32>
    %mul3A_2142 = arith.muli %add3A_2139, %mul3A_2141 : vector<16xi32>
    %add3A_2143 = arith.addi %mul3A_2142, %and3A_2064 : vector<16xi32>
    %gather3A_2144 = tpu.vector_load_idx %arg4[%add3A_2139] : memref<8736xf32, #tpu.memory_space<vmem>>[vector<16xi32>], vector<16xf32>,
    %add3A_2145 = arith.constant 16 : i32
    %add3A_2146 = vector.broadcast %add3A_2145 : i32 to vector<16xi32>
    %add3A_2147 = arith.addi %add3A_2139, %add3A_2146 : vector<16xi32>
    %gather3A_2148 = tpu.vector_load_idx %arg4[%add3A_2147] : memref<8736xf32, #tpu.memory_space<vmem>>[vector<16xi32>], vector<16xf32>,
    %add3A_2149 = arith.constant 32 : i32
    %add3A_2150 = vector.broadcast %add3A_2149 : i32 to vector<16xi32>
    %add3A_2151 = arith.addi %add3A_2143, %add3A_2150 : vector<16xi32>
    %gather3A_2152 = tpu.vector_load_idx %arg4[%add3A_2151] : memref<8736xf32, #tpu.memory_space<vmem>>[vector<16xi32>], vector<16xf32>,
    %add3A_2153 = arith.constant 3872 : i32
    %add3A_2154 = vector.broadcast %add3A_2153 : i32 to vector<16xi32>
    %add3A_2155 = arith.addi %add3A_2143, %add3A_2154 : vector<16xi32>
    %gather3A_2156 = tpu.vector_load_idx %arg4[%add3A_2155] : memref<8736xf32, #tpu.memory_space<vmem>>[vector<16xi32>], vector<16xf32>,
    %mul3A_2157 = arith.mulf %gather3A_2144, %gather3A_2152 : vector<16xf32>
    %swap3A_2158 = arith.constant 304 : index
    %swap3A_2159 = tpu.vector_load %arg5[%swap3A_2158] {strides = array<i32>} : memref<640xf32, #tpu.memory_space<vmem>>, vector<16xf32>,
    tpu.vector_store %arg5[%swap3A_2158], %mul3A_2157 {strides = array<i32>} : memref<640xf32, #tpu.memory_space<vmem>>, vector<16xf32>,
    %mul3A_2160 = arith.mulf %gather3A_2144, %gather3A_2156 : vector<16xf32>
    %add3A_2161 = arith.addf %mul3A_2160, %gather3A_2148 : vector<16xf32>
    %swap3A_2162 = arith.constant 624 : index
    %swap3A_2163 = tpu.vector_load %arg5[%swap3A_2162] {strides = array<i32>} : memref<640xf32, #tpu.memory_space<vmem>>, vector<16xf32>,
    tpu.vector_store %arg5[%swap3A_2162], %add3A_2161 {strides = array<i32>} : memref<640xf32, #tpu.memory_space<vmem>>, vector<16xf32>,
    %dma_start3A = arith.constant 0 : i32
    %dma_start3A_2164 = tpu.memref_slice %arg3[%add3A, %dma_start3A] : memref<16x640xf32, #tpu.memory_space<hbm>> -> memref<1x640xf32, #tpu.memory_space<hbm>>
    %dma_start3A_2165 = tpu.memref_squeeze %dma_start3A_2164 : memref<1x640xf32, #tpu.memory_space<hbm>> -> memref<640xf32, #tpu.memory_space<hbm>>
    %dma_start3A_2166 = arith.constant 0 : i32
    %dma_start3A_2167 = tpu.memref_slice %arg3[%add3A, %dma_start3A_2166] : memref<16x640xf32, #tpu.memory_space<hbm>> -> memref<1x640xf32, #tpu.memory_space<hbm>>
    %dma_start3A_2168 = tpu.memref_squeeze %dma_start3A_2167 : memref<1x640xf32, #tpu.memory_space<hbm>> -> memref<640xf32, #tpu.memory_space<hbm>>
    tpu.enqueue_dma source(%arg5 : memref<640xf32, #tpu.memory_space<vmem>>) target(%dma_start3A_2168 : memref<640xf32, #tpu.memory_space<hbm>>) target_semaphore(%arg6 : memref<!tpu.dma_semaphore, #tpu.memory_space<semaphore_mem>>)
    %dma_wait3A = arith.constant 0 : i32
    %dma_wait3A_2169 = tpu.memref_slice %arg3[%add3A, %dma_wait3A] : memref<16x640xf32, #tpu.memory_space<hbm>> -> memref<1x640xf32, #tpu.memory_space<hbm>>
    %dma_wait3A_2170 = tpu.memref_squeeze %dma_wait3A_2169 : memref<1x640xf32, #tpu.memory_space<hbm>> -> memref<640xf32, #tpu.memory_space<hbm>>
    %dma_wait3A_2171 = arith.constant 0 : i32
    %dma_wait3A_2172 = tpu.memref_slice %arg3[%add3A, %dma_wait3A_2171] : memref<16x640xf32, #tpu.memory_space<hbm>> -> memref<1x640xf32, #tpu.memory_space<hbm>>
    %dma_wait3A_2173 = tpu.memref_squeeze %dma_wait3A_2172 : memref<1x640xf32, #tpu.memory_space<hbm>> -> memref<640xf32, #tpu.memory_space<hbm>>
    tpu.wait_dma2 semaphore(%arg6 : memref<!tpu.dma_semaphore, #tpu.memory_space<semaphore_mem>>) src(%arg5 : memref<640xf32, #tpu.memory_space<vmem>>) dst(%dma_wait3A_2173 : memref<640xf32, #tpu.memory_space<hbm>>)
    return
  }
}

module attributes {stable_mosaic.version = 14 : i64} {
  func.func @_tc_fused(%arg0: memref<4x128x256xf32, #tpu.memory_space<vmem>>, %arg1: memref<16x640xf32, #tpu.memory_space<vmem>>, %arg2: memref<4x256xi32, #tpu.memory_space<vmem>>, %arg3: memref<128x128xf32, #tpu.memory_space<vmem>>, %arg4: memref<1x256xf32, #tpu.memory_space<vmem>>, %arg5: memref<1x256xf32, #tpu.memory_space<vmem>>, %arg6: memref<128x1xf32, #tpu.memory_space<vmem>>, %arg7: memref<128x1xf32, #tpu.memory_space<vmem>>, %arg8: memref<4x128x256xf32, #tpu.memory_space<vmem>>) attributes {dimension_semantics = [], scalar_prefetch = 0 : i64, scratch_operands = 0 : i64, tpu.core_type = #tpu.core_type<tc>} {
    %get3A = arith.constant 0 : index
    %get3A_0 = arith.constant 0 : index
    %get3A_1 = arith.constant 0 : index
    %get3A_2 = vector.load %arg0[%get3A, %get3A_0, %get3A_1] : memref<4x128x256xf32, #tpu.memory_space<vmem>>, vector<4x128x256xf32>
    %broadcast_in_dim3A = arith.constant 0.000000e+00 : f32
    %broadcast_in_dim3A_3 = vector.broadcast %broadcast_in_dim3A : f32 to vector<1x256xf32>
    %get3A_4 = arith.constant 0 : index
    %get3A_5 = arith.constant 0 : index
    %get3A_6 = vector.load %arg2[%get3A_4, %get3A_5] : memref<4x256xi32, #tpu.memory_space<vmem>>, vector<1x256xi32>
    %iota3A = tpu.iota {dimensions = array<i32: 0>} : vector<5x256xi32>
    %broadcast_in_dim3A_7 = vector.shape_cast %get3A_6 : vector<1x256xi32> to vector<1x256xi32>
    %broadcast_in_dim3A_8 = vector.broadcast %broadcast_in_dim3A_7 : vector<1x256xi32> to vector<5x256xi32>
    %get3A_9 = arith.constant 0 : index
    %get3A_10 = arith.constant 0 : index
    %get3A_11 = vector.load %arg1[%get3A_9, %get3A_10] : memref<16x640xf32, #tpu.memory_space<vmem>>, vector<1x256xf32>
    %get3A_12 = arith.constant 0 : index
    %get3A_13 = arith.constant 256 : index
    %get3A_14 = vector.load %arg1[%get3A_12, %get3A_13] : memref<16x640xf32, #tpu.memory_space<vmem>>, vector<1x64xf32>
    %get3A_15 = arith.constant 1 : index
    %get3A_16 = arith.constant 0 : index
    %get3A_17 = vector.load %arg1[%get3A_15, %get3A_16] : memref<16x640xf32, #tpu.memory_space<vmem>>, vector<1x192xf32>
    %concatenate3A = tpu.concatenate %get3A_14, %get3A_17 in 1 : vector<1x64xf32>, vector<1x192xf32> -> vector<1x256xf32>
    %get3A_18 = arith.constant 1 : index
    %get3A_19 = arith.constant 192 : index
    %get3A_20 = vector.load %arg1[%get3A_18, %get3A_19] : memref<16x640xf32, #tpu.memory_space<vmem>>, vector<1x128xf32>
    %get3A_21 = arith.constant 2 : index
    %get3A_22 = arith.constant 0 : index
    %get3A_23 = vector.load %arg1[%get3A_21, %get3A_22] : memref<16x640xf32, #tpu.memory_space<vmem>>, vector<1x128xf32>
    %concatenate3A_24 = tpu.concatenate %get3A_20, %get3A_23 in 1 : vector<1x128xf32>, vector<1x128xf32> -> vector<1x256xf32>
    %get3A_25 = arith.constant 2 : index
    %get3A_26 = arith.constant 128 : index
    %get3A_27 = vector.load %arg1[%get3A_25, %get3A_26] : memref<16x640xf32, #tpu.memory_space<vmem>>, vector<1x192xf32>
    %get3A_28 = arith.constant 3 : index
    %get3A_29 = arith.constant 0 : index
    %get3A_30 = vector.load %arg1[%get3A_28, %get3A_29] : memref<16x640xf32, #tpu.memory_space<vmem>>, vector<1x64xf32>
    %concatenate3A_31 = tpu.concatenate %get3A_27, %get3A_30 in 1 : vector<1x192xf32>, vector<1x64xf32> -> vector<1x256xf32>
    %get3A_32 = arith.constant 3 : index
    %get3A_33 = arith.constant 64 : index
    %get3A_34 = vector.load %arg1[%get3A_32, %get3A_33] : memref<16x640xf32, #tpu.memory_space<vmem>>, vector<1x256xf32>
    %concatenate3A_35 = tpu.concatenate %get3A_11, %concatenate3A, %concatenate3A_24, %concatenate3A_31, %get3A_34 in 0 : vector<1x256xf32>, vector<1x256xf32>, vector<1x256xf32>, vector<1x256xf32>, vector<1x256xf32> -> vector<5x256xf32>
    %get3A_36 = arith.constant 0 : index
    %get3A_37 = arith.constant 320 : index
    %get3A_38 = vector.load %arg1[%get3A_36, %get3A_37] : memref<16x640xf32, #tpu.memory_space<vmem>>, vector<1x256xf32>
    %get3A_39 = arith.constant 0 : index
    %get3A_40 = arith.constant 576 : index
    %get3A_41 = vector.load %arg1[%get3A_39, %get3A_40] : memref<16x640xf32, #tpu.memory_space<vmem>>, vector<1x64xf32>
    %get3A_42 = arith.constant 1 : index
    %get3A_43 = arith.constant 320 : index
    %get3A_44 = vector.load %arg1[%get3A_42, %get3A_43] : memref<16x640xf32, #tpu.memory_space<vmem>>, vector<1x192xf32>
    %concatenate3A_45 = tpu.concatenate %get3A_41, %get3A_44 in 1 : vector<1x64xf32>, vector<1x192xf32> -> vector<1x256xf32>
    %get3A_46 = arith.constant 1 : index
    %get3A_47 = arith.constant 512 : index
    %get3A_48 = vector.load %arg1[%get3A_46, %get3A_47] : memref<16x640xf32, #tpu.memory_space<vmem>>, vector<1x128xf32>
    %get3A_49 = arith.constant 2 : index
    %get3A_50 = arith.constant 320 : index
    %get3A_51 = vector.load %arg1[%get3A_49, %get3A_50] : memref<16x640xf32, #tpu.memory_space<vmem>>, vector<1x128xf32>
    %concatenate3A_52 = tpu.concatenate %get3A_48, %get3A_51 in 1 : vector<1x128xf32>, vector<1x128xf32> -> vector<1x256xf32>
    %get3A_53 = arith.constant 2 : index
    %get3A_54 = arith.constant 448 : index
    %get3A_55 = vector.load %arg1[%get3A_53, %get3A_54] : memref<16x640xf32, #tpu.memory_space<vmem>>, vector<1x192xf32>
    %get3A_56 = arith.constant 3 : index
    %get3A_57 = arith.constant 320 : index
    %get3A_58 = vector.load %arg1[%get3A_56, %get3A_57] : memref<16x640xf32, #tpu.memory_space<vmem>>, vector<1x64xf32>
    %concatenate3A_59 = tpu.concatenate %get3A_55, %get3A_58 in 1 : vector<1x192xf32>, vector<1x64xf32> -> vector<1x256xf32>
    %get3A_60 = arith.constant 3 : index
    %get3A_61 = arith.constant 384 : index
    %get3A_62 = vector.load %arg1[%get3A_60, %get3A_61] : memref<16x640xf32, #tpu.memory_space<vmem>>, vector<1x256xf32>
    %concatenate3A_63 = tpu.concatenate %get3A_38, %concatenate3A_45, %concatenate3A_52, %concatenate3A_59, %get3A_62 in 0 : vector<1x256xf32>, vector<1x256xf32>, vector<1x256xf32>, vector<1x256xf32>, vector<1x256xf32> -> vector<5x256xf32>
    %broadcast_in_dim3A_64 = arith.constant 1.000000e+00 : f32
    %broadcast_in_dim3A_65 = vector.broadcast %broadcast_in_dim3A_64 : f32 to vector<256x1xf32>
    %dot_general3A = arith.constant dense<0.000000e+00> : vector<5x1xf32>
    %dot_general3A_66 = tpu.matmul %concatenate3A_63, %broadcast_in_dim3A_65, %dot_general3A {dimension_numbers = #tpu.dot_dimension_numbers<[1], [0], [0], [1], [0, 0, 1, 1], [], []>, transpose_lhs_hint = false} : vector<5x256xf32>, vector<256x1xf32>, vector<5x1xf32> -> vector<5x1xf32>
    %slice3A = vector.extract_strided_slice %get3A_2 {offsets = [0, 0, 0], sizes = [1, 128, 256], strides = [1, 1, 1]} : vector<4x128x256xf32> to vector<1x128x256xf32>
    %squeeze3A = vector.shape_cast %slice3A : vector<1x128x256xf32> to vector<128x256xf32>
    %dot_general3A_67 = arith.constant dense<0.000000e+00> : vector<128x5xf32>
    %dot_general3A_68 = tpu.matmul %squeeze3A, %concatenate3A_35, %dot_general3A_67 {dimension_numbers = #tpu.dot_dimension_numbers<[1], [1], [0], [0], [0, 0, 1, 0], [], []>, precision = #tpu.contract_precision<fp32>, transpose_lhs_hint = false} : vector<128x256xf32>, vector<5x256xf32>, vector<128x5xf32> -> vector<128x5xf32>
    %eq3A = arith.cmpi eq, %iota3A, %broadcast_in_dim3A_8 : vector<5x256xi32>
    %convert_element_type3A = arith.extui %eq3A : vector<5x256xi1> to vector<5x256xi32>
    %convert_element_type3A_69 = arith.sitofp %convert_element_type3A : vector<5x256xi32> to vector<5x256xf32>
    %dot_general3A_70 = arith.constant dense<0.000000e+00> : vector<1x256xf32>
    %dot_general3A_71 = tpu.matmul %dot_general3A_66, %convert_element_type3A_69, %dot_general3A_70 {dimension_numbers = #tpu.dot_dimension_numbers<[0], [0], [1], [1], [0, 1, 1, 1], [], []>, transpose_lhs_hint = false} : vector<5x1xf32>, vector<5x256xf32>, vector<1x256xf32> -> vector<1x256xf32>
    %dot_general3A_72 = arith.constant dense<0.000000e+00> : vector<128x256xf32>
    %dot_general3A_73 = tpu.matmul %dot_general3A_68, %convert_element_type3A_69, %dot_general3A_72 {dimension_numbers = #tpu.dot_dimension_numbers<[1], [0], [0], [1], [0, 0, 1, 1], [], []>, precision = #tpu.contract_precision<fp32>, transpose_lhs_hint = false} : vector<128x5xf32>, vector<5x256xf32>, vector<128x256xf32> -> vector<128x256xf32>
    %add3A = vector.broadcast %dot_general3A_71 : vector<1x256xf32> to vector<128x256xf32>
    %add3A_74 = arith.addf %dot_general3A_73, %add3A : vector<128x256xf32>
    %reduce_sum3A = arith.constant dense<0.000000e+00> : vector<256xf32>
    %reduce_sum3A_75 = vector.multi_reduction <add>, %add3A_74, %reduce_sum3A [0] : vector<128x256xf32> to vector<256xf32>
    %broadcast_in_dim3A_76 = vector.shape_cast %reduce_sum3A_75 : vector<256xf32> to vector<1x256xf32>
    %add3A_77 = arith.addf %broadcast_in_dim3A_3, %broadcast_in_dim3A_76 : vector<1x256xf32>
    %get3A_78 = arith.constant 1 : index
    %get3A_79 = arith.constant 0 : index
    %get3A_80 = vector.load %arg2[%get3A_78, %get3A_79] : memref<4x256xi32, #tpu.memory_space<vmem>>, vector<1x256xi32>
    %iota3A_81 = tpu.iota {dimensions = array<i32: 0>} : vector<5x256xi32>
    %broadcast_in_dim3A_82 = vector.shape_cast %get3A_80 : vector<1x256xi32> to vector<1x256xi32>
    %broadcast_in_dim3A_83 = vector.broadcast %broadcast_in_dim3A_82 : vector<1x256xi32> to vector<5x256xi32>
    %get3A_84 = arith.constant 4 : index
    %get3A_85 = arith.constant 0 : index
    %get3A_86 = vector.load %arg1[%get3A_84, %get3A_85] : memref<16x640xf32, #tpu.memory_space<vmem>>, vector<1x256xf32>
    %get3A_87 = arith.constant 4 : index
    %get3A_88 = arith.constant 256 : index
    %get3A_89 = vector.load %arg1[%get3A_87, %get3A_88] : memref<16x640xf32, #tpu.memory_space<vmem>>, vector<1x64xf32>
    %get3A_90 = arith.constant 5 : index
    %get3A_91 = arith.constant 0 : index
    %get3A_92 = vector.load %arg1[%get3A_90, %get3A_91] : memref<16x640xf32, #tpu.memory_space<vmem>>, vector<1x192xf32>
    %concatenate3A_93 = tpu.concatenate %get3A_89, %get3A_92 in 1 : vector<1x64xf32>, vector<1x192xf32> -> vector<1x256xf32>
    %get3A_94 = arith.constant 5 : index
    %get3A_95 = arith.constant 192 : index
    %get3A_96 = vector.load %arg1[%get3A_94, %get3A_95] : memref<16x640xf32, #tpu.memory_space<vmem>>, vector<1x128xf32>
    %get3A_97 = arith.constant 6 : index
    %get3A_98 = arith.constant 0 : index
    %get3A_99 = vector.load %arg1[%get3A_97, %get3A_98] : memref<16x640xf32, #tpu.memory_space<vmem>>, vector<1x128xf32>
    %concatenate3A_100 = tpu.concatenate %get3A_96, %get3A_99 in 1 : vector<1x128xf32>, vector<1x128xf32> -> vector<1x256xf32>
    %get3A_101 = arith.constant 6 : index
    %get3A_102 = arith.constant 128 : index
    %get3A_103 = vector.load %arg1[%get3A_101, %get3A_102] : memref<16x640xf32, #tpu.memory_space<vmem>>, vector<1x192xf32>
    %get3A_104 = arith.constant 7 : index
    %get3A_105 = arith.constant 0 : index
    %get3A_106 = vector.load %arg1[%get3A_104, %get3A_105] : memref<16x640xf32, #tpu.memory_space<vmem>>, vector<1x64xf32>
    %concatenate3A_107 = tpu.concatenate %get3A_103, %get3A_106 in 1 : vector<1x192xf32>, vector<1x64xf32> -> vector<1x256xf32>
    %get3A_108 = arith.constant 7 : index
    %get3A_109 = arith.constant 64 : index
    %get3A_110 = vector.load %arg1[%get3A_108, %get3A_109] : memref<16x640xf32, #tpu.memory_space<vmem>>, vector<1x256xf32>
    %concatenate3A_111 = tpu.concatenate %get3A_86, %concatenate3A_93, %concatenate3A_100, %concatenate3A_107, %get3A_110 in 0 : vector<1x256xf32>, vector<1x256xf32>, vector<1x256xf32>, vector<1x256xf32>, vector<1x256xf32> -> vector<5x256xf32>
    %get3A_112 = arith.constant 4 : index
    %get3A_113 = arith.constant 320 : index
    %get3A_114 = vector.load %arg1[%get3A_112, %get3A_113] : memref<16x640xf32, #tpu.memory_space<vmem>>, vector<1x256xf32>
    %get3A_115 = arith.constant 4 : index
    %get3A_116 = arith.constant 576 : index
    %get3A_117 = vector.load %arg1[%get3A_115, %get3A_116] : memref<16x640xf32, #tpu.memory_space<vmem>>, vector<1x64xf32>
    %get3A_118 = arith.constant 5 : index
    %get3A_119 = arith.constant 320 : index
    %get3A_120 = vector.load %arg1[%get3A_118, %get3A_119] : memref<16x640xf32, #tpu.memory_space<vmem>>, vector<1x192xf32>
    %concatenate3A_121 = tpu.concatenate %get3A_117, %get3A_120 in 1 : vector<1x64xf32>, vector<1x192xf32> -> vector<1x256xf32>
    %get3A_122 = arith.constant 5 : index
    %get3A_123 = arith.constant 512 : index
    %get3A_124 = vector.load %arg1[%get3A_122, %get3A_123] : memref<16x640xf32, #tpu.memory_space<vmem>>, vector<1x128xf32>
    %get3A_125 = arith.constant 6 : index
    %get3A_126 = arith.constant 320 : index
    %get3A_127 = vector.load %arg1[%get3A_125, %get3A_126] : memref<16x640xf32, #tpu.memory_space<vmem>>, vector<1x128xf32>
    %concatenate3A_128 = tpu.concatenate %get3A_124, %get3A_127 in 1 : vector<1x128xf32>, vector<1x128xf32> -> vector<1x256xf32>
    %get3A_129 = arith.constant 6 : index
    %get3A_130 = arith.constant 448 : index
    %get3A_131 = vector.load %arg1[%get3A_129, %get3A_130] : memref<16x640xf32, #tpu.memory_space<vmem>>, vector<1x192xf32>
    %get3A_132 = arith.constant 7 : index
    %get3A_133 = arith.constant 320 : index
    %get3A_134 = vector.load %arg1[%get3A_132, %get3A_133] : memref<16x640xf32, #tpu.memory_space<vmem>>, vector<1x64xf32>
    %concatenate3A_135 = tpu.concatenate %get3A_131, %get3A_134 in 1 : vector<1x192xf32>, vector<1x64xf32> -> vector<1x256xf32>
    %get3A_136 = arith.constant 7 : index
    %get3A_137 = arith.constant 384 : index
    %get3A_138 = vector.load %arg1[%get3A_136, %get3A_137] : memref<16x640xf32, #tpu.memory_space<vmem>>, vector<1x256xf32>
    %concatenate3A_139 = tpu.concatenate %get3A_114, %concatenate3A_121, %concatenate3A_128, %concatenate3A_135, %get3A_138 in 0 : vector<1x256xf32>, vector<1x256xf32>, vector<1x256xf32>, vector<1x256xf32>, vector<1x256xf32> -> vector<5x256xf32>
    %broadcast_in_dim3A_140 = arith.constant 1.000000e+00 : f32
    %broadcast_in_dim3A_141 = vector.broadcast %broadcast_in_dim3A_140 : f32 to vector<256x1xf32>
    %dot_general3A_142 = arith.constant dense<0.000000e+00> : vector<5x1xf32>
    %dot_general3A_143 = tpu.matmul %concatenate3A_139, %broadcast_in_dim3A_141, %dot_general3A_142 {dimension_numbers = #tpu.dot_dimension_numbers<[1], [0], [0], [1], [0, 0, 1, 1], [], []>, transpose_lhs_hint = false} : vector<5x256xf32>, vector<256x1xf32>, vector<5x1xf32> -> vector<5x1xf32>
    %slice3A_144 = vector.extract_strided_slice %get3A_2 {offsets = [1, 0, 0], sizes = [1, 128, 256], strides = [1, 1, 1]} : vector<4x128x256xf32> to vector<1x128x256xf32>
    %squeeze3A_145 = vector.shape_cast %slice3A_144 : vector<1x128x256xf32> to vector<128x256xf32>
    %dot_general3A_146 = arith.constant dense<0.000000e+00> : vector<128x5xf32>
    %dot_general3A_147 = tpu.matmul %squeeze3A_145, %concatenate3A_111, %dot_general3A_146 {dimension_numbers = #tpu.dot_dimension_numbers<[1], [1], [0], [0], [0, 0, 1, 0], [], []>, precision = #tpu.contract_precision<fp32>, transpose_lhs_hint = false} : vector<128x256xf32>, vector<5x256xf32>, vector<128x5xf32> -> vector<128x5xf32>
    %eq3A_148 = arith.cmpi eq, %iota3A_81, %broadcast_in_dim3A_83 : vector<5x256xi32>
    %convert_element_type3A_149 = arith.extui %eq3A_148 : vector<5x256xi1> to vector<5x256xi32>
    %convert_element_type3A_150 = arith.sitofp %convert_element_type3A_149 : vector<5x256xi32> to vector<5x256xf32>
    %dot_general3A_151 = arith.constant dense<0.000000e+00> : vector<1x256xf32>
    %dot_general3A_152 = tpu.matmul %dot_general3A_143, %convert_element_type3A_150, %dot_general3A_151 {dimension_numbers = #tpu.dot_dimension_numbers<[0], [0], [1], [1], [0, 1, 1, 1], [], []>, transpose_lhs_hint = false} : vector<5x1xf32>, vector<5x256xf32>, vector<1x256xf32> -> vector<1x256xf32>
    %dot_general3A_153 = arith.constant dense<0.000000e+00> : vector<128x256xf32>
    %dot_general3A_154 = tpu.matmul %dot_general3A_147, %convert_element_type3A_150, %dot_general3A_153 {dimension_numbers = #tpu.dot_dimension_numbers<[1], [0], [0], [1], [0, 0, 1, 1], [], []>, precision = #tpu.contract_precision<fp32>, transpose_lhs_hint = false} : vector<128x5xf32>, vector<5x256xf32>, vector<128x256xf32> -> vector<128x256xf32>
    %add3A_155 = vector.broadcast %dot_general3A_152 : vector<1x256xf32> to vector<128x256xf32>
    %add3A_156 = arith.addf %dot_general3A_154, %add3A_155 : vector<128x256xf32>
    %reduce_sum3A_157 = arith.constant dense<0.000000e+00> : vector<256xf32>
    %reduce_sum3A_158 = vector.multi_reduction <add>, %add3A_156, %reduce_sum3A_157 [0] : vector<128x256xf32> to vector<256xf32>
    %broadcast_in_dim3A_159 = vector.shape_cast %reduce_sum3A_158 : vector<256xf32> to vector<1x256xf32>
    %add3A_160 = arith.addf %add3A_77, %broadcast_in_dim3A_159 : vector<1x256xf32>
    %get3A_161 = arith.constant 2 : index
    %get3A_162 = arith.constant 0 : index
    %get3A_163 = vector.load %arg2[%get3A_161, %get3A_162] : memref<4x256xi32, #tpu.memory_space<vmem>>, vector<1x256xi32>
    %iota3A_164 = tpu.iota {dimensions = array<i32: 0>} : vector<5x256xi32>
    %broadcast_in_dim3A_165 = vector.shape_cast %get3A_163 : vector<1x256xi32> to vector<1x256xi32>
    %broadcast_in_dim3A_166 = vector.broadcast %broadcast_in_dim3A_165 : vector<1x256xi32> to vector<5x256xi32>
    %get3A_167 = arith.constant 8 : index
    %get3A_168 = arith.constant 0 : index
    %get3A_169 = vector.load %arg1[%get3A_167, %get3A_168] : memref<16x640xf32, #tpu.memory_space<vmem>>, vector<1x256xf32>
    %get3A_170 = arith.constant 8 : index
    %get3A_171 = arith.constant 256 : index
    %get3A_172 = vector.load %arg1[%get3A_170, %get3A_171] : memref<16x640xf32, #tpu.memory_space<vmem>>, vector<1x64xf32>
    %get3A_173 = arith.constant 9 : index
    %get3A_174 = arith.constant 0 : index
    %get3A_175 = vector.load %arg1[%get3A_173, %get3A_174] : memref<16x640xf32, #tpu.memory_space<vmem>>, vector<1x192xf32>
    %concatenate3A_176 = tpu.concatenate %get3A_172, %get3A_175 in 1 : vector<1x64xf32>, vector<1x192xf32> -> vector<1x256xf32>
    %get3A_177 = arith.constant 9 : index
    %get3A_178 = arith.constant 192 : index
    %get3A_179 = vector.load %arg1[%get3A_177, %get3A_178] : memref<16x640xf32, #tpu.memory_space<vmem>>, vector<1x128xf32>
    %get3A_180 = arith.constant 10 : index
    %get3A_181 = arith.constant 0 : index
    %get3A_182 = vector.load %arg1[%get3A_180, %get3A_181] : memref<16x640xf32, #tpu.memory_space<vmem>>, vector<1x128xf32>
    %concatenate3A_183 = tpu.concatenate %get3A_179, %get3A_182 in 1 : vector<1x128xf32>, vector<1x128xf32> -> vector<1x256xf32>
    %get3A_184 = arith.constant 10 : index
    %get3A_185 = arith.constant 128 : index
    %get3A_186 = vector.load %arg1[%get3A_184, %get3A_185] : memref<16x640xf32, #tpu.memory_space<vmem>>, vector<1x192xf32>
    %get3A_187 = arith.constant 11 : index
    %get3A_188 = arith.constant 0 : index
    %get3A_189 = vector.load %arg1[%get3A_187, %get3A_188] : memref<16x640xf32, #tpu.memory_space<vmem>>, vector<1x64xf32>
    %concatenate3A_190 = tpu.concatenate %get3A_186, %get3A_189 in 1 : vector<1x192xf32>, vector<1x64xf32> -> vector<1x256xf32>
    %get3A_191 = arith.constant 11 : index
    %get3A_192 = arith.constant 64 : index
    %get3A_193 = vector.load %arg1[%get3A_191, %get3A_192] : memref<16x640xf32, #tpu.memory_space<vmem>>, vector<1x256xf32>
    %concatenate3A_194 = tpu.concatenate %get3A_169, %concatenate3A_176, %concatenate3A_183, %concatenate3A_190, %get3A_193 in 0 : vector<1x256xf32>, vector<1x256xf32>, vector<1x256xf32>, vector<1x256xf32>, vector<1x256xf32> -> vector<5x256xf32>
    %get3A_195 = arith.constant 8 : index
    %get3A_196 = arith.constant 320 : index
    %get3A_197 = vector.load %arg1[%get3A_195, %get3A_196] : memref<16x640xf32, #tpu.memory_space<vmem>>, vector<1x256xf32>
    %get3A_198 = arith.constant 8 : index
    %get3A_199 = arith.constant 576 : index
    %get3A_200 = vector.load %arg1[%get3A_198, %get3A_199] : memref<16x640xf32, #tpu.memory_space<vmem>>, vector<1x64xf32>
    %get3A_201 = arith.constant 9 : index
    %get3A_202 = arith.constant 320 : index
    %get3A_203 = vector.load %arg1[%get3A_201, %get3A_202] : memref<16x640xf32, #tpu.memory_space<vmem>>, vector<1x192xf32>
    %concatenate3A_204 = tpu.concatenate %get3A_200, %get3A_203 in 1 : vector<1x64xf32>, vector<1x192xf32> -> vector<1x256xf32>
    %get3A_205 = arith.constant 9 : index
    %get3A_206 = arith.constant 512 : index
    %get3A_207 = vector.load %arg1[%get3A_205, %get3A_206] : memref<16x640xf32, #tpu.memory_space<vmem>>, vector<1x128xf32>
    %get3A_208 = arith.constant 10 : index
    %get3A_209 = arith.constant 320 : index
    %get3A_210 = vector.load %arg1[%get3A_208, %get3A_209] : memref<16x640xf32, #tpu.memory_space<vmem>>, vector<1x128xf32>
    %concatenate3A_211 = tpu.concatenate %get3A_207, %get3A_210 in 1 : vector<1x128xf32>, vector<1x128xf32> -> vector<1x256xf32>
    %get3A_212 = arith.constant 10 : index
    %get3A_213 = arith.constant 448 : index
    %get3A_214 = vector.load %arg1[%get3A_212, %get3A_213] : memref<16x640xf32, #tpu.memory_space<vmem>>, vector<1x192xf32>
    %get3A_215 = arith.constant 11 : index
    %get3A_216 = arith.constant 320 : index
    %get3A_217 = vector.load %arg1[%get3A_215, %get3A_216] : memref<16x640xf32, #tpu.memory_space<vmem>>, vector<1x64xf32>
    %concatenate3A_218 = tpu.concatenate %get3A_214, %get3A_217 in 1 : vector<1x192xf32>, vector<1x64xf32> -> vector<1x256xf32>
    %get3A_219 = arith.constant 11 : index
    %get3A_220 = arith.constant 384 : index
    %get3A_221 = vector.load %arg1[%get3A_219, %get3A_220] : memref<16x640xf32, #tpu.memory_space<vmem>>, vector<1x256xf32>
    %concatenate3A_222 = tpu.concatenate %get3A_197, %concatenate3A_204, %concatenate3A_211, %concatenate3A_218, %get3A_221 in 0 : vector<1x256xf32>, vector<1x256xf32>, vector<1x256xf32>, vector<1x256xf32>, vector<1x256xf32> -> vector<5x256xf32>
    %broadcast_in_dim3A_223 = arith.constant 1.000000e+00 : f32
    %broadcast_in_dim3A_224 = vector.broadcast %broadcast_in_dim3A_223 : f32 to vector<256x1xf32>
    %dot_general3A_225 = arith.constant dense<0.000000e+00> : vector<5x1xf32>
    %dot_general3A_226 = tpu.matmul %concatenate3A_222, %broadcast_in_dim3A_224, %dot_general3A_225 {dimension_numbers = #tpu.dot_dimension_numbers<[1], [0], [0], [1], [0, 0, 1, 1], [], []>, transpose_lhs_hint = false} : vector<5x256xf32>, vector<256x1xf32>, vector<5x1xf32> -> vector<5x1xf32>
    %slice3A_227 = vector.extract_strided_slice %get3A_2 {offsets = [2, 0, 0], sizes = [1, 128, 256], strides = [1, 1, 1]} : vector<4x128x256xf32> to vector<1x128x256xf32>
    %squeeze3A_228 = vector.shape_cast %slice3A_227 : vector<1x128x256xf32> to vector<128x256xf32>
    %dot_general3A_229 = arith.constant dense<0.000000e+00> : vector<128x5xf32>
    %dot_general3A_230 = tpu.matmul %squeeze3A_228, %concatenate3A_194, %dot_general3A_229 {dimension_numbers = #tpu.dot_dimension_numbers<[1], [1], [0], [0], [0, 0, 1, 0], [], []>, precision = #tpu.contract_precision<fp32>, transpose_lhs_hint = false} : vector<128x256xf32>, vector<5x256xf32>, vector<128x5xf32> -> vector<128x5xf32>
    %eq3A_231 = arith.cmpi eq, %iota3A_164, %broadcast_in_dim3A_166 : vector<5x256xi32>
    %convert_element_type3A_232 = arith.extui %eq3A_231 : vector<5x256xi1> to vector<5x256xi32>
    %convert_element_type3A_233 = arith.sitofp %convert_element_type3A_232 : vector<5x256xi32> to vector<5x256xf32>
    %dot_general3A_234 = arith.constant dense<0.000000e+00> : vector<1x256xf32>
    %dot_general3A_235 = tpu.matmul %dot_general3A_226, %convert_element_type3A_233, %dot_general3A_234 {dimension_numbers = #tpu.dot_dimension_numbers<[0], [0], [1], [1], [0, 1, 1, 1], [], []>, transpose_lhs_hint = false} : vector<5x1xf32>, vector<5x256xf32>, vector<1x256xf32> -> vector<1x256xf32>
    %dot_general3A_236 = arith.constant dense<0.000000e+00> : vector<128x256xf32>
    %dot_general3A_237 = tpu.matmul %dot_general3A_230, %convert_element_type3A_233, %dot_general3A_236 {dimension_numbers = #tpu.dot_dimension_numbers<[1], [0], [0], [1], [0, 0, 1, 1], [], []>, precision = #tpu.contract_precision<fp32>, transpose_lhs_hint = false} : vector<128x5xf32>, vector<5x256xf32>, vector<128x256xf32> -> vector<128x256xf32>
    %add3A_238 = vector.broadcast %dot_general3A_235 : vector<1x256xf32> to vector<128x256xf32>
    %add3A_239 = arith.addf %dot_general3A_237, %add3A_238 : vector<128x256xf32>
    %reduce_sum3A_240 = arith.constant dense<0.000000e+00> : vector<256xf32>
    %reduce_sum3A_241 = vector.multi_reduction <add>, %add3A_239, %reduce_sum3A_240 [0] : vector<128x256xf32> to vector<256xf32>
    %broadcast_in_dim3A_242 = vector.shape_cast %reduce_sum3A_241 : vector<256xf32> to vector<1x256xf32>
    %add3A_243 = arith.addf %add3A_160, %broadcast_in_dim3A_242 : vector<1x256xf32>
    %get3A_244 = arith.constant 3 : index
    %get3A_245 = arith.constant 0 : index
    %get3A_246 = vector.load %arg2[%get3A_244, %get3A_245] : memref<4x256xi32, #tpu.memory_space<vmem>>, vector<1x256xi32>
    %iota3A_247 = tpu.iota {dimensions = array<i32: 0>} : vector<5x256xi32>
    %broadcast_in_dim3A_248 = vector.shape_cast %get3A_246 : vector<1x256xi32> to vector<1x256xi32>
    %broadcast_in_dim3A_249 = vector.broadcast %broadcast_in_dim3A_248 : vector<1x256xi32> to vector<5x256xi32>
    %get3A_250 = arith.constant 12 : index
    %get3A_251 = arith.constant 0 : index
    %get3A_252 = vector.load %arg1[%get3A_250, %get3A_251] : memref<16x640xf32, #tpu.memory_space<vmem>>, vector<1x256xf32>
    %get3A_253 = arith.constant 12 : index
    %get3A_254 = arith.constant 256 : index
    %get3A_255 = vector.load %arg1[%get3A_253, %get3A_254] : memref<16x640xf32, #tpu.memory_space<vmem>>, vector<1x64xf32>
    %get3A_256 = arith.constant 13 : index
    %get3A_257 = arith.constant 0 : index
    %get3A_258 = vector.load %arg1[%get3A_256, %get3A_257] : memref<16x640xf32, #tpu.memory_space<vmem>>, vector<1x192xf32>
    %concatenate3A_259 = tpu.concatenate %get3A_255, %get3A_258 in 1 : vector<1x64xf32>, vector<1x192xf32> -> vector<1x256xf32>
    %get3A_260 = arith.constant 13 : index
    %get3A_261 = arith.constant 192 : index
    %get3A_262 = vector.load %arg1[%get3A_260, %get3A_261] : memref<16x640xf32, #tpu.memory_space<vmem>>, vector<1x128xf32>
    %get3A_263 = arith.constant 14 : index
    %get3A_264 = arith.constant 0 : index
    %get3A_265 = vector.load %arg1[%get3A_263, %get3A_264] : memref<16x640xf32, #tpu.memory_space<vmem>>, vector<1x128xf32>
    %concatenate3A_266 = tpu.concatenate %get3A_262, %get3A_265 in 1 : vector<1x128xf32>, vector<1x128xf32> -> vector<1x256xf32>
    %get3A_267 = arith.constant 14 : index
    %get3A_268 = arith.constant 128 : index
    %get3A_269 = vector.load %arg1[%get3A_267, %get3A_268] : memref<16x640xf32, #tpu.memory_space<vmem>>, vector<1x192xf32>
    %get3A_270 = arith.constant 15 : index
    %get3A_271 = arith.constant 0 : index
    %get3A_272 = vector.load %arg1[%get3A_270, %get3A_271] : memref<16x640xf32, #tpu.memory_space<vmem>>, vector<1x64xf32>
    %concatenate3A_273 = tpu.concatenate %get3A_269, %get3A_272 in 1 : vector<1x192xf32>, vector<1x64xf32> -> vector<1x256xf32>
    %get3A_274 = arith.constant 15 : index
    %get3A_275 = arith.constant 64 : index
    %get3A_276 = vector.load %arg1[%get3A_274, %get3A_275] : memref<16x640xf32, #tpu.memory_space<vmem>>, vector<1x256xf32>
    %concatenate3A_277 = tpu.concatenate %get3A_252, %concatenate3A_259, %concatenate3A_266, %concatenate3A_273, %get3A_276 in 0 : vector<1x256xf32>, vector<1x256xf32>, vector<1x256xf32>, vector<1x256xf32>, vector<1x256xf32> -> vector<5x256xf32>
    %get3A_278 = arith.constant 12 : index
    %get3A_279 = arith.constant 320 : index
    %get3A_280 = vector.load %arg1[%get3A_278, %get3A_279] : memref<16x640xf32, #tpu.memory_space<vmem>>, vector<1x256xf32>
    %get3A_281 = arith.constant 12 : index
    %get3A_282 = arith.constant 576 : index
    %get3A_283 = vector.load %arg1[%get3A_281, %get3A_282] : memref<16x640xf32, #tpu.memory_space<vmem>>, vector<1x64xf32>
    %get3A_284 = arith.constant 13 : index
    %get3A_285 = arith.constant 320 : index
    %get3A_286 = vector.load %arg1[%get3A_284, %get3A_285] : memref<16x640xf32, #tpu.memory_space<vmem>>, vector<1x192xf32>
    %concatenate3A_287 = tpu.concatenate %get3A_283, %get3A_286 in 1 : vector<1x64xf32>, vector<1x192xf32> -> vector<1x256xf32>
    %get3A_288 = arith.constant 13 : index
    %get3A_289 = arith.constant 512 : index
    %get3A_290 = vector.load %arg1[%get3A_288, %get3A_289] : memref<16x640xf32, #tpu.memory_space<vmem>>, vector<1x128xf32>
    %get3A_291 = arith.constant 14 : index
    %get3A_292 = arith.constant 320 : index
    %get3A_293 = vector.load %arg1[%get3A_291, %get3A_292] : memref<16x640xf32, #tpu.memory_space<vmem>>, vector<1x128xf32>
    %concatenate3A_294 = tpu.concatenate %get3A_290, %get3A_293 in 1 : vector<1x128xf32>, vector<1x128xf32> -> vector<1x256xf32>
    %get3A_295 = arith.constant 14 : index
    %get3A_296 = arith.constant 448 : index
    %get3A_297 = vector.load %arg1[%get3A_295, %get3A_296] : memref<16x640xf32, #tpu.memory_space<vmem>>, vector<1x192xf32>
    %get3A_298 = arith.constant 15 : index
    %get3A_299 = arith.constant 320 : index
    %get3A_300 = vector.load %arg1[%get3A_298, %get3A_299] : memref<16x640xf32, #tpu.memory_space<vmem>>, vector<1x64xf32>
    %concatenate3A_301 = tpu.concatenate %get3A_297, %get3A_300 in 1 : vector<1x192xf32>, vector<1x64xf32> -> vector<1x256xf32>
    %get3A_302 = arith.constant 15 : index
    %get3A_303 = arith.constant 384 : index
    %get3A_304 = vector.load %arg1[%get3A_302, %get3A_303] : memref<16x640xf32, #tpu.memory_space<vmem>>, vector<1x256xf32>
    %concatenate3A_305 = tpu.concatenate %get3A_280, %concatenate3A_287, %concatenate3A_294, %concatenate3A_301, %get3A_304 in 0 : vector<1x256xf32>, vector<1x256xf32>, vector<1x256xf32>, vector<1x256xf32>, vector<1x256xf32> -> vector<5x256xf32>
    %broadcast_in_dim3A_306 = arith.constant 1.000000e+00 : f32
    %broadcast_in_dim3A_307 = vector.broadcast %broadcast_in_dim3A_306 : f32 to vector<256x1xf32>
    %dot_general3A_308 = arith.constant dense<0.000000e+00> : vector<5x1xf32>
    %dot_general3A_309 = tpu.matmul %concatenate3A_305, %broadcast_in_dim3A_307, %dot_general3A_308 {dimension_numbers = #tpu.dot_dimension_numbers<[1], [0], [0], [1], [0, 0, 1, 1], [], []>, transpose_lhs_hint = false} : vector<5x256xf32>, vector<256x1xf32>, vector<5x1xf32> -> vector<5x1xf32>
    %slice3A_310 = vector.extract_strided_slice %get3A_2 {offsets = [3, 0, 0], sizes = [1, 128, 256], strides = [1, 1, 1]} : vector<4x128x256xf32> to vector<1x128x256xf32>
    %squeeze3A_311 = vector.shape_cast %slice3A_310 : vector<1x128x256xf32> to vector<128x256xf32>
    %dot_general3A_312 = arith.constant dense<0.000000e+00> : vector<128x5xf32>
    %dot_general3A_313 = tpu.matmul %squeeze3A_311, %concatenate3A_277, %dot_general3A_312 {dimension_numbers = #tpu.dot_dimension_numbers<[1], [1], [0], [0], [0, 0, 1, 0], [], []>, precision = #tpu.contract_precision<fp32>, transpose_lhs_hint = false} : vector<128x256xf32>, vector<5x256xf32>, vector<128x5xf32> -> vector<128x5xf32>
    %eq3A_314 = arith.cmpi eq, %iota3A_247, %broadcast_in_dim3A_249 : vector<5x256xi32>
    %convert_element_type3A_315 = arith.extui %eq3A_314 : vector<5x256xi1> to vector<5x256xi32>
    %convert_element_type3A_316 = arith.sitofp %convert_element_type3A_315 : vector<5x256xi32> to vector<5x256xf32>
    %dot_general3A_317 = arith.constant dense<0.000000e+00> : vector<1x256xf32>
    %dot_general3A_318 = tpu.matmul %dot_general3A_309, %convert_element_type3A_316, %dot_general3A_317 {dimension_numbers = #tpu.dot_dimension_numbers<[0], [0], [1], [1], [0, 1, 1, 1], [], []>, transpose_lhs_hint = false} : vector<5x1xf32>, vector<5x256xf32>, vector<1x256xf32> -> vector<1x256xf32>
    %dot_general3A_319 = arith.constant dense<0.000000e+00> : vector<128x256xf32>
    %dot_general3A_320 = tpu.matmul %dot_general3A_313, %convert_element_type3A_316, %dot_general3A_319 {dimension_numbers = #tpu.dot_dimension_numbers<[1], [0], [0], [1], [0, 0, 1, 1], [], []>, precision = #tpu.contract_precision<fp32>, transpose_lhs_hint = false} : vector<128x5xf32>, vector<5x256xf32>, vector<128x256xf32> -> vector<128x256xf32>
    %add3A_321 = vector.broadcast %dot_general3A_318 : vector<1x256xf32> to vector<128x256xf32>
    %add3A_322 = arith.addf %dot_general3A_320, %add3A_321 : vector<128x256xf32>
    %reduce_sum3A_323 = arith.constant dense<0.000000e+00> : vector<256xf32>
    %reduce_sum3A_324 = vector.multi_reduction <add>, %add3A_322, %reduce_sum3A_323 [0] : vector<128x256xf32> to vector<256xf32>
    %broadcast_in_dim3A_325 = vector.shape_cast %reduce_sum3A_324 : vector<256xf32> to vector<1x256xf32>
    %add3A_326 = arith.addf %add3A_243, %broadcast_in_dim3A_325 : vector<1x256xf32>
    %mul3A = arith.constant 0.001953125 : f32
    %mul3A_327 = vector.broadcast %mul3A : f32 to vector<1x256xf32>
    %mul3A_328 = arith.mulf %add3A_326, %mul3A_327 : vector<1x256xf32>
    %broadcast_in_dim3A_329 = arith.constant 0.000000e+00 : f32
    %broadcast_in_dim3A_330 = vector.broadcast %broadcast_in_dim3A_329 : f32 to vector<1x256xf32>
    %sub3A = vector.broadcast %mul3A_328 : vector<1x256xf32> to vector<128x256xf32>
    %sub3A_331 = arith.subf %add3A_74, %sub3A : vector<128x256xf32>
    %mul3A_332 = arith.mulf %sub3A_331, %sub3A_331 : vector<128x256xf32>
    %reduce_sum3A_333 = arith.constant dense<0.000000e+00> : vector<256xf32>
    %reduce_sum3A_334 = vector.multi_reduction <add>, %mul3A_332, %reduce_sum3A_333 [0] : vector<128x256xf32> to vector<256xf32>
    %broadcast_in_dim3A_335 = vector.shape_cast %reduce_sum3A_334 : vector<256xf32> to vector<1x256xf32>
    %add3A_336 = arith.addf %broadcast_in_dim3A_330, %broadcast_in_dim3A_335 : vector<1x256xf32>
    %sub3A_337 = vector.broadcast %mul3A_328 : vector<1x256xf32> to vector<128x256xf32>
    %sub3A_338 = arith.subf %add3A_156, %sub3A_337 : vector<128x256xf32>
    %mul3A_339 = arith.mulf %sub3A_338, %sub3A_338 : vector<128x256xf32>
    %reduce_sum3A_340 = arith.constant dense<0.000000e+00> : vector<256xf32>
    %reduce_sum3A_341 = vector.multi_reduction <add>, %mul3A_339, %reduce_sum3A_340 [0] : vector<128x256xf32> to vector<256xf32>
    %broadcast_in_dim3A_342 = vector.shape_cast %reduce_sum3A_341 : vector<256xf32> to vector<1x256xf32>
    %add3A_343 = arith.addf %add3A_336, %broadcast_in_dim3A_342 : vector<1x256xf32>
    %sub3A_344 = vector.broadcast %mul3A_328 : vector<1x256xf32> to vector<128x256xf32>
    %sub3A_345 = arith.subf %add3A_239, %sub3A_344 : vector<128x256xf32>
    %mul3A_346 = arith.mulf %sub3A_345, %sub3A_345 : vector<128x256xf32>
    %reduce_sum3A_347 = arith.constant dense<0.000000e+00> : vector<256xf32>
    %reduce_sum3A_348 = vector.multi_reduction <add>, %mul3A_346, %reduce_sum3A_347 [0] : vector<128x256xf32> to vector<256xf32>
    %broadcast_in_dim3A_349 = vector.shape_cast %reduce_sum3A_348 : vector<256xf32> to vector<1x256xf32>
    %add3A_350 = arith.addf %add3A_343, %broadcast_in_dim3A_349 : vector<1x256xf32>
    %sub3A_351 = vector.broadcast %mul3A_328 : vector<1x256xf32> to vector<128x256xf32>
    %sub3A_352 = arith.subf %add3A_322, %sub3A_351 : vector<128x256xf32>
    %mul3A_353 = arith.mulf %sub3A_352, %sub3A_352 : vector<128x256xf32>
    %reduce_sum3A_354 = arith.constant dense<0.000000e+00> : vector<256xf32>
    %reduce_sum3A_355 = vector.multi_reduction <add>, %mul3A_353, %reduce_sum3A_354 [0] : vector<128x256xf32> to vector<256xf32>
    %broadcast_in_dim3A_356 = vector.shape_cast %reduce_sum3A_355 : vector<256xf32> to vector<1x256xf32>
    %add3A_357 = arith.addf %add3A_350, %broadcast_in_dim3A_356 : vector<1x256xf32>
    %mul3A_358 = arith.constant 0.001953125 : f32
    %mul3A_359 = vector.broadcast %mul3A_358 : f32 to vector<1x256xf32>
    %mul3A_360 = arith.mulf %add3A_357, %mul3A_359 : vector<1x256xf32>
    %add3A_361 = arith.constant 9.99999974E-6 : f32
    %add3A_362 = vector.broadcast %add3A_361 : f32 to vector<1x256xf32>
    %add3A_363 = arith.addf %mul3A_360, %add3A_362 : vector<1x256xf32>
    %rsqrt3A = math.rsqrt %add3A_363 : vector<1x256xf32>
    %get3A_364 = arith.constant 0 : index
    %get3A_365 = arith.constant 0 : index
    %get3A_366 = vector.load %arg4[%get3A_364, %get3A_365] : memref<1x256xf32, #tpu.memory_space<vmem>>, vector<1x256xf32>
    %mul3A_367 = arith.mulf %rsqrt3A, %get3A_366 : vector<1x256xf32>
    %get3A_368 = arith.constant 0 : index
    %get3A_369 = arith.constant 0 : index
    %get3A_370 = vector.load %arg5[%get3A_368, %get3A_369] : memref<1x256xf32, #tpu.memory_space<vmem>>, vector<1x256xf32>
    %mul3A_371 = arith.mulf %mul3A_328, %mul3A_367 : vector<1x256xf32>
    %sub3A_372 = arith.subf %get3A_370, %mul3A_371 : vector<1x256xf32>
    %broadcast_in_dim3A_373 = arith.constant 0.000000e+00 : f32
    %broadcast_in_dim3A_374 = vector.broadcast %broadcast_in_dim3A_373 : f32 to vector<128x1xf32>
    %get3A_375 = arith.constant 0 : index
    %get3A_376 = arith.constant 0 : index
    %get3A_377 = vector.load %arg3[%get3A_375, %get3A_376] : memref<128x128xf32, #tpu.memory_space<vmem>>, vector<128x128xf32>
    %mul3A_378 = vector.broadcast %mul3A_367 : vector<1x256xf32> to vector<128x256xf32>
    %mul3A_379 = arith.mulf %add3A_74, %mul3A_378 : vector<128x256xf32>
    %add3A_380 = vector.broadcast %sub3A_372 : vector<1x256xf32> to vector<128x256xf32>
    %add3A_381 = arith.addf %mul3A_379, %add3A_380 : vector<128x256xf32>
    %slice3A_382 = vector.extract_strided_slice %get3A_2 {offsets = [0, 0, 0], sizes = [1, 128, 256], strides = [1, 1, 1]} : vector<4x128x256xf32> to vector<1x128x256xf32>
    %squeeze3A_383 = vector.shape_cast %slice3A_382 : vector<1x128x256xf32> to vector<128x256xf32>
    %add3A_384 = arith.addf %add3A_381, %squeeze3A_383 : vector<128x256xf32>
    %max3A = arith.constant 0.000000e+00 : f32
    %max3A_385 = vector.broadcast %max3A : f32 to vector<128x256xf32>
    %max3A_386 = arith.maximumf %add3A_384, %max3A_385 : vector<128x256xf32>
    %dot_general3A_387 = arith.constant dense<0.000000e+00> : vector<128x256xf32>
    %dot_general3A_388 = tpu.matmul %get3A_377, %max3A_386, %dot_general3A_387 {dimension_numbers = #tpu.dot_dimension_numbers<[1], [0], [0], [1], [0, 0, 1, 1], [], []>, precision = #tpu.contract_precision<fp32>, transpose_lhs_hint = false} : vector<128x128xf32>, vector<128x256xf32>, vector<128x256xf32> -> vector<128x256xf32>
    %reduce_sum3A_389 = arith.constant dense<0.000000e+00> : vector<128xf32>
    %reduce_sum3A_390 = vector.multi_reduction <add>, %dot_general3A_388, %reduce_sum3A_389 [1] : vector<128x256xf32> to vector<128xf32>
    %broadcast_in_dim3A_391 = vector.shape_cast %reduce_sum3A_390 : vector<128xf32> to vector<128x1xf32>
    %add3A_392 = arith.addf %broadcast_in_dim3A_374, %broadcast_in_dim3A_391 : vector<128x1xf32>
    %mul3A_393 = vector.broadcast %mul3A_367 : vector<1x256xf32> to vector<128x256xf32>
    %mul3A_394 = arith.mulf %add3A_156, %mul3A_393 : vector<128x256xf32>
    %add3A_395 = vector.broadcast %sub3A_372 : vector<1x256xf32> to vector<128x256xf32>
    %add3A_396 = arith.addf %mul3A_394, %add3A_395 : vector<128x256xf32>
    %slice3A_397 = vector.extract_strided_slice %get3A_2 {offsets = [1, 0, 0], sizes = [1, 128, 256], strides = [1, 1, 1]} : vector<4x128x256xf32> to vector<1x128x256xf32>
    %squeeze3A_398 = vector.shape_cast %slice3A_397 : vector<1x128x256xf32> to vector<128x256xf32>
    %add3A_399 = arith.addf %add3A_396, %squeeze3A_398 : vector<128x256xf32>
    %max3A_400 = arith.constant 0.000000e+00 : f32
    %max3A_401 = vector.broadcast %max3A_400 : f32 to vector<128x256xf32>
    %max3A_402 = arith.maximumf %add3A_399, %max3A_401 : vector<128x256xf32>
    %dot_general3A_403 = arith.constant dense<0.000000e+00> : vector<128x256xf32>
    %dot_general3A_404 = tpu.matmul %get3A_377, %max3A_402, %dot_general3A_403 {dimension_numbers = #tpu.dot_dimension_numbers<[1], [0], [0], [1], [0, 0, 1, 1], [], []>, precision = #tpu.contract_precision<fp32>, transpose_lhs_hint = false} : vector<128x128xf32>, vector<128x256xf32>, vector<128x256xf32> -> vector<128x256xf32>
    %reduce_sum3A_405 = arith.constant dense<0.000000e+00> : vector<128xf32>
    %reduce_sum3A_406 = vector.multi_reduction <add>, %dot_general3A_404, %reduce_sum3A_405 [1] : vector<128x256xf32> to vector<128xf32>
    %broadcast_in_dim3A_407 = vector.shape_cast %reduce_sum3A_406 : vector<128xf32> to vector<128x1xf32>
    %add3A_408 = arith.addf %add3A_392, %broadcast_in_dim3A_407 : vector<128x1xf32>
    %mul3A_409 = vector.broadcast %mul3A_367 : vector<1x256xf32> to vector<128x256xf32>
    %mul3A_410 = arith.mulf %add3A_239, %mul3A_409 : vector<128x256xf32>
    %add3A_411 = vector.broadcast %sub3A_372 : vector<1x256xf32> to vector<128x256xf32>
    %add3A_412 = arith.addf %mul3A_410, %add3A_411 : vector<128x256xf32>
    %slice3A_413 = vector.extract_strided_slice %get3A_2 {offsets = [2, 0, 0], sizes = [1, 128, 256], strides = [1, 1, 1]} : vector<4x128x256xf32> to vector<1x128x256xf32>
    %squeeze3A_414 = vector.shape_cast %slice3A_413 : vector<1x128x256xf32> to vector<128x256xf32>
    %add3A_415 = arith.addf %add3A_412, %squeeze3A_414 : vector<128x256xf32>
    %max3A_416 = arith.constant 0.000000e+00 : f32
    %max3A_417 = vector.broadcast %max3A_416 : f32 to vector<128x256xf32>
    %max3A_418 = arith.maximumf %add3A_415, %max3A_417 : vector<128x256xf32>
    %dot_general3A_419 = arith.constant dense<0.000000e+00> : vector<128x256xf32>
    %dot_general3A_420 = tpu.matmul %get3A_377, %max3A_418, %dot_general3A_419 {dimension_numbers = #tpu.dot_dimension_numbers<[1], [0], [0], [1], [0, 0, 1, 1], [], []>, precision = #tpu.contract_precision<fp32>, transpose_lhs_hint = false} : vector<128x128xf32>, vector<128x256xf32>, vector<128x256xf32> -> vector<128x256xf32>
    %reduce_sum3A_421 = arith.constant dense<0.000000e+00> : vector<128xf32>
    %reduce_sum3A_422 = vector.multi_reduction <add>, %dot_general3A_420, %reduce_sum3A_421 [1] : vector<128x256xf32> to vector<128xf32>
    %broadcast_in_dim3A_423 = vector.shape_cast %reduce_sum3A_422 : vector<128xf32> to vector<128x1xf32>
    %add3A_424 = arith.addf %add3A_408, %broadcast_in_dim3A_423 : vector<128x1xf32>
    %mul3A_425 = vector.broadcast %mul3A_367 : vector<1x256xf32> to vector<128x256xf32>
    %mul3A_426 = arith.mulf %add3A_322, %mul3A_425 : vector<128x256xf32>
    %add3A_427 = vector.broadcast %sub3A_372 : vector<1x256xf32> to vector<128x256xf32>
    %add3A_428 = arith.addf %mul3A_426, %add3A_427 : vector<128x256xf32>
    %slice3A_429 = vector.extract_strided_slice %get3A_2 {offsets = [3, 0, 0], sizes = [1, 128, 256], strides = [1, 1, 1]} : vector<4x128x256xf32> to vector<1x128x256xf32>
    %squeeze3A_430 = vector.shape_cast %slice3A_429 : vector<1x128x256xf32> to vector<128x256xf32>
    %add3A_431 = arith.addf %add3A_428, %squeeze3A_430 : vector<128x256xf32>
    %max3A_432 = arith.constant 0.000000e+00 : f32
    %max3A_433 = vector.broadcast %max3A_432 : f32 to vector<128x256xf32>
    %max3A_434 = arith.maximumf %add3A_431, %max3A_433 : vector<128x256xf32>
    %dot_general3A_435 = arith.constant dense<0.000000e+00> : vector<128x256xf32>
    %dot_general3A_436 = tpu.matmul %get3A_377, %max3A_434, %dot_general3A_435 {dimension_numbers = #tpu.dot_dimension_numbers<[1], [0], [0], [1], [0, 0, 1, 1], [], []>, precision = #tpu.contract_precision<fp32>, transpose_lhs_hint = false} : vector<128x128xf32>, vector<128x256xf32>, vector<128x256xf32> -> vector<128x256xf32>
    %reduce_sum3A_437 = arith.constant dense<0.000000e+00> : vector<128xf32>
    %reduce_sum3A_438 = vector.multi_reduction <add>, %dot_general3A_436, %reduce_sum3A_437 [1] : vector<128x256xf32> to vector<128xf32>
    %broadcast_in_dim3A_439 = vector.shape_cast %reduce_sum3A_438 : vector<128xf32> to vector<128x1xf32>
    %add3A_440 = arith.addf %add3A_424, %broadcast_in_dim3A_439 : vector<128x1xf32>
    %mul3A_441 = arith.constant 9.765625E-4 : f32
    %mul3A_442 = vector.broadcast %mul3A_441 : f32 to vector<128x1xf32>
    %mul3A_443 = arith.mulf %add3A_440, %mul3A_442 : vector<128x1xf32>
    %broadcast_in_dim3A_444 = arith.constant 0.000000e+00 : f32
    %broadcast_in_dim3A_445 = vector.broadcast %broadcast_in_dim3A_444 : f32 to vector<128x1xf32>
    %sub3A_446 = vector.broadcast %mul3A_443 : vector<128x1xf32> to vector<128x256xf32>
    %sub3A_447 = arith.subf %dot_general3A_388, %sub3A_446 : vector<128x256xf32>
    %mul3A_448 = arith.mulf %sub3A_447, %sub3A_447 : vector<128x256xf32>
    %reduce_sum3A_449 = arith.constant dense<0.000000e+00> : vector<128xf32>
    %reduce_sum3A_450 = vector.multi_reduction <add>, %mul3A_448, %reduce_sum3A_449 [1] : vector<128x256xf32> to vector<128xf32>
    %broadcast_in_dim3A_451 = vector.shape_cast %reduce_sum3A_450 : vector<128xf32> to vector<128x1xf32>
    %add3A_452 = arith.addf %broadcast_in_dim3A_445, %broadcast_in_dim3A_451 : vector<128x1xf32>
    %sub3A_453 = vector.broadcast %mul3A_443 : vector<128x1xf32> to vector<128x256xf32>
    %sub3A_454 = arith.subf %dot_general3A_404, %sub3A_453 : vector<128x256xf32>
    %mul3A_455 = arith.mulf %sub3A_454, %sub3A_454 : vector<128x256xf32>
    %reduce_sum3A_456 = arith.constant dense<0.000000e+00> : vector<128xf32>
    %reduce_sum3A_457 = vector.multi_reduction <add>, %mul3A_455, %reduce_sum3A_456 [1] : vector<128x256xf32> to vector<128xf32>
    %broadcast_in_dim3A_458 = vector.shape_cast %reduce_sum3A_457 : vector<128xf32> to vector<128x1xf32>
    %add3A_459 = arith.addf %add3A_452, %broadcast_in_dim3A_458 : vector<128x1xf32>
    %sub3A_460 = vector.broadcast %mul3A_443 : vector<128x1xf32> to vector<128x256xf32>
    %sub3A_461 = arith.subf %dot_general3A_420, %sub3A_460 : vector<128x256xf32>
    %mul3A_462 = arith.mulf %sub3A_461, %sub3A_461 : vector<128x256xf32>
    %reduce_sum3A_463 = arith.constant dense<0.000000e+00> : vector<128xf32>
    %reduce_sum3A_464 = vector.multi_reduction <add>, %mul3A_462, %reduce_sum3A_463 [1] : vector<128x256xf32> to vector<128xf32>
    %broadcast_in_dim3A_465 = vector.shape_cast %reduce_sum3A_464 : vector<128xf32> to vector<128x1xf32>
    %add3A_466 = arith.addf %add3A_459, %broadcast_in_dim3A_465 : vector<128x1xf32>
    %sub3A_467 = vector.broadcast %mul3A_443 : vector<128x1xf32> to vector<128x256xf32>
    %sub3A_468 = arith.subf %dot_general3A_436, %sub3A_467 : vector<128x256xf32>
    %mul3A_469 = arith.mulf %sub3A_468, %sub3A_468 : vector<128x256xf32>
    %reduce_sum3A_470 = arith.constant dense<0.000000e+00> : vector<128xf32>
    %reduce_sum3A_471 = vector.multi_reduction <add>, %mul3A_469, %reduce_sum3A_470 [1] : vector<128x256xf32> to vector<128xf32>
    %broadcast_in_dim3A_472 = vector.shape_cast %reduce_sum3A_471 : vector<128xf32> to vector<128x1xf32>
    %add3A_473 = arith.addf %add3A_466, %broadcast_in_dim3A_472 : vector<128x1xf32>
    %mul3A_474 = arith.constant 9.765625E-4 : f32
    %mul3A_475 = vector.broadcast %mul3A_474 : f32 to vector<128x1xf32>
    %mul3A_476 = arith.mulf %add3A_473, %mul3A_475 : vector<128x1xf32>
    %add3A_477 = arith.constant 9.99999974E-6 : f32
    %add3A_478 = vector.broadcast %add3A_477 : f32 to vector<128x1xf32>
    %add3A_479 = arith.addf %mul3A_476, %add3A_478 : vector<128x1xf32>
    %rsqrt3A_480 = math.rsqrt %add3A_479 : vector<128x1xf32>
    %get3A_481 = arith.constant 0 : index
    %get3A_482 = arith.constant 0 : index
    %get3A_483 = vector.load %arg6[%get3A_481, %get3A_482] : memref<128x1xf32, #tpu.memory_space<vmem>>, vector<128x1xf32>
    %mul3A_484 = arith.mulf %rsqrt3A_480, %get3A_483 : vector<128x1xf32>
    %get3A_485 = arith.constant 0 : index
    %get3A_486 = arith.constant 0 : index
    %get3A_487 = vector.load %arg7[%get3A_485, %get3A_486] : memref<128x1xf32, #tpu.memory_space<vmem>>, vector<128x1xf32>
    %mul3A_488 = arith.mulf %mul3A_443, %mul3A_484 : vector<128x1xf32>
    %sub3A_489 = arith.subf %get3A_487, %mul3A_488 : vector<128x1xf32>
    %mul3A_490 = vector.broadcast %mul3A_484 : vector<128x1xf32> to vector<128x256xf32>
    %mul3A_491 = arith.mulf %dot_general3A_388, %mul3A_490 : vector<128x256xf32>
    %add3A_492 = vector.broadcast %sub3A_489 : vector<128x1xf32> to vector<128x256xf32>
    %add3A_493 = arith.addf %mul3A_491, %add3A_492 : vector<128x256xf32>
    %swap3A = arith.constant 0 : index
    %swap3A_494 = arith.constant 0 : index
    %swap3A_495 = arith.constant 0 : index
    %swap3A_496 = vector.load %arg8[%swap3A, %swap3A_494, %swap3A_495] : memref<4x128x256xf32, #tpu.memory_space<vmem>>, vector<1x128x256xf32>
    %swap3A_497 = vector.shape_cast %swap3A_496 : vector<1x128x256xf32> to vector<128x256xf32>
    %swap3A_498 = vector.shape_cast %add3A_493 : vector<128x256xf32> to vector<1x128x256xf32>
    tpu.vector_store %arg8[%swap3A, %swap3A_494, %swap3A_495], %swap3A_498 {strides = array<i32>} : memref<4x128x256xf32, #tpu.memory_space<vmem>>, vector<1x128x256xf32>,
    %mul3A_499 = vector.broadcast %mul3A_484 : vector<128x1xf32> to vector<128x256xf32>
    %mul3A_500 = arith.mulf %dot_general3A_404, %mul3A_499 : vector<128x256xf32>
    %add3A_501 = vector.broadcast %sub3A_489 : vector<128x1xf32> to vector<128x256xf32>
    %add3A_502 = arith.addf %mul3A_500, %add3A_501 : vector<128x256xf32>
    %swap3A_503 = arith.constant 1 : index
    %swap3A_504 = arith.constant 0 : index
    %swap3A_505 = arith.constant 0 : index
    %swap3A_506 = vector.load %arg8[%swap3A_503, %swap3A_504, %swap3A_505] : memref<4x128x256xf32, #tpu.memory_space<vmem>>, vector<1x128x256xf32>
    %swap3A_507 = vector.shape_cast %swap3A_506 : vector<1x128x256xf32> to vector<128x256xf32>
    %swap3A_508 = vector.shape_cast %add3A_502 : vector<128x256xf32> to vector<1x128x256xf32>
    tpu.vector_store %arg8[%swap3A_503, %swap3A_504, %swap3A_505], %swap3A_508 {strides = array<i32>} : memref<4x128x256xf32, #tpu.memory_space<vmem>>, vector<1x128x256xf32>,
    %mul3A_509 = vector.broadcast %mul3A_484 : vector<128x1xf32> to vector<128x256xf32>
    %mul3A_510 = arith.mulf %dot_general3A_420, %mul3A_509 : vector<128x256xf32>
    %add3A_511 = vector.broadcast %sub3A_489 : vector<128x1xf32> to vector<128x256xf32>
    %add3A_512 = arith.addf %mul3A_510, %add3A_511 : vector<128x256xf32>
    %swap3A_513 = arith.constant 2 : index
    %swap3A_514 = arith.constant 0 : index
    %swap3A_515 = arith.constant 0 : index
    %swap3A_516 = vector.load %arg8[%swap3A_513, %swap3A_514, %swap3A_515] : memref<4x128x256xf32, #tpu.memory_space<vmem>>, vector<1x128x256xf32>
    %swap3A_517 = vector.shape_cast %swap3A_516 : vector<1x128x256xf32> to vector<128x256xf32>
    %swap3A_518 = vector.shape_cast %add3A_512 : vector<128x256xf32> to vector<1x128x256xf32>
    tpu.vector_store %arg8[%swap3A_513, %swap3A_514, %swap3A_515], %swap3A_518 {strides = array<i32>} : memref<4x128x256xf32, #tpu.memory_space<vmem>>, vector<1x128x256xf32>,
    %mul3A_519 = vector.broadcast %mul3A_484 : vector<128x1xf32> to vector<128x256xf32>
    %mul3A_520 = arith.mulf %dot_general3A_436, %mul3A_519 : vector<128x256xf32>
    %add3A_521 = vector.broadcast %sub3A_489 : vector<128x1xf32> to vector<128x256xf32>
    %add3A_522 = arith.addf %mul3A_520, %add3A_521 : vector<128x256xf32>
    %swap3A_523 = arith.constant 3 : index
    %swap3A_524 = arith.constant 0 : index
    %swap3A_525 = arith.constant 0 : index
    %swap3A_526 = vector.load %arg8[%swap3A_523, %swap3A_524, %swap3A_525] : memref<4x128x256xf32, #tpu.memory_space<vmem>>, vector<1x128x256xf32>
    %swap3A_527 = vector.shape_cast %swap3A_526 : vector<1x128x256xf32> to vector<128x256xf32>
    %swap3A_528 = vector.shape_cast %add3A_522 : vector<128x256xf32> to vector<1x128x256xf32>
    tpu.vector_store %arg8[%swap3A_523, %swap3A_524, %swap3A_525], %swap3A_528 {strides = array<i32>} : memref<4x128x256xf32, #tpu.memory_space<vmem>>, vector<1x128x256xf32>,
    return
  }
}

</mosaic_0001>

<sc_bundles>
// kernel: kernel.4.cloned.1.call-start
scs
__scs_entry_jumppad:
0x0: {  	(pc) =	sbr.rel $0x88, $3  }
0x1: {  	(tag) =	ssettag $0x0;
	lr =	simm.s32 $0x1  }
0x2: {  	[smem:$0x3F97] =	sst lr;
	_ =	strace $0xD0000000  }
0x3: {  	_ = 	snop  }
0x4: {  	_ = 	snop  }
0x5: {  	_ = 	snop  }
0x6: {  	_ = 	snop  }
0x7: {  	_ = 	snop  }
__scs_overlays_trampoline_lowered:
0x8: {  	[smem:$0x3FA6] =	sst s0  }
0x9: {  	[smem:$0x3FA7] =	sst s1  }
0xa: {  	[smem:$0x3FA8] =	sst s2  }
0xb: {  	[smem:$0x3FA9] =	sst s3  }
0xc: {  	[smem:$0x3FAA] =	sst s4  }
0xd: {  	[smem:$0x3FAB] =	sst s5  }
0xe: {  	[smem:$0x3FAC] =	sst s6  }
0xf: {  	[smem:$0x3FAD] =	sst s7  }
0x10: {  	[smem:$0x3FAE] =	sst s8  }
0x11: {  	[smem:$0x3FAF] =	sst s9;
	s0 =	simm.s32 @!p0 $0x0  }
0x12: {  	s1 =	sld [smem:$0x3F95];
	s0 =	simm.s32 @p0 $0x1  }
0x13: {  	[smem:$0x3FB0] =	sst s0;
	s0 =	simm.s32 @!p1 $0x0  }
0x14: {  	s2 =	sld [smem:$0x3F94];
	s0 =	simm.s32 @p1 $0x1  }
0x15: {  	[smem:$0x3FB1] =	sst s0;
	s0 =	simm.s32 @!p2 $0x0  }
0x16: {  	s3 =	sld [smem:$0x3FDB];
	s0 =	simm.s32 @p2 $0x1  }
0x17: {  	s4 =	simm.s32 $0x1BF5;
	[smem:$0x3FB3] =	sst s0  }
0x18: {  	s0 =	sld [smem:$0x3F96];
	_ =	swait.ge [sflag:s4], $0x0  }
0x19: {  	s7 =	sld [smem:$0x3F97]  }
0x1a: {  	s8 =	sadd.s32 $0xFFFFE003, lr  }
0x1b: {  	s9 =	sadd.s32 $0xFFFFFEF7, lr;
	s5 =	simm.s32 $0xFFFFFFFF;
	p2 =	slt.u32 s8, $0xFFFFF086  }
0x1c: {  	p1 =	slt.u32 s9, $0xF7A;
	s5 =	simm.s32 @!p2 $0x0  }
0x1d: {  	s5 =	simm.s32 @p1 $0x1;
	p0 =	seq.s32 s7, s2  }
0x1e: {  	s7 =	smul.u32 @!p0 $0xF7A, s2;
	p2 =	seq.s32 @!p0 s5, $0x0  }
0x1f: {  	s9 =	smul.u32 $0xF7A, s1;
	s8 =	simm.s32 @!p0 $0x1BF5;
	p2 =	por !p2, p0  }
0x20: {  	[sflag:s8] =	ssyncset.s32 @!p0 $0xFFFFF086;
	s6 =	sadd.s32 @!p0 s3, s7;
	s7 =	simm.s32 @!p0 $0x108  }
0x21: {  	s3 =	sadd.s32 s3, s9;
	s6 =	sadd.s32 @!p0 $0x88, s6;
	s7 =	simm.s32 @p2 $0x1082  }
0x22: {  	[simem:s7], [sflag:s8] =	dma.local @!p0 [hbm:s6], $0xF7A  }
0x23: {  	s9 =	sor.u32 $0xD0000000, s2;
	s6 =	simm.s32 $0x108;
	_ =	swait.ge @!p0 [sflag:s8], $0x0  }
0x24: {  	s3 =	sadd.s32 $0x88, s3;
	s6 =	simm.s32 @!p1 $0x1082;
	[sflag:s4] =	ssyncset.s32 $0xFFFFF086  }
0x25: {  	[simem:s6], [sflag:s4] =	dma.local [hbm:s3], $0xF7A  }
0x26: {  	[smem:$0x3F97] =	sst s1;
	(tag) =	ssettag s2;
	_ =	strace s9  }
0x27: {  	s1 =	sld [smem:$0x3FA7]  }
0x28: {  	s2 =	sld [smem:$0x3FA8]  }
0x29: {  	s4 =	sld [smem:$0x3FAA]  }
0x2a: {  	p0 =	seq.s32 s5, $0x0;
	s5 =	sld [smem:$0x3FAB]  }
0x2b: {  	s6 =	sld [smem:$0x3FAC]  }
0x2c: {  	s7 =	sld [smem:$0x3FAD]  }
0x2d: {  	s3 =	simm.s32 $0x108;
	s8 =	sld [smem:$0x3FAE]  }
0x2e: {  	s3 =	simm.s32 @!p0 $0x1082;
	s9 =	sld [smem:$0x3FAF]  }
0x2f: {  	lr =	sadd.s32 s0, s3;
	s0 =	sld [smem:$0x3FA6]  }
0x30: {  	s3 =	sld [smem:$0x3FA9]  }
0x31: {  	[smem:$0x3FB2] =	sst s10  }
0x32: {  	s10 =	sld [smem:$0x3FB0];
	_ =	sdelay $0x3  }
0x33: {  	p0 =	seq.s32 s10, $0x1;
	s10 =	sld [smem:$0x3FB2];
	_ =	sdelay $0x3  }
0x34: {  	[smem:$0x3FB2] =	sst s10  }
0x35: {  	s10 =	sld [smem:$0x3FB1];
	_ =	sdelay $0x3  }
0x36: {  	p1 =	seq.s32 s10, $0x1;
	s10 =	sld [smem:$0x3FB2];
	_ =	sdelay $0x3  }
0x37: {  	[smem:$0x3FB2] =	sst s10  }
0x38: {  	s10 =	sld [smem:$0x3FB3]  }
0x39: {  	_ = 	snop;
	(pc) =	sbr.ind lr, $3  }
0x3a: {  	_ = 	snop  }
0x3b: {  	_ = 	snop  }
0x3c: {  	p2 =	seq.s32 s10, $0x1;
	s10 =	sld [smem:$0x3FB2]  }
0x3d: {  	_ =	shalt  }
0x3e: {  	_ =	shalt  }
0x3f: {  	_ =	shalt  }
0x40: {  	_ =	shalt  }
0x41: {  	_ =	shalt  }
0x42: {  	_ =	shalt  }
0x43: {  	_ =	shalt  }
0x44: {  	_ =	shalt  }
0x45: {  	_ =	shalt  }
0x46: {  	_ =	shalt  }
0x47: {  	_ =	shalt  }
0x48: {  	_ =	shalt  }
0x49: {  	_ =	shalt  }
0x4a: {  	_ =	shalt  }
0x4b: {  	_ =	shalt  }
0x4c: {  	_ =	shalt  }
0x4d: {  	_ =	shalt  }
0x4e: {  	_ =	shalt  }
0x4f: {  	_ =	shalt  }
0x50: {  	_ =	shalt  }
0x51: {  	_ =	shalt  }
0x52: {  	_ =	shalt  }
0x53: {  	_ =	shalt  }
0x54: {  	_ =	shalt  }
0x55: {  	_ =	shalt  }
0x56: {  	_ =	shalt  }
0x57: {  	_ =	shalt  }
0x58: {  	_ =	shalt  }
0x59: {  	_ =	shalt  }
0x5a: {  	_ =	shalt  }
0x5b: {  	_ =	shalt  }
0x5c: {  	_ =	shalt  }
0x5d: {  	_ =	shalt  }
0x5e: {  	_ =	shalt  }
0x5f: {  	_ =	shalt  }
0x60: {  	_ =	shalt  }
0x61: {  	_ =	shalt  }
0x62: {  	_ =	shalt  }
0x63: {  	_ =	shalt  }
0x64: {  	_ =	shalt  }
0x65: {  	_ =	shalt  }
0x66: {  	_ =	shalt  }
0x67: {  	_ =	shalt  }
0x68: {  	_ =	shalt  }
0x69: {  	_ =	shalt  }
0x6a: {  	_ =	shalt  }
0x6b: {  	_ =	shalt  }
0x6c: {  	_ =	shalt  }
0x6d: {  	_ =	shalt  }
0x6e: {  	_ =	shalt  }
0x6f: {  	_ =	shalt  }
0x70: {  	_ =	shalt  }
0x71: {  	_ =	shalt  }
0x72: {  	_ =	shalt  }
0x73: {  	_ =	shalt  }
0x74: {  	_ =	shalt  }
0x75: {  	_ =	shalt  }
0x76: {  	_ =	shalt  }
0x77: {  	_ =	shalt  }
0x78: {  	_ =	shalt  }
0x79: {  	_ =	shalt  }
0x7a: {  	_ =	shalt  }
0x7b: {  	_ =	shalt  }
0x7c: {  	_ =	shalt  }
0x7d: {  	_ =	shalt  }
0x7e: {  	_ =	shalt  }
0x7f: {  	_ =	shalt  }
0x80: {  	_ =	shalt  }
0x81: {  	_ =	shalt  }
0x82: {  	_ =	shalt  }
0x83: {  	_ =	shalt  }
0x84: {  	_ =	shalt  }
0x85: {  	_ =	shalt  }
0x86: {  	_ =	shalt  }
0x87: {  	_ =	shalt  }
.Lfunc_end0:
.L_simem_size_0:
called_computation_lowered:
.L_overlay_start_0:
0x88: {  	s0 =	sld [smem:$0x3FD9]  }
0x89: {  	s1 =	sld [smem:$0x3FFE];
	_ =	sdelay $0x3  }
0x8a: {  	s0 =	sadd.s32 s1, s0  }
0x8b: {  	[smem:$0x3FBE] =	sst s0  }
0x8c: {  	_ = 	snop  }
0x8d: {  	s0 =	sld [smem:$0x3FD0];
	_ =	sdelay $0x2  }
0x8e: {  	s13 =	simm.s32 $0xA;
	s2 =	simm.s32 $0x10  }
0x8f: {  	[smem:s2], [sflag:s13] =	dma.local [hbm:s0], $0x1  }
0x90: {  	_ =	swait.eq [sflag:s13], $0x1  }
0x91: {  	[sflag:s13] =	ssyncset.done $0x0  }
0x92: {  	[sflag:s13] =	ssyncadd.s32 $0xFFFFFFFF  }
0x93: {  	s14 =	sld [smem:$0x10];
	(tm) =	ssettm $0x1  }
0x94: {  	s15 =	sld [smem:$0x3FFB];
	_ =	sdelay $0x3  }
0x95: {  	_ =	strace s15  }
0x96: {  	s1 =	sld [smem:$0x3FFC];
	_ =	sdelay $0x3  }
0x97: {  	_ =	strace s1  }
0x98: {  	s1 =	sld [smem:$0x3FFD];
	_ =	sdelay $0x3  }
0x99: {  	_ =	strace s1  }
0x9a: {  	_ =	strace $0x8FFFFFFF  }
0x9b: {  	s16 =	sld [smem:$0x3FDB];
	_ =	sdelay $0x1  }
0x9c: {  	s17 =	simm.s32 $_scs_section_size  }
0x9d: {  	s3 =	simm.s32 $_size__tile_overlayer_lowered;
	s4 =	simm.s32 $_tile_overlayer_lowered  }
0x9e: {  	s20 =	simm.s32 $0x1BFF;
	s19 =	sshll.u32 s4, $0x1;
	s1 =	sadd.s32 s17, s16  }
0x9f: {  	s5 =	simm.s32 $0x0;
	s18 =	sshll.u32 s3, $0x1;
	s3 =	sadd.s32 s19, s1  }
0xa0: {  	[timem:s5], [sflag:s20] =	dma.local [hbm:s3], s18  }
0xa1: {  	_ =	swait.ge [sflag:s20], s18  }
0xa2: {  	s2 =	ssub.s32 $0x0, s18;
	[sflag:s20] =	ssyncset.done $0x0  }
0xa3: {  	[sflag:s20] =	ssyncadd.s32 s2;
	_ =	sdelay $0x1  }
0xa4: {  	s21 =	simm.s32 $0x1B8B  }
0xa5: {  	_ =	swait.ge [sflag:s21], $0x1  }
0xa6: {  	[sflag:s21] =	ssyncset.done $0x0  }
0xa7: {  	s23 =	simm.s32 $0x1B8E;
	s22 =	sld [smem:$0x3FFE];
	[sflag:s21] =	ssyncadd.s32 $0xFFFFFFFF  }
0xa8: {  	s24 =	simm.s32 $execute0_lowered;
	[smem:$0x3FD2] =	sst s23  }
0xa9: {  	s3 =	sshll.u32 s24, $0x1;
	_ =	strace $0x80000046;
	[dreg:$0x1] =	wrdreg $0xFFFFFFFF  }
0xaa: {  	s25 =	simm.s32 $_size_execute0_lowered;
	s1 =	sadd.s32 s1, s3;
	[dreg:$0x0] =	wrdreg $0x0  }
0xab: {  	s3 =	sshll.u32 s25, $0x1;
	[dreg:$0x2] =	wrdreg s1  }
0xac: {  	[dreg:$0x3] =	wrdreg s3  }
0xad: {  	[dreg:$0x4] =	wrdreg $0xC0  }
0xae: {  	_ =	task [dreg:s5], $0x5FFFF  }
0xaf: {  	[dreg:$0x1] =	wrdreg $0xFFFFFFFF  }
0xb0: {  	[dreg:$0x0] =	wrdreg $0x60  }
0xb1: {  	[dreg:$0x2] =	wrdreg s22  }
0xb2: {  	[dreg:$0x3] =	wrdreg s14  }
0xb3: {  	[dreg:$0x4] =	wrdreg $0x9  }
0xb4: {  	_ =	task.clear_ibuf [dreg:s5], $0x5FFFF;
	_ =	strace $0x90000046  }
0xb5: {  	s26 =	simm.s32 $0x9;
	_ =	strace $0x80000048  }
0xb6: {  	_ =	swait.ge [sflag:s26], $0x1  }
0xb7: {  	[sflag:s26] =	ssyncadd.s32 $0xFFFFFFFF  }
0xb8: {  	_ =	strace $0x90000048  }
0xb9: {  	_ =	sfence  }
0xba: {  	s28 =	sld [smem:$0x0];
	_ =	sdelay $0x1  }
0xbb: {  	s29 =	srdreg.scid  }
0xbc: {  	s30 =	sshll.u32 s29, $0xD;
	s31 =	sshrl.u32 s29, $0x2  }
0xbd: {  	s2 =	sand.u32 $0x4000, s30;
	s1 =	sand.u32 $0x1, s29;
	s0 =	sadd.s32 s31, s28  }
0xbe: {  	s1 =	sor.u32 s2, s1;
	s0 =	sshll.u32 s0, $0x11  }
0xbf: {  	s0 =	sor.u32 s0, s1  }
0xc0: {  	s0 =	sadd.s32 $0x8F2B, s0  }
0xc1: {  	[sflag:s0] =	ssyncadd.remote.s32 $0x1  }
0xc2: {  	_ =	sfence.sel $0xFFFF  }
0xc3: {  	[dreg:$0x0] =	wrdreg $0xFFFFFFFF;
	(pc) =	sbr.abs _section_cstart, $3  }
0xc4: {  	[dreg:$0x1] =	wrdreg $0xFFFFFFFF  }
0xc5: {  	_ =	task.clear_ibuf [dreg:s5], $0x2FFFF;
	_ =	strace $0x9FFFFFFF  }
0xc6: {  	(tm) =	ssettm $0x7FFFFFFF  }
0xc7: {  	_ =	shalt  }
tec
execute0_lowered:
.L_overlay_start_1:
0x0: {  	(tag) =	ssettag $0x1  }
0x1: {  	s0 =	stileid.u32  }
0x2: {  	s5 =	smul.u32 $0x140, s0  }
0x3: {  	v0 =	vlaneseq.u32  }
0x4: {  	v1 =	vor.u32 s5, v0  }
0x5: {  	v2 =	vmul.u32 $0xCCCCCCCD, v1;
	_ =	sdelay $0x1  }
0x6: {  	v3 =	vshll.u32 v2, $0x18;
	v2 =	vshrl.u32 v2, $0x8  }
0x7: {  	v4 =	vmov s5;
	v2 =	vor.u32 v3, v2  }
0x8: {  	vm0 =	veq.s32 v4, v0;
	vm1 =	vgt.u32 v2, $0x333333  }
0x9: {  	v26 =	vimm.s32 $0x0;
	v25 =	vmulhi.u32 $0x333334, v4;
	vm0 =	vmand vm0, vm1  }
0xa: {  	s3 =	rddreg [dreg:$0x0];
	v3 =	vsel vm0, $0xFFFFFFFF, v26  }
0xb: {  	s2 =	rddreg [dreg:$0x1];
	v2 =	vadd.s32 v3, v25  }
0xc: {  	s1 =	rddreg [dreg:$0x2];
	s4 =	simm.s32 $0x0;
	v27 =	vand.u32 $0xCF, v1;
	v28 =	vshll.u32 v2, $0x8  }
0xd: {  	[smem:$0x7FF] =	sst s4;
	v1 =	vor.u32 v27, v28  }
0xe: {  	s8 =	simm.s32 $0x1;
	s3 =	sadd.s32 $0x1400, s3;
	_ =	strace $0x80000047;
	v1 =	vadd.s32 $0x1E20, v1  }
0xf: {  	[tilespmem:s4], [sflag:$0x1] =	stream.linear.gather [hbm4b:s3+s4], $0x2280, $0x38;
	[tilespmem:$0x2500] =	vst v63  }
0x10: {  	_ =	swait.ge [sflag:s8], $0x2280  }
0x11: {  	[sflag:s8] =	ssyncset.done $0x0  }
0x12: {  	v29 =	vshrl.u32 v4, $0x8;
	[sflag:s8] =	ssyncadd.s32 $0xFFFFDD80  }
0x13: {  	v4 =	vmulhi.u32 $0x33333334, v29;
	v1 =	vld.idx.msk [tilespmem:v1+s4+$0x0], $0xffff;
	_ =	sdelay $0x1  }
0x14: {  	v4 =	vmul.u32 $0x5, v4;
	_ =	sdelay $0x1  }
0x15: {  	v2 =	vsub.s32 v29, v4  }
0x16: {  	vm8 =	vlt.s32 v1, v2  }
0x17: {  	v4 =	vsel vm8, v2, v1  }
0x18: {  	v5 =	vadd.s32 $0x1, v4  }
0x19: {  	v4 =	vmul.u32 v4, v5;
	_ =	sdelay $0x1  }
0x1a: {  	v1 =	vsel vm8, v1, v2;
	v30 =	vshrl.u32 v4, $0x1  }
0x1b: {  	v2 =	vadd.s32 v1, v30  }
0x1c: {  	v1 =	vor.u32 $0x20, v0;
	v31 =	vshll.u32 v2, $0x8  }
0x1d: {  	v32 =	vor.u32 s5, v1;
	v3 =	vor.u32 v27, v31  }
0x1e: {  	v5 =	vand.u32 $0xEF, v32;
	v3 =	vadd.s32 $0xF20, v3  }
0x1f: {  	v4 =	vor.u32 v31, v5  }
0x20: {  	v33 =	vadd.s32 $0x10, v2;
	_ =	sdelay $0x1  }
0x21: {  	s6 =	sor.u32 $0x10, s5;
	v2 =	vld.idx.msk [tilespmem:v2+s4+$0x0], $0xffff  }
0x22: {  	v6 =	vmov s6;
	v3 =	vld.idx.msk [tilespmem:v3+s4+$0x0], $0xffff  }
0x23: {  	v7 =	vmulhi.u32 $0x333334, v6;
	v4 =	vld.idx.msk [tilespmem:v4+s4+$0x0], $0xffff  }
0x24: {  	v8 =	vor.u32 s6, v0;
	v5 =	vld.idx.msk [tilespmem:v33+s4+$0x0], $0xffff  }
0x25: {  	v8 =	vand.u32 $0xDF, v8;
	v7 =	vshll.u32 v7, $0x8  }
0x26: {  	v7 =	vor.u32 v8, v7  }
0x27: {  	v7 =	vadd.s32 $0x1E20, v7;
	v3 =	vmul.f32 v3, v2  }
0x28: {  	v2 =	vmul.f32 v4, v2  }
0x29: {  	v3 =	vadd.f32 v3, v5  }
0x2a: {  	[tilespmem:$0x2280] =	vst v2  }
0x2b: {  	v34 =	vshrl.u32 v6, $0x8;
	[tilespmem:$0x23C0] =	vst v3  }
0x2c: {  	v35 =	vmulhi.u32 $0x33333334, v34;
	v36 =	vld.idx.msk [tilespmem:v7+s4+$0x0], $0xffff;
	_ =	sdelay $0x1  }
0x2d: {  	v3 =	vmul.u32 $0x5, v35;
	_ =	sdelay $0x1  }
0x2e: {  	v2 =	vsub.s32 v34, v3  }
0x2f: {  	vm9 =	vlt.s32 v36, v2  }
0x30: {  	v3 =	vsel vm9, v2, v36  }
0x31: {  	v37 =	vadd.s32 $0x1, v3  }
0x32: {  	v3 =	vmul.u32 v3, v37;
	_ =	sdelay $0x1  }
0x33: {  	v2 =	vsel vm9, v36, v2;
	v3 =	vshrl.u32 v3, $0x1  }
0x34: {  	v2 =	vadd.s32 v2, v3  }
0x35: {  	v3 =	vshll.u32 v2, $0x8  }
0x36: {  	v38 =	vor.u32 s6, v1;
	v39 =	vor.u32 v8, v3  }
0x37: {  	v4 =	vand.u32 $0xFF, v38;
	v5 =	vadd.s32 $0xF20, v39  }
0x38: {  	v3 =	vor.u32 v3, v4  }
0x39: {  	v40 =	vadd.s32 $0x10, v2;
	_ =	sdelay $0x1  }
0x3a: {  	s9 =	sor.u32 $0x20, s5;
	v2 =	vld.idx.msk [tilespmem:v2+s4+$0x0], $0xffff  }
0x3b: {  	v41 =	vmov s9;
	v5 =	vld.idx.msk [tilespmem:v5+s4+$0x0], $0xffff  }
0x3c: {  	v42 =	vmulhi.u32 $0x333334, v41;
	v3 =	vld.idx.msk [tilespmem:v3+s4+$0x0], $0xffff  }
0x3d: {  	v43 =	vor.u32 s9, v0;
	v4 =	vld.idx.msk [tilespmem:v40+s4+$0x0], $0xffff  }
0x3e: {  	v7 =	vshll.u32 v42, $0x8;
	v8 =	vand.u32 $0xEF, v43  }
0x3f: {  	v7 =	vor.u32 v7, v8  }
0x40: {  	v7 =	vadd.s32 $0x1E20, v7;
	v5 =	vmul.f32 v5, v2  }
0x41: {  	v2 =	vmul.f32 v3, v2  }
0x42: {  	v44 =	vadd.f32 v5, v4  }
0x43: {  	[tilespmem:$0x2290] =	vst v2  }
0x44: {  	v45 =	vshrl.u32 v41, $0x8;
	[tilespmem:$0x23D0] =	vst v44  }
0x45: {  	v46 =	vmulhi.u32 $0x33333334, v45;
	v47 =	vld.idx.msk [tilespmem:v7+s4+$0x0], $0xffff;
	_ =	sdelay $0x1  }
0x46: {  	v3 =	vmul.u32 $0x5, v46;
	_ =	sdelay $0x1  }
0x47: {  	v2 =	vsub.s32 v45, v3  }
0x48: {  	vm10 =	vlt.s32 v47, v2  }
0x49: {  	v3 =	vsel vm10, v2, v47  }
0x4a: {  	v48 =	vadd.s32 $0x1, v3  }
0x4b: {  	v3 =	vmul.u32 v3, v48;
	_ =	sdelay $0x1  }
0x4c: {  	v2 =	vsel vm10, v47, v2;
	v3 =	vshrl.u32 v3, $0x1  }
0x4d: {  	v2 =	vadd.s32 v2, v3  }
0x4e: {  	v3 =	vshll.u32 v2, $0x8  }
0x4f: {  	v3 =	vor.u32 v3, v8  }
0x50: {  	v49 =	vadd.s32 $0xF20, v3  }
0x51: {  	v3 =	vadd.s32 $0x20, v3  }
0x52: {  	v50 =	vadd.s32 $0x10, v2;
	_ =	sdelay $0x1  }
0x53: {  	s10 =	sor.u32 $0x30, s5;
	v2 =	vld.idx.msk [tilespmem:v2+s4+$0x0], $0xffff  }
0x54: {  	v51 =	vmov s10;
	v4 =	vld.idx.msk [tilespmem:v49+s4+$0x0], $0xffff  }
0x55: {  	v52 =	vmulhi.u32 $0x333334, v51;
	v3 =	vld.idx.msk [tilespmem:v3+s4+$0x0], $0xffff  }
0x56: {  	v53 =	vor.u32 s10, v0;
	v5 =	vld.idx.msk [tilespmem:v50+s4+$0x0], $0xffff  }
0x57: {  	v7 =	vshll.u32 v52, $0x8;
	v8 =	vand.u32 $0xFF, v53  }
0x58: {  	v7 =	vor.u32 v7, v8  }
0x59: {  	v7 =	vadd.s32 $0x1E20, v7;
	v4 =	vmul.f32 v4, v2  }
0x5a: {  	v2 =	vmul.f32 v3, v2  }
0x5b: {  	v54 =	vadd.f32 v4, v5  }
0x5c: {  	[tilespmem:$0x22A0] =	vst v2  }
0x5d: {  	v55 =	vshrl.u32 v51, $0x8;
	[tilespmem:$0x23E0] =	vst v54  }
0x5e: {  	v56 =	vmulhi.u32 $0x33333334, v55;
	v57 =	vld.idx.msk [tilespmem:v7+s4+$0x0], $0xffff;
	_ =	sdelay $0x1  }
0x5f: {  	v3 =	vmul.u32 $0x5, v56;
	_ =	sdelay $0x1  }
0x60: {  	v2 =	vsub.s32 v55, v3  }
0x61: {  	vm11 =	vlt.s32 v57, v2  }
0x62: {  	v3 =	vsel vm11, v2, v57  }
0x63: {  	v58 =	vadd.s32 $0x1, v3  }
0x64: {  	v3 =	vmul.u32 v3, v58;
	_ =	sdelay $0x1  }
0x65: {  	v2 =	vsel vm11, v57, v2;
	v3 =	vshrl.u32 v3, $0x1  }
0x66: {  	v2 =	vadd.s32 v2, v3  }
0x67: {  	v3 =	vshll.u32 v2, $0x8  }
0x68: {  	v3 =	vor.u32 v3, v8  }
0x69: {  	v59 =	vadd.s32 $0xF20, v3  }
0x6a: {  	v3 =	vadd.s32 $0x20, v3  }
0x6b: {  	v60 =	vadd.s32 $0x10, v2;
	_ =	sdelay $0x1  }
0x6c: {  	s11 =	sadd.s32 $0x40, s5;
	v2 =	vld.idx.msk [tilespmem:v2+s4+$0x0], $0xffff  }
0x6d: {  	v61 =	vmov s11;
	v4 =	vld.idx.msk [tilespmem:v59+s4+$0x0], $0xffff  }
0x6e: {  	v62 =	vmulhi.u32 $0x333334, v61;
	v3 =	vld.idx.msk [tilespmem:v3+s4+$0x0], $0xffff  }
0x6f: {  	v63 =	vor.u32 s11, v0;
	v5 =	vld.idx.msk [tilespmem:v60+s4+$0x0], $0xffff  }
0x70: {  	v7 =	vshll.u32 v62, $0x8;
	v8 =	vand.u32 $0xCF, v63  }
0x71: {  	v7 =	vor.u32 v8, v7  }
0x72: {  	v7 =	vadd.s32 $0x1E20, v7;
	v4 =	vmul.f32 v4, v2  }
0x73: {  	v2 =	vmul.f32 v3, v2  }
0x74: {  	v11 =	vadd.f32 v4, v5  }
0x75: {  	[tilespmem:$0x22B0] =	vst v2  }
0x76: {  	v12 =	vshrl.u32 v61, $0x8;
	[tilespmem:$0x23F0] =	vst v11  }
0x77: {  	v13 =	vmulhi.u32 $0x33333334, v12;
	v14 =	vld.idx.msk [tilespmem:v7+s4+$0x0], $0xffff;
	_ =	sdelay $0x1  }
0x78: {  	v3 =	vmul.u32 $0x5, v13;
	_ =	sdelay $0x1  }
0x79: {  	v2 =	vsub.s32 v12, v3  }
0x7a: {  	vm12 =	vlt.s32 v14, v2  }
0x7b: {  	v3 =	vsel vm12, v2, v14  }
0x7c: {  	v15 =	vadd.s32 $0x1, v3  }
0x7d: {  	v3 =	vmul.u32 v3, v15;
	_ =	sdelay $0x1  }
0x7e: {  	v2 =	vsel vm12, v14, v2;
	v3 =	vshrl.u32 v3, $0x1  }
0x7f: {  	v2 =	vadd.s32 v2, v3  }
0x80: {  	v3 =	vshll.u32 v2, $0x8  }
0x81: {  	v16 =	vor.u32 s11, v1;
	v17 =	vor.u32 v8, v3  }
0x82: {  	v4 =	vand.u32 $0xEF, v16;
	v5 =	vadd.s32 $0xF20, v17  }
0x83: {  	v3 =	vor.u32 v3, v4  }
0x84: {  	v18 =	vadd.s32 $0x10, v2;
	_ =	sdelay $0x1  }
0x85: {  	s12 =	sadd.s32 $0x50, s5;
	v2 =	vld.idx.msk [tilespmem:v2+s4+$0x0], $0xffff  }
0x86: {  	v19 =	vmov s12;
	v5 =	vld.idx.msk [tilespmem:v5+s4+$0x0], $0xffff  }
0x87: {  	v20 =	vmulhi.u32 $0x333334, v19;
	v3 =	vld.idx.msk [tilespmem:v3+s4+$0x0], $0xffff  }
0x88: {  	v21 =	vor.u32 s12, v0;
	v4 =	vld.idx.msk [tilespmem:v18+s4+$0x0], $0xffff  }
0x89: {  	v7 =	vshll.u32 v20, $0x8;
	v8 =	vand.u32 $0xDF, v21  }
0x8a: {  	v7 =	vor.u32 v8, v7  }
0x8b: {  	v7 =	vadd.s32 $0x1E20, v7;
	v5 =	vmul.f32 v5, v2  }
0x8c: {  	v2 =	vmul.f32 v3, v2  }
0x8d: {  	v22 =	vadd.f32 v5, v4  }
0x8e: {  	[tilespmem:$0x22C0] =	vst v2  }
0x8f: {  	v23 =	vshrl.u32 v19, $0x8;
	[tilespmem:$0x2400] =	vst v22  }
0x90: {  	v24 =	vmulhi.u32 $0x33333334, v23;
	v25 =	vld.idx.msk [tilespmem:v7+s4+$0x0], $0xffff;
	_ =	sdelay $0x1  }
0x91: {  	v3 =	vmul.u32 $0x5, v24;
	_ =	sdelay $0x1  }
0x92: {  	v2 =	vsub.s32 v23, v3  }
0x93: {  	vm13 =	vlt.s32 v25, v2  }
0x94: {  	v3 =	vsel vm13, v2, v25  }
0x95: {  	v26 =	vadd.s32 $0x1, v3  }
0x96: {  	v3 =	vmul.u32 v3, v26;
	_ =	sdelay $0x1  }
0x97: {  	v2 =	vsel vm13, v25, v2;
	v3 =	vshrl.u32 v3, $0x1  }
0x98: {  	v2 =	vadd.s32 v2, v3  }
0x99: {  	v3 =	vshll.u32 v2, $0x8  }
0x9a: {  	v27 =	vor.u32 s12, v1;
	v28 =	vor.u32 v8, v3  }
0x9b: {  	v4 =	vand.u32 $0xFF, v27;
	v5 =	vadd.s32 $0xF20, v28  }
0x9c: {  	v3 =	vor.u32 v3, v4  }
0x9d: {  	v29 =	vadd.s32 $0x10, v2;
	_ =	sdelay $0x1  }
0x9e: {  	s13 =	sadd.s32 $0x60, s5;
	v2 =	vld.idx.msk [tilespmem:v2+s4+$0x0], $0xffff  }
0x9f: {  	v30 =	vmov s13;
	v5 =	vld.idx.msk [tilespmem:v5+s4+$0x0], $0xffff  }
0xa0: {  	v31 =	vmulhi.u32 $0x333334, v30;
	v3 =	vld.idx.msk [tilespmem:v3+s4+$0x0], $0xffff  }
0xa1: {  	v32 =	vor.u32 s13, v0;
	v4 =	vld.idx.msk [tilespmem:v29+s4+$0x0], $0xffff  }
0xa2: {  	v7 =	vshll.u32 v31, $0x8;
	v8 =	vand.u32 $0xEF, v32  }
0xa3: {  	v7 =	vor.u32 v7, v8  }
0xa4: {  	v7 =	vadd.s32 $0x1E20, v7;
	v5 =	vmul.f32 v5, v2  }
0xa5: {  	v2 =	vmul.f32 v3, v2  }
0xa6: {  	v33 =	vadd.f32 v5, v4  }
0xa7: {  	[tilespmem:$0x22D0] =	vst v2  }
0xa8: {  	v34 =	vshrl.u32 v30, $0x8;
	[tilespmem:$0x2410] =	vst v33  }
0xa9: {  	v35 =	vmulhi.u32 $0x33333334, v34;
	v36 =	vld.idx.msk [tilespmem:v7+s4+$0x0], $0xffff;
	_ =	sdelay $0x1  }
0xaa: {  	v3 =	vmul.u32 $0x5, v35;
	_ =	sdelay $0x1  }
0xab: {  	v2 =	vsub.s32 v34, v3  }
0xac: {  	vm14 =	vlt.s32 v36, v2  }
0xad: {  	v3 =	vsel vm14, v2, v36  }
0xae: {  	v37 =	vadd.s32 $0x1, v3  }
0xaf: {  	v3 =	vmul.u32 v3, v37;
	_ =	sdelay $0x1  }
0xb0: {  	v2 =	vsel vm14, v36, v2;
	v3 =	vshrl.u32 v3, $0x1  }
0xb1: {  	v2 =	vadd.s32 v2, v3  }
0xb2: {  	v3 =	vshll.u32 v2, $0x8  }
0xb3: {  	v3 =	vor.u32 v3, v8  }
0xb4: {  	v38 =	vadd.s32 $0xF20, v3  }
0xb5: {  	v3 =	vadd.s32 $0x20, v3  }
0xb6: {  	v39 =	vadd.s32 $0x10, v2;
	_ =	sdelay $0x1  }
0xb7: {  	s14 =	sadd.s32 $0x70, s5;
	v2 =	vld.idx.msk [tilespmem:v2+s4+$0x0], $0xffff  }
0xb8: {  	v40 =	vmov s14;
	v4 =	vld.idx.msk [tilespmem:v38+s4+$0x0], $0xffff  }
0xb9: {  	v41 =	vmulhi.u32 $0x333334, v40;
	v3 =	vld.idx.msk [tilespmem:v3+s4+$0x0], $0xffff  }
0xba: {  	v42 =	vor.u32 s14, v0;
	v5 =	vld.idx.msk [tilespmem:v39+s4+$0x0], $0xffff  }
0xbb: {  	v7 =	vshll.u32 v41, $0x8;
	v8 =	vand.u32 $0xFF, v42  }
0xbc: {  	v7 =	vor.u32 v7, v8  }
0xbd: {  	v7 =	vadd.s32 $0x1E20, v7;
	v4 =	vmul.f32 v4, v2  }
0xbe: {  	v2 =	vmul.f32 v3, v2  }
0xbf: {  	v43 =	vadd.f32 v4, v5  }
0xc0: {  	[tilespmem:$0x22E0] =	vst v2  }
0xc1: {  	v44 =	vshrl.u32 v40, $0x8;
	[tilespmem:$0x2420] =	vst v43  }
0xc2: {  	v45 =	vmulhi.u32 $0x33333334, v44;
	v46 =	vld.idx.msk [tilespmem:v7+s4+$0x0], $0xffff;
	_ =	sdelay $0x1  }
0xc3: {  	v3 =	vmul.u32 $0x5, v45;
	_ =	sdelay $0x1  }
0xc4: {  	v2 =	vsub.s32 v44, v3  }
0xc5: {  	vm15 =	vlt.s32 v46, v2  }
0xc6: {  	v3 =	vsel vm15, v2, v46  }
0xc7: {  	v47 =	vadd.s32 $0x1, v3  }
0xc8: {  	v3 =	vmul.u32 v3, v47;
	_ =	sdelay $0x1  }
0xc9: {  	v2 =	vsel vm15, v46, v2;
	v3 =	vshrl.u32 v3, $0x1  }
0xca: {  	v2 =	vadd.s32 v2, v3  }
0xcb: {  	v3 =	vshll.u32 v2, $0x8  }
0xcc: {  	v3 =	vor.u32 v3, v8  }
0xcd: {  	v48 =	vadd.s32 $0xF20, v3  }
0xce: {  	v3 =	vadd.s32 $0x20, v3  }
0xcf: {  	v49 =	vadd.s32 $0x10, v2;
	_ =	sdelay $0x1  }
0xd0: {  	s15 =	sadd.s32 $0x80, s5;
	v2 =	vld.idx.msk [tilespmem:v2+s4+$0x0], $0xffff  }
0xd1: {  	v50 =	vmov s15;
	v4 =	vld.idx.msk [tilespmem:v48+s4+$0x0], $0xffff  }
0xd2: {  	v51 =	vmulhi.u32 $0x333334, v50;
	v3 =	vld.idx.msk [tilespmem:v3+s4+$0x0], $0xffff  }
0xd3: {  	v52 =	vor.u32 s15, v0;
	v5 =	vld.idx.msk [tilespmem:v49+s4+$0x0], $0xffff  }
0xd4: {  	v7 =	vshll.u32 v51, $0x8;
	v8 =	vand.u32 $0xCF, v52  }
0xd5: {  	v7 =	vor.u32 v8, v7  }
0xd6: {  	v7 =	vadd.s32 $0x1E20, v7;
	v4 =	vmul.f32 v4, v2  }
0xd7: {  	v2 =	vmul.f32 v3, v2  }
0xd8: {  	v53 =	vadd.f32 v4, v5  }
0xd9: {  	[tilespmem:$0x22F0] =	vst v2  }
0xda: {  	v54 =	vshrl.u32 v50, $0x8;
	[tilespmem:$0x2430] =	vst v53  }
0xdb: {  	v55 =	vmulhi.u32 $0x33333334, v54;
	v56 =	vld.idx.msk [tilespmem:v7+s4+$0x0], $0xffff;
	_ =	sdelay $0x1  }
0xdc: {  	v3 =	vmul.u32 $0x5, v55;
	_ =	sdelay $0x1  }
0xdd: {  	v2 =	vsub.s32 v54, v3  }
0xde: {  	vm4 =	vlt.s32 v56, v2  }
0xdf: {  	v3 =	vsel vm4, v2, v56  }
0xe0: {  	v57 =	vadd.s32 $0x1, v3  }
0xe1: {  	v3 =	vmul.u32 v3, v57;
	_ =	sdelay $0x1  }
0xe2: {  	v2 =	vsel vm4, v56, v2;
	v3 =	vshrl.u32 v3, $0x1  }
0xe3: {  	v2 =	vadd.s32 v2, v3  }
0xe4: {  	v3 =	vshll.u32 v2, $0x8  }
0xe5: {  	v58 =	vor.u32 s15, v1;
	v59 =	vor.u32 v8, v3  }
0xe6: {  	v4 =	vand.u32 $0xEF, v58;
	v5 =	vadd.s32 $0xF20, v59  }
0xe7: {  	v3 =	vor.u32 v3, v4  }
0xe8: {  	v60 =	vadd.s32 $0x10, v2;
	_ =	sdelay $0x1  }
0xe9: {  	s16 =	sadd.s32 $0x90, s5;
	v2 =	vld.idx.msk [tilespmem:v2+s4+$0x0], $0xffff  }
0xea: {  	v61 =	vmov s16;
	v5 =	vld.idx.msk [tilespmem:v5+s4+$0x0], $0xffff  }
0xeb: {  	v62 =	vmulhi.u32 $0x333334, v61;
	v3 =	vld.idx.msk [tilespmem:v3+s4+$0x0], $0xffff  }
0xec: {  	v63 =	vor.u32 s16, v0;
	v4 =	vld.idx.msk [tilespmem:v60+s4+$0x0], $0xffff  }
0xed: {  	v7 =	vshll.u32 v62, $0x8;
	v8 =	vand.u32 $0xDF, v63  }
0xee: {  	v7 =	vor.u32 v8, v7  }
0xef: {  	v7 =	vadd.s32 $0x1E20, v7;
	v5 =	vmul.f32 v5, v2  }
0xf0: {  	v2 =	vmul.f32 v3, v2  }
0xf1: {  	v9 =	vadd.f32 v5, v4  }
0xf2: {  	[tilespmem:$0x2300] =	vst v2  }
0xf3: {  	v10 =	vshrl.u32 v61, $0x8;
	[tilespmem:$0x2440] =	vst v9  }
0xf4: {  	v11 =	vmulhi.u32 $0x33333334, v10;
	v12 =	vld.idx.msk [tilespmem:v7+s4+$0x0], $0xffff;
	_ =	sdelay $0x1  }
0xf5: {  	v3 =	vmul.u32 $0x5, v11;
	_ =	sdelay $0x1  }
0xf6: {  	v2 =	vsub.s32 v10, v3  }
0xf7: {  	vm5 =	vlt.s32 v12, v2  }
0xf8: {  	v3 =	vsel vm5, v2, v12  }
0xf9: {  	v13 =	vadd.s32 $0x1, v3  }
0xfa: {  	v3 =	vmul.u32 v3, v13;
	_ =	sdelay $0x1  }
0xfb: {  	v2 =	vsel vm5, v12, v2;
	v3 =	vshrl.u32 v3, $0x1  }
0xfc: {  	v2 =	vadd.s32 v2, v3  }
0xfd: {  	v3 =	vshll.u32 v2, $0x8  }
0xfe: {  	v14 =	vor.u32 s16, v1;
	v15 =	vor.u32 v8, v3  }
0xff: {  	v4 =	vand.u32 $0xFF, v14;
	v5 =	vadd.s32 $0xF20, v15  }
0x100: {  	v3 =	vor.u32 v3, v4  }
0x101: {  	v16 =	vadd.s32 $0x10, v2;
	_ =	sdelay $0x1  }
0x102: {  	s17 =	sadd.s32 $0xA0, s5;
	v2 =	vld.idx.msk [tilespmem:v2+s4+$0x0], $0xffff  }
0x103: {  	v17 =	vmov s17;
	v5 =	vld.idx.msk [tilespmem:v5+s4+$0x0], $0xffff  }
0x104: {  	v18 =	vmulhi.u32 $0x333334, v17;
	v3 =	vld.idx.msk [tilespmem:v3+s4+$0x0], $0xffff  }
0x105: {  	v19 =	vor.u32 s17, v0;
	v4 =	vld.idx.msk [tilespmem:v16+s4+$0x0], $0xffff  }
0x106: {  	v7 =	vshll.u32 v18, $0x8;
	v8 =	vand.u32 $0xEF, v19  }
0x107: {  	v7 =	vor.u32 v7, v8  }
0x108: {  	v7 =	vadd.s32 $0x1E20, v7;
	v5 =	vmul.f32 v5, v2  }
0x109: {  	v2 =	vmul.f32 v3, v2  }
0x10a: {  	v20 =	vadd.f32 v5, v4  }
0x10b: {  	[tilespmem:$0x2310] =	vst v2  }
0x10c: {  	v21 =	vshrl.u32 v17, $0x8;
	[tilespmem:$0x2450] =	vst v20  }
0x10d: {  	v22 =	vmulhi.u32 $0x33333334, v21;
	v23 =	vld.idx.msk [tilespmem:v7+s4+$0x0], $0xffff;
	_ =	sdelay $0x1  }
0x10e: {  	v3 =	vmul.u32 $0x5, v22;
	_ =	sdelay $0x1  }
0x10f: {  	v2 =	vsub.s32 v21, v3  }
0x110: {  	vm6 =	vlt.s32 v23, v2  }
0x111: {  	v3 =	vsel vm6, v2, v23  }
0x112: {  	v24 =	vadd.s32 $0x1, v3  }
0x113: {  	v3 =	vmul.u32 v3, v24;
	_ =	sdelay $0x1  }
0x114: {  	v2 =	vsel vm6, v23, v2;
	v3 =	vshrl.u32 v3, $0x1  }
0x115: {  	v2 =	vadd.s32 v2, v3  }
0x116: {  	v3 =	vshll.u32 v2, $0x8  }
0x117: {  	v3 =	vor.u32 v3, v8  }
0x118: {  	v25 =	vadd.s32 $0xF20, v3  }
0x119: {  	v3 =	vadd.s32 $0x20, v3  }
0x11a: {  	v26 =	vadd.s32 $0x10, v2;
	_ =	sdelay $0x1  }
0x11b: {  	s18 =	sadd.s32 $0xB0, s5;
	v2 =	vld.idx.msk [tilespmem:v2+s4+$0x0], $0xffff  }
0x11c: {  	v27 =	vmov s18;
	v4 =	vld.idx.msk [tilespmem:v25+s4+$0x0], $0xffff  }
0x11d: {  	v28 =	vmulhi.u32 $0x333334, v27;
	v3 =	vld.idx.msk [tilespmem:v3+s4+$0x0], $0xffff  }
0x11e: {  	v29 =	vor.u32 s18, v0;
	v5 =	vld.idx.msk [tilespmem:v26+s4+$0x0], $0xffff  }
0x11f: {  	v7 =	vshll.u32 v28, $0x8;
	v8 =	vand.u32 $0xFF, v29  }
0x120: {  	v7 =	vor.u32 v7, v8  }
0x121: {  	v7 =	vadd.s32 $0x1E20, v7;
	v4 =	vmul.f32 v4, v2  }
0x122: {  	v2 =	vmul.f32 v3, v2  }
0x123: {  	v30 =	vadd.f32 v4, v5  }
0x124: {  	[tilespmem:$0x2320] =	vst v2  }
0x125: {  	v31 =	vshrl.u32 v27, $0x8;
	[tilespmem:$0x2460] =	vst v30  }
0x126: {  	v32 =	vmulhi.u32 $0x33333334, v31;
	v33 =	vld.idx.msk [tilespmem:v7+s4+$0x0], $0xffff;
	_ =	sdelay $0x1  }
0x127: {  	v3 =	vmul.u32 $0x5, v32;
	_ =	sdelay $0x1  }
0x128: {  	v2 =	vsub.s32 v31, v3  }
0x129: {  	vm7 =	vlt.s32 v33, v2  }
0x12a: {  	v3 =	vsel vm7, v2, v33  }
0x12b: {  	v34 =	vadd.s32 $0x1, v3  }
0x12c: {  	v3 =	vmul.u32 v3, v34;
	_ =	sdelay $0x1  }
0x12d: {  	v2 =	vsel vm7, v33, v2;
	v3 =	vshrl.u32 v3, $0x1  }
0x12e: {  	v2 =	vadd.s32 v2, v3  }
0x12f: {  	v3 =	vshll.u32 v2, $0x8  }
0x130: {  	v3 =	vor.u32 v3, v8  }
0x131: {  	v35 =	vadd.s32 $0xF20, v3  }
0x132: {  	v3 =	vadd.s32 $0x20, v3  }
0x133: {  	v36 =	vadd.s32 $0x10, v2;
	_ =	sdelay $0x1  }
0x134: {  	s19 =	sadd.s32 $0xC0, s5;
	v2 =	vld.idx.msk [tilespmem:v2+s4+$0x0], $0xffff  }
0x135: {  	v37 =	vmov s19;
	v4 =	vld.idx.msk [tilespmem:v35+s4+$0x0], $0xffff  }
0x136: {  	v38 =	vmulhi.u32 $0x333334, v37;
	v3 =	vld.idx.msk [tilespmem:v3+s4+$0x0], $0xffff  }
0x137: {  	v39 =	vor.u32 s19, v0;
	v5 =	vld.idx.msk [tilespmem:v36+s4+$0x0], $0xffff  }
0x138: {  	v7 =	vshll.u32 v38, $0x8;
	v8 =	vand.u32 $0xCF, v39  }
0x139: {  	v7 =	vor.u32 v8, v7  }
0x13a: {  	v7 =	vadd.s32 $0x1E20, v7;
	v4 =	vmul.f32 v4, v2  }
0x13b: {  	v2 =	vmul.f32 v3, v2  }
0x13c: {  	v40 =	vadd.f32 v4, v5  }
0x13d: {  	[tilespmem:$0x2330] =	vst v2  }
0x13e: {  	v41 =	vshrl.u32 v37, $0x8;
	[tilespmem:$0x2470] =	vst v40  }
0x13f: {  	v42 =	vmulhi.u32 $0x33333334, v41;
	v43 =	vld.idx.msk [tilespmem:v7+s4+$0x0], $0xffff;
	_ =	sdelay $0x1  }
0x140: {  	v3 =	vmul.u32 $0x5, v42;
	_ =	sdelay $0x1  }
0x141: {  	v2 =	vsub.s32 v41, v3  }
0x142: {  	vm8 =	vlt.s32 v43, v2  }
0x143: {  	v3 =	vsel vm8, v2, v43  }
0x144: {  	v44 =	vadd.s32 $0x1, v3  }
0x145: {  	v3 =	vmul.u32 v3, v44;
	_ =	sdelay $0x1  }
0x146: {  	v2 =	vsel vm8, v43, v2;
	v3 =	vshrl.u32 v3, $0x1  }
0x147: {  	v2 =	vadd.s32 v2, v3  }
0x148: {  	v3 =	vshll.u32 v2, $0x8  }
0x149: {  	v45 =	vor.u32 s19, v1;
	v46 =	vor.u32 v8, v3  }
0x14a: {  	v4 =	vand.u32 $0xEF, v45;
	v5 =	vadd.s32 $0xF20, v46  }
0x14b: {  	v3 =	vor.u32 v3, v4  }
0x14c: {  	v47 =	vadd.s32 $0x10, v2;
	_ =	sdelay $0x1  }
0x14d: {  	s20 =	sadd.s32 $0xD0, s5;
	v2 =	vld.idx.msk [tilespmem:v2+s4+$0x0], $0xffff  }
0x14e: {  	v48 =	vmov s20;
	v5 =	vld.idx.msk [tilespmem:v5+s4+$0x0], $0xffff  }
0x14f: {  	v49 =	vmulhi.u32 $0x333334, v48;
	v3 =	vld.idx.msk [tilespmem:v3+s4+$0x0], $0xffff  }
0x150: {  	v50 =	vor.u32 s20, v0;
	v4 =	vld.idx.msk [tilespmem:v47+s4+$0x0], $0xffff  }
0x151: {  	v7 =	vshll.u32 v49, $0x8;
	v8 =	vand.u32 $0xDF, v50  }
0x152: {  	v7 =	vor.u32 v8, v7  }
0x153: {  	v7 =	vadd.s32 $0x1E20, v7;
	v5 =	vmul.f32 v5, v2  }
0x154: {  	v2 =	vmul.f32 v3, v2  }
0x155: {  	v51 =	vadd.f32 v5, v4  }
0x156: {  	[tilespmem:$0x2340] =	vst v2  }
0x157: {  	v52 =	vshrl.u32 v48, $0x8;
	[tilespmem:$0x2480] =	vst v51  }
0x158: {  	v53 =	vmulhi.u32 $0x33333334, v52;
	v54 =	vld.idx.msk [tilespmem:v7+s4+$0x0], $0xffff;
	_ =	sdelay $0x1  }
0x159: {  	v3 =	vmul.u32 $0x5, v53;
	_ =	sdelay $0x1  }
0x15a: {  	v2 =	vsub.s32 v52, v3  }
0x15b: {  	vm9 =	vlt.s32 v54, v2  }
0x15c: {  	v3 =	vsel vm9, v2, v54  }
0x15d: {  	v55 =	vadd.s32 $0x1, v3  }
0x15e: {  	v3 =	vmul.u32 v3, v55;
	_ =	sdelay $0x1  }
0x15f: {  	v2 =	vsel vm9, v54, v2;
	v3 =	vshrl.u32 v3, $0x1  }
0x160: {  	v2 =	vadd.s32 v2, v3  }
0x161: {  	v3 =	vshll.u32 v2, $0x8  }
0x162: {  	v56 =	vor.u32 s20, v1;
	v57 =	vor.u32 v8, v3  }
0x163: {  	v4 =	vand.u32 $0xFF, v56;
	v5 =	vadd.s32 $0xF20, v57  }
0x164: {  	v3 =	vor.u32 v3, v4  }
0x165: {  	v58 =	vadd.s32 $0x10, v2;
	_ =	sdelay $0x1  }
0x166: {  	s21 =	sadd.s32 $0xE0, s5;
	v2 =	vld.idx.msk [tilespmem:v2+s4+$0x0], $0xffff  }
0x167: {  	v59 =	vmov s21;
	v5 =	vld.idx.msk [tilespmem:v5+s4+$0x0], $0xffff  }
0x168: {  	v60 =	vmulhi.u32 $0x333334, v59;
	v3 =	vld.idx.msk [tilespmem:v3+s4+$0x0], $0xffff  }
0x169: {  	v61 =	vor.u32 s21, v0;
	v4 =	vld.idx.msk [tilespmem:v58+s4+$0x0], $0xffff  }
0x16a: {  	v7 =	vshll.u32 v60, $0x8;
	v8 =	vand.u32 $0xEF, v61  }
0x16b: {  	v7 =	vor.u32 v7, v8  }
0x16c: {  	v7 =	vadd.s32 $0x1E20, v7;
	v5 =	vmul.f32 v5, v2  }
0x16d: {  	v2 =	vmul.f32 v3, v2  }
0x16e: {  	v62 =	vadd.f32 v5, v4  }
0x16f: {  	[tilespmem:$0x2350] =	vst v2  }
0x170: {  	v63 =	vshrl.u32 v59, $0x8;
	[tilespmem:$0x2490] =	vst v62  }
0x171: {  	v9 =	vmulhi.u32 $0x33333334, v63;
	v10 =	vld.idx.msk [tilespmem:v7+s4+$0x0], $0xffff;
	_ =	sdelay $0x1  }
0x172: {  	v3 =	vmul.u32 $0x5, v9;
	_ =	sdelay $0x1  }
0x173: {  	v2 =	vsub.s32 v63, v3  }
0x174: {  	vm10 =	vlt.s32 v10, v2  }
0x175: {  	v3 =	vsel vm10, v2, v10  }
0x176: {  	v11 =	vadd.s32 $0x1, v3  }
0x177: {  	v3 =	vmul.u32 v3, v11;
	_ =	sdelay $0x1  }
0x178: {  	v2 =	vsel vm10, v10, v2;
	v3 =	vshrl.u32 v3, $0x1  }
0x179: {  	v2 =	vadd.s32 v2, v3  }
0x17a: {  	v3 =	vshll.u32 v2, $0x8  }
0x17b: {  	v3 =	vor.u32 v3, v8  }
0x17c: {  	v12 =	vadd.s32 $0xF20, v3  }
0x17d: {  	v3 =	vadd.s32 $0x20, v3  }
0x17e: {  	v13 =	vadd.s32 $0x10, v2;
	_ =	sdelay $0x1  }
0x17f: {  	s22 =	sadd.s32 $0xF0, s5;
	v2 =	vld.idx.msk [tilespmem:v2+s4+$0x0], $0xffff  }
0x180: {  	v14 =	vmov s22;
	v4 =	vld.idx.msk [tilespmem:v12+s4+$0x0], $0xffff  }
0x181: {  	v15 =	vmulhi.u32 $0x333334, v14;
	v3 =	vld.idx.msk [tilespmem:v3+s4+$0x0], $0xffff  }
0x182: {  	v16 =	vor.u32 s22, v0;
	v5 =	vld.idx.msk [tilespmem:v13+s4+$0x0], $0xffff  }
0x183: {  	v7 =	vshll.u32 v15, $0x8;
	v8 =	vand.u32 $0xFF, v16  }
0x184: {  	v7 =	vor.u32 v7, v8  }
0x185: {  	v7 =	vadd.s32 $0x1E20, v7;
	v4 =	vmul.f32 v4, v2  }
0x186: {  	v2 =	vmul.f32 v3, v2  }
0x187: {  	v17 =	vadd.f32 v4, v5  }
0x188: {  	[tilespmem:$0x2360] =	vst v2  }
0x189: {  	v18 =	vshrl.u32 v14, $0x8;
	[tilespmem:$0x24A0] =	vst v17  }
0x18a: {  	v19 =	vmulhi.u32 $0x33333334, v18;
	v20 =	vld.idx.msk [tilespmem:v7+s4+$0x0], $0xffff;
	_ =	sdelay $0x1  }
0x18b: {  	v3 =	vmul.u32 $0x5, v19;
	_ =	sdelay $0x1  }
0x18c: {  	v2 =	vsub.s32 v18, v3  }
0x18d: {  	vm11 =	vlt.s32 v20, v2  }
0x18e: {  	v3 =	vsel vm11, v2, v20  }
0x18f: {  	v21 =	vadd.s32 $0x1, v3  }
0x190: {  	v3 =	vmul.u32 v3, v21;
	_ =	sdelay $0x1  }
0x191: {  	v2 =	vsel vm11, v20, v2;
	v3 =	vshrl.u32 v3, $0x1  }
0x192: {  	v2 =	vadd.s32 v2, v3  }
0x193: {  	v3 =	vshll.u32 v2, $0x8  }
0x194: {  	v3 =	vor.u32 v3, v8  }
0x195: {  	v22 =	vadd.s32 $0xF20, v3  }
0x196: {  	v3 =	vadd.s32 $0x20, v3  }
0x197: {  	v23 =	vadd.s32 $0x10, v2;
	_ =	sdelay $0x1  }
0x198: {  	s23 =	sadd.s32 $0x100, s5;
	v2 =	vld.idx.msk [tilespmem:v2+s4+$0x0], $0xffff  }
0x199: {  	v24 =	vmov s23;
	v4 =	vld.idx.msk [tilespmem:v22+s4+$0x0], $0xffff  }
0x19a: {  	v25 =	vmulhi.u32 $0x333334, v24;
	v3 =	vld.idx.msk [tilespmem:v3+s4+$0x0], $0xffff  }
0x19b: {  	v26 =	vor.u32 s23, v0;
	v5 =	vld.idx.msk [tilespmem:v23+s4+$0x0], $0xffff  }
0x19c: {  	v7 =	vshll.u32 v25, $0x8;
	v8 =	vand.u32 $0xCF, v26  }
0x19d: {  	v7 =	vor.u32 v8, v7  }
0x19e: {  	v7 =	vadd.s32 $0x1E20, v7;
	v4 =	vmul.f32 v4, v2  }
0x19f: {  	v2 =	vmul.f32 v3, v2  }
0x1a0: {  	v27 =	vadd.f32 v4, v5  }
0x1a1: {  	[tilespmem:$0x2370] =	vst v2  }
0x1a2: {  	v28 =	vshrl.u32 v24, $0x8;
	[tilespmem:$0x24B0] =	vst v27  }
0x1a3: {  	v29 =	vmulhi.u32 $0x33333334, v28;
	v30 =	vld.idx.msk [tilespmem:v7+s4+$0x0], $0xffff;
	_ =	sdelay $0x1  }
0x1a4: {  	v3 =	vmul.u32 $0x5, v29;
	_ =	sdelay $0x1  }
0x1a5: {  	v2 =	vsub.s32 v28, v3  }
0x1a6: {  	vm12 =	vlt.s32 v30, v2  }
0x1a7: {  	v3 =	vsel vm12, v2, v30  }
0x1a8: {  	v31 =	vadd.s32 $0x1, v3  }
0x1a9: {  	v3 =	vmul.u32 v3, v31;
	_ =	sdelay $0x1  }
0x1aa: {  	v2 =	vsel vm12, v30, v2;
	v3 =	vshrl.u32 v3, $0x1  }
0x1ab: {  	v2 =	vadd.s32 v2, v3  }
0x1ac: {  	v3 =	vshll.u32 v2, $0x8  }
0x1ad: {  	v32 =	vor.u32 s23, v1;
	v33 =	vor.u32 v8, v3  }
0x1ae: {  	v4 =	vand.u32 $0xEF, v32;
	v5 =	vadd.s32 $0xF20, v33  }
0x1af: {  	v3 =	vor.u32 v3, v4  }
0x1b0: {  	v34 =	vadd.s32 $0x10, v2;
	_ =	sdelay $0x1  }
0x1b1: {  	s24 =	sadd.s32 $0x110, s5;
	v2 =	vld.idx.msk [tilespmem:v2+s4+$0x0], $0xffff  }
0x1b2: {  	v35 =	vmov s24;
	v5 =	vld.idx.msk [tilespmem:v5+s4+$0x0], $0xffff  }
0x1b3: {  	v36 =	vmulhi.u32 $0x333334, v35;
	v3 =	vld.idx.msk [tilespmem:v3+s4+$0x0], $0xffff  }
0x1b4: {  	v37 =	vor.u32 s24, v0;
	v4 =	vld.idx.msk [tilespmem:v34+s4+$0x0], $0xffff  }
0x1b5: {  	v7 =	vshll.u32 v36, $0x8;
	v8 =	vand.u32 $0xDF, v37  }
0x1b6: {  	v7 =	vor.u32 v8, v7  }
0x1b7: {  	v7 =	vadd.s32 $0x1E20, v7;
	v5 =	vmul.f32 v5, v2  }
0x1b8: {  	v2 =	vmul.f32 v3, v2  }
0x1b9: {  	v38 =	vadd.f32 v5, v4  }
0x1ba: {  	[tilespmem:$0x2380] =	vst v2  }
0x1bb: {  	v39 =	vshrl.u32 v35, $0x8;
	[tilespmem:$0x24C0] =	vst v38  }
0x1bc: {  	v40 =	vmulhi.u32 $0x33333334, v39;
	v41 =	vld.idx.msk [tilespmem:v7+s4+$0x0], $0xffff;
	_ =	sdelay $0x1  }
0x1bd: {  	v3 =	vmul.u32 $0x5, v40;
	_ =	sdelay $0x1  }
0x1be: {  	v2 =	vsub.s32 v39, v3  }
0x1bf: {  	vm13 =	vlt.s32 v41, v2  }
0x1c0: {  	v3 =	vsel vm13, v2, v41  }
0x1c1: {  	v42 =	vadd.s32 $0x1, v3  }
0x1c2: {  	v3 =	vmul.u32 v3, v42;
	_ =	sdelay $0x1  }
0x1c3: {  	v2 =	vsel vm13, v41, v2;
	v3 =	vshrl.u32 v3, $0x1  }
0x1c4: {  	v2 =	vadd.s32 v2, v3  }
0x1c5: {  	v3 =	vshll.u32 v2, $0x8  }
0x1c6: {  	v1 =	vor.u32 s24, v1;
	v43 =	vor.u32 v8, v3  }
0x1c7: {  	v1 =	vand.u32 $0xFF, v1;
	v4 =	vadd.s32 $0xF20, v43  }
0x1c8: {  	v1 =	vor.u32 v3, v1  }
0x1c9: {  	v44 =	vadd.s32 $0x10, v2;
	_ =	sdelay $0x1  }
0x1ca: {  	s25 =	sadd.s32 $0x120, s5;
	v2 =	vld.idx.msk [tilespmem:v2+s4+$0x0], $0xffff  }
0x1cb: {  	v45 =	vmov s25;
	v4 =	vld.idx.msk [tilespmem:v4+s4+$0x0], $0xffff  }
0x1cc: {  	v46 =	vmulhi.u32 $0x333334, v45;
	v1 =	vld.idx.msk [tilespmem:v1+s4+$0x0], $0xffff  }
0x1cd: {  	v47 =	vor.u32 s25, v0;
	v3 =	vld.idx.msk [tilespmem:v44+s4+$0x0], $0xffff  }
0x1ce: {  	v6 =	vshll.u32 v46, $0x8;
	v7 =	vand.u32 $0xEF, v47  }
0x1cf: {  	v6 =	vor.u32 v6, v7  }
0x1d0: {  	v6 =	vadd.s32 $0x1E20, v6;
	v4 =	vmul.f32 v4, v2  }
0x1d1: {  	v1 =	vmul.f32 v1, v2  }
0x1d2: {  	v48 =	vadd.f32 v4, v3  }
0x1d3: {  	[tilespmem:$0x2390] =	vst v1  }
0x1d4: {  	v49 =	vshrl.u32 v45, $0x8;
	[tilespmem:$0x24D0] =	vst v48  }
0x1d5: {  	v50 =	vmulhi.u32 $0x33333334, v49;
	v51 =	vld.idx.msk [tilespmem:v6+s4+$0x0], $0xffff;
	_ =	sdelay $0x1  }
0x1d6: {  	v2 =	vmul.u32 $0x5, v50;
	_ =	sdelay $0x1  }
0x1d7: {  	v1 =	vsub.s32 v49, v2  }
0x1d8: {  	vm14 =	vlt.s32 v51, v1  }
0x1d9: {  	v2 =	vsel vm14, v1, v51  }
0x1da: {  	v52 =	vadd.s32 $0x1, v2  }
0x1db: {  	v2 =	vmul.u32 v2, v52;
	_ =	sdelay $0x1  }
0x1dc: {  	v1 =	vsel vm14, v51, v1;
	v2 =	vshrl.u32 v2, $0x1  }
0x1dd: {  	v1 =	vadd.s32 v1, v2  }
0x1de: {  	v2 =	vshll.u32 v1, $0x8  }
0x1df: {  	v2 =	vor.u32 v2, v7  }
0x1e0: {  	v53 =	vadd.s32 $0xF20, v2  }
0x1e1: {  	v2 =	vadd.s32 $0x20, v2  }
0x1e2: {  	v54 =	vadd.s32 $0x10, v1;
	_ =	sdelay $0x1  }
0x1e3: {  	s5 =	sadd.s32 $0x130, s5;
	v1 =	vld.idx.msk [tilespmem:v1+s4+$0x0], $0xffff  }
0x1e4: {  	v55 =	vmov s5;
	v3 =	vld.idx.msk [tilespmem:v53+s4+$0x0], $0xffff  }
0x1e5: {  	v56 =	vmulhi.u32 $0x333334, v55;
	v2 =	vld.idx.msk [tilespmem:v2+s4+$0x0], $0xffff  }
0x1e6: {  	v0 =	vor.u32 s5, v0;
	v4 =	vld.idx.msk [tilespmem:v54+s4+$0x0], $0xffff  }
0x1e7: {  	v0 =	vand.u32 $0xFF, v0;
	v6 =	vshll.u32 v56, $0x8  }
0x1e8: {  	v6 =	vor.u32 v6, v0  }
0x1e9: {  	v6 =	vadd.s32 $0x1E20, v6;
	v3 =	vmul.f32 v3, v1  }
0x1ea: {  	v1 =	vmul.f32 v2, v1  }
0x1eb: {  	v57 =	vadd.f32 v3, v4  }
0x1ec: {  	[tilespmem:$0x23A0] =	vst v1  }
0x1ed: {  	v58 =	vshrl.u32 v55, $0x8;
	[tilespmem:$0x24E0] =	vst v57  }
0x1ee: {  	v59 =	vmulhi.u32 $0x33333334, v58;
	v60 =	vld.idx.msk [tilespmem:v6+s4+$0x0], $0xffff;
	_ =	sdelay $0x1  }
0x1ef: {  	v2 =	vmul.u32 $0x5, v59;
	_ =	sdelay $0x1  }
0x1f0: {  	v1 =	vsub.s32 v58, v2  }
0x1f1: {  	vm15 =	vlt.s32 v60, v1  }
0x1f2: {  	v2 =	vsel vm15, v1, v60  }
0x1f3: {  	v61 =	vadd.s32 $0x1, v2  }
0x1f4: {  	v2 =	vmul.u32 v2, v61;
	_ =	sdelay $0x1  }
0x1f5: {  	v1 =	vsel vm15, v60, v1;
	v2 =	vshrl.u32 v2, $0x1  }
0x1f6: {  	v1 =	vadd.s32 v1, v2  }
0x1f7: {  	v2 =	vshll.u32 v1, $0x8  }
0x1f8: {  	v0 =	vor.u32 v2, v0  }
0x1f9: {  	v2 =	vadd.s32 $0xF20, v0  }
0x1fa: {  	v0 =	vadd.s32 $0x20, v0  }
0x1fb: {  	v62 =	vadd.s32 $0x10, v1;
	_ =	sdelay $0x1  }
0x1fc: {  	v1 =	vld.idx.msk [tilespmem:v1+s4+$0x0], $0xffff  }
0x1fd: {  	v2 =	vld.idx.msk [tilespmem:v2+s4+$0x0], $0xffff  }
0x1fe: {  	v0 =	vld.idx.msk [tilespmem:v0+s4+$0x0], $0xffff  }
0x1ff: {  	v3 =	vld.idx.msk [tilespmem:v62+s4+$0x0], $0xffff;
	_ =	sdelay $0x1  }
0x200: {  	s26 =	sshrl.u32 s0, $0x3  }
0x201: {  	s28 =	sshll.u32 s0, $0x7;
	s4 =	smul.u32 $0x1400, s26;
	v2 =	vmul.f32 v2, v1  }
0x202: {  	s5 =	sand.u32 $0x380, s28;
	v0 =	vmul.f32 v0, v1  }
0x203: {  	s4 =	sor.u32 s5, s4;
	v63 =	vadd.f32 v2, v3  }
0x204: {  	s29 =	simm.s32 $0x80;
	s4 =	sshrl.u32 s4, $0x3;
	[tilespmem:$0x23B0] =	vst v0  }
0x205: {  	s30 =	simm.s32 $0x400;
	s31 =	simm.s32 $0x2280;
	s2 =	sadd.s32 s2, s4;
	[tilespmem:$0x24F0] =	vst v63  }
0x206: {  	[hbm4b:s2+s29] =	stream.strided.scatter [tilespmem:s31], [sflag:$0x1], $0x280, s30, s29, $0x38;
	[tilespmem:$0x2500] =	vst v63  }
0x207: {  	_ =	swait.ge [sflag:s8], $0x280  }
0x208: {  	[sflag:s8] =	ssyncset.done $0x0  }
0x209: {  	[sflag:s8] =	ssyncadd.s32 $0xFFFFFD80  }
0x20a: {  	_ =	sfence.sel $0x180000  }
0x20b: {  	[bflag:$0x0] =	sbarrier.arrive $0xFFFF  }
0x20c: {  	p0 =	sne.s32 s0, $0x0;
	_ =	strace $0x90000047  }
0x20d: {  	s0 =	sadd.s32 @!p0 $0x100000, s1;
	[bflag:$0x2] =	sbarrier.arrive $0xFFFF  }
0x20e: {  	[sflag:s0] =	ssyncadd.tile.s32 @!p0 $0x1;
	_ =	shalt  }
.Lfunc_end2:
_tile_overlayer_lowered:
.L_overlay_start_2:
0x20f: {  	(tag) =	ssettag $0x2  }
0x210: {  	s0 =	rddreg [dreg:$0x0];
	s2 =	stileid.u32  }
0x211: {  	s1 =	rddreg [dreg:$0x1];
	p0 =	sne.s32 s2, $0x0  }
0x212: {  	s3 =	rddreg [dreg:$0x2];
	[bflag:$0x3] =	sbarrier.arrive $0xFFFF;
	s2 =	simm.s32 @!p0 $0x1C02  }
0x213: {  	[timem:s3], [sflag:s2] =	dma.local @!p0 [hbm:s0], s1  }
0x214: {  	s0 =	simm.s32 @!p0 $0x2  }
0x215: {  	_ =	swait.ge @!p0 [sflag:s0], s1  }
0x216: {  	s1 =	ssub.s32 @!p0 $0x0, s1;
	[sflag:s0] =	ssyncset.done @!p0 $0x0  }
0x217: {  	[sflag:s0] =	ssyncadd.s32 @!p0 s1  }
0x218: {  	[bflag:$0x3] =	sbarrier.arrive $0xFFFF  }
0x219: {  	_ =	shalt  }

</sc_bundles>
